<compile_context>
chip_gen: v7x
topology: tpu7x:2x2x1
jax: 0.10.2.dev20260603
libtpu: 0.0.44.dev20260713+nightly
codegen_flags: <defaults>
</compile_context>

<pallas_src>
import functools

import jax
import jax.numpy as jnp
from jax import lax
from jax.experimental import pallas as pl
from jax.experimental.pallas import tpu as pltpu
from jax.experimental.pallas import tpu_sc as plsc

NUM_FIELDS = 26
VOCAB = 100
VOCAB_PAD = 128
EMB_DIM = 64
BATCH = 16384

NC = 2
NS = 16
NW = NC * NS
LANES = 16

BBLK = 512
NBLK = NUM_FIELDS * (BATCH // BBLK)
BPW = NBLK // NW
RPW = BPW * BBLK
TDS = EMB_DIM // 8

_mesh = plsc.VectorSubcoreMesh(
    core_axis_name="c", subcore_axis_name="s", num_cores=NC, num_subcores=NS
)


@functools.partial(
    pl.kernel,
    out_type=jax.ShapeDtypeStruct((NUM_FIELDS, EMB_DIM, BATCH), jnp.float32),
    mesh=_mesh,
    scratch_types=[
        pltpu.VMEM((RPW,), jnp.int32),
        pltpu.VMEM((2 * EMB_DIM * VOCAB_PAD,), jnp.float32),
        pltpu.VMEM((EMB_DIM, BBLK), jnp.float32),
        pltpu.VMEM((EMB_DIM, BBLK), jnp.float32),
        pltpu.SemaphoreType.DMA,
        pltpu.SemaphoreType.DMA,
    ],
    compiler_params=pltpu.CompilerParams(
        use_tc_tiling_on_sc=True, needs_layout_passes=False
    ),
)
def _emb_lookup(
    xt_hbm, tbl_hbm, out_hbm, raw_v, tbl_v, buf0_v, buf1_v, sem0, sem1,
):
    wid = lax.axis_index("s") * NC + lax.axis_index("c")
    g0 = wid * BPW
    f0 = g0 // (BATCH // BBLK)
    f1 = jnp.minimum(f0 + 1, NUM_FIELDS - 1)

    FSLICE = EMB_DIM * VOCAB_PAD
    stage = [
        pltpu.async_copy(xt_hbm.at[pl.ds(g0 * BBLK, RPW)], raw_v, sem0),
        pltpu.async_copy(
            tbl_hbm.at[pl.ds(f0 * FSLICE, FSLICE)], tbl_v.at[pl.ds(0, FSLICE)], sem1
        ),
        pltpu.async_copy(
            tbl_hbm.at[pl.ds(f1 * FSLICE, FSLICE)],
            tbl_v.at[pl.ds(FSLICE, FSLICE)],
            sem1,
        ),
    ]
    for cp in stage:
        cp.wait()

    bufs = (buf0_v, buf1_v)
    sems = (sem0, sem1)
    NBUF = len(bufs)

    def build_block(i, buf):
        g = g0 + i
        sel = g // (BATCH // BBLK) - f0
        tbase = sel * FSLICE
        idx = [raw_v[pl.ds(i * BBLK + bg * LANES, LANES)] for bg in range(BBLK // LANES)]

        @plsc.parallel_loop(0, EMB_DIM, step=1, unroll=2)
        def per_d4(dd):
            for u in range(1):
                d = dd + u
                base16 = jnp.full((LANES,), tbase + d * VOCAB_PAD, jnp.int32)
                for bg in range(BBLK // LANES):
                    buf[d, pl.ds(bg * LANES, LANES)] = plsc.load_gather(
                        tbl_v, [base16 + idx[bg]]
                    )

    def fire(i, buf, sem):
        g = g0 + i
        fld = g // (BATCH // BBLK)
        b0 = (g % (BATCH // BBLK)) * BBLK
        pltpu.async_copy(
            buf, out_hbm.at[fld, pl.ds(0, EMB_DIM), pl.ds(b0, BBLK)], sem
        )

    def drain(buf, sem):
        pltpu.make_async_copy(
            out_hbm.at[0, pl.ds(0, EMB_DIM), pl.ds(0, BBLK)], buf, sem
        ).wait()

    def ring(j, carry):
        for half in range(NBUF):
            i = j * NBUF + half

            @pl.when(j > 0)
            def _():
                drain(bufs[half], sems[half])

            build_block(i, bufs[half])
            fire(i, bufs[half], sems[half])
        return carry

    lax.fori_loop(0, BPW // NBUF, ring, 0)
    for half in range(NBUF):
        drain(bufs[half], sems[half])


def kernel(x_cat, tables):
    xt_flat = x_cat.astype(jnp.int32).T.reshape(-1)
    tbl = jnp.pad(
        tables.transpose(0, 2, 1), ((0, 0), (0, 0), (0, VOCAB_PAD - VOCAB))
    ).reshape(-1)
    out = _emb_lookup(xt_flat, tbl)
    return jnp.transpose(out, (2, 0, 1))

# --- scband reference (transcript-rebuilt; emitter-appended) ---
"""Pipeline reference for scband-cembedding-17970143166696 (READ-ONLY COPY).

The authoritative reference and input builder live on the scoring server;
editing this copy changes nothing except your own understanding.
"""

import jax, jax.numpy as jnp
import numpy as np

NUM_FIELDS = 26
VOCAB = 100
EMB_DIM = 64
BATCH = 16384


def setup_inputs(seed: int = 0) -> dict:
    key = jax.random.key(seed)
    k1, k2 = jax.random.split(key)
    x_cat = jax.random.randint(k1, (BATCH, NUM_FIELDS), 0, VOCAB)
    # One embedding table per categorical field, stacked: [NUM_FIELDS, VOCAB, EMB_DIM]
    tables = jax.random.normal(k2, (NUM_FIELDS, VOCAB, EMB_DIM), dtype=jnp.float32)
    return {"x_cat": x_cat, "tables": tables}


def reference(x_cat, tables):
    # Faithful translation of CEmbedding.forward:
    #   x = [emb_i(x_cat[:, i]) for i, emb_i in enumerate(self.embeddings)]
    #   return torch.stack(x, 1)
    xs = [jnp.take(tables[i], x_cat[:, i], axis=0) for i in range(NUM_FIELDS)]
    return jnp.stack(xs, axis=1)

if __name__ == "__main__":
    import jax
    _d = setup_inputs()
    print(jax.jit(kernel)(*tuple(_d.values())))

</pallas_src>

<mosaic_0001>
#map = affine_map<(d0, d1) -> (0)>
#map1 = affine_map<(d0, d1) -> (0, 0, 0)>
module attributes {stable_mosaic.version = 14 : i64} {
  func.func @_emb_lookup(%arg0: i32, %arg1: i32, %arg2: memref<425984xi32, #tpu.memory_space<hbm>>, %arg3: memref<212992xf32, #tpu.memory_space<hbm>>, %arg4: memref<26x64x16384xf32, #tpu.memory_space<hbm>>, %arg5: memref<13312xi32, #tpu.memory_space<vmem>>, %arg6: memref<16384xf32, #tpu.memory_space<vmem>>, %arg7: memref<64x512xf32, #tpu.memory_space<vmem>>, %arg8: memref<64x512xf32, #tpu.memory_space<vmem>>, %arg9: memref<!tpu.dma_semaphore, #tpu.memory_space<semaphore_mem>>, %arg10: memref<!tpu.dma_semaphore, #tpu.memory_space<semaphore_mem>>) attributes {dimension_semantics = [#tpu.dimension_semantics<core_parallel>, #tpu.dimension_semantics<subcore_parallel>], iteration_bounds = array<i64: 2, 16>, scalar_prefetch = 0 : i64, scratch_operands = 6 : i64, tpu.core_type = #tpu.core_type<sc_vector_subcore>, window_params = [{transform_indices = #map}, {transform_indices = #map}, {transform_indices = #map1}]} {
    %mul3A = arith.constant 2 : i32
    %mul3A_0 = arith.muli %arg1, %mul3A : i32
    %add3A = arith.addi %mul3A_0, %arg0 : i32
    %mul3A_1 = arith.constant 26 : i32
    %mul3A_2 = arith.muli %add3A, %mul3A_1 : i32
    %jit3A = arith.constant 32 : i32
    %div3A = arith.divsi %mul3A_2, %jit3A : i32
    %sign3A = arith.constant 0 : i32
    %sign3A_3 = arith.cmpi sgt, %mul3A_2, %sign3A : i32
    %sign3A_4 = arith.extui %sign3A_3 : i1 to i32
    %sign3A_5 = arith.constant 0 : i32
    %sign3A_6 = arith.cmpi slt, %mul3A_2, %sign3A_5 : i32
    %sign3A_7 = arith.extui %sign3A_6 : i1 to i32
    %sign3A_8 = arith.subi %sign3A_4, %sign3A_7 : i32
    %sign3A_9 = arith.constant 0 : i32
    %sign3A_10 = arith.cmpi sgt, %jit3A, %sign3A_9 : i32
    %sign3A_11 = arith.extui %sign3A_10 : i1 to i32
    %sign3A_12 = arith.constant 0 : i32
    %sign3A_13 = arith.cmpi slt, %jit3A, %sign3A_12 : i32
    %sign3A_14 = arith.extui %sign3A_13 : i1 to i32
    %sign3A_15 = arith.subi %sign3A_11, %sign3A_14 : i32
    %ne3A = arith.cmpi ne, %sign3A_8, %sign3A_15 : i32
    %rem3A = arith.remsi %mul3A_2, %jit3A : i32
    %ne3A_16 = arith.constant 0 : i32
    %ne3A_17 = arith.cmpi ne, %rem3A, %ne3A_16 : i32
    %and3A = arith.andi %ne3A, %ne3A_17 : i1
    %sub3A = arith.constant 1 : i32
    %sub3A_18 = arith.subi %div3A, %sub3A : i32
    %select_n3A = arith.select %and3A, %sub3A_18, %div3A : i32
    %add3A_19 = arith.constant 1 : i32
    %add3A_20 = arith.addi %select_n3A, %add3A_19 : i32
    %min3A = arith.constant 25 : i32
    %min3A_21 = arith.minsi %add3A_20, %min3A : i32
    %mul3A_22 = arith.constant 512 : i32
    %mul3A_23 = arith.muli %mul3A_2, %mul3A_22 : i32
    %dma_start3A = tpu.memref_slice %arg2[%mul3A_23] : memref<425984xi32, #tpu.memory_space<hbm>> -> memref<13312xi32, #tpu.memory_space<hbm>>
    %dma_start3A_24 = tpu.memref_slice %arg2[%mul3A_23] : memref<425984xi32, #tpu.memory_space<hbm>> -> memref<13312xi32, #tpu.memory_space<hbm>>
    tpu.enqueue_dma source(%dma_start3A_24 : memref<13312xi32, #tpu.memory_space<hbm>>) target(%arg5 : memref<13312xi32, #tpu.memory_space<vmem>>) target_semaphore(%arg9 : memref<!tpu.dma_semaphore, #tpu.memory_space<semaphore_mem>>)
    %mul3A_25 = arith.constant 8192 : i32
    %mul3A_26 = arith.muli %select_n3A, %mul3A_25 : i32
    %dma_start3A_27 = arith.constant 0 : i32
    %dma_start3A_28 = tpu.memref_slice %arg6[%dma_start3A_27] : memref<16384xf32, #tpu.memory_space<vmem>> -> memref<8192xf32, #tpu.memory_space<vmem>>
    %dma_start3A_29 = tpu.memref_slice %arg3[%mul3A_26] : memref<212992xf32, #tpu.memory_space<hbm>> -> memref<8192xf32, #tpu.memory_space<hbm>>
    %dma_start3A_30 = arith.constant 0 : i32
    %dma_start3A_31 = tpu.memref_slice %arg6[%dma_start3A_30] : memref<16384xf32, #tpu.memory_space<vmem>> -> memref<8192xf32, #tpu.memory_space<vmem>>
    %dma_start3A_32 = tpu.memref_slice %arg3[%mul3A_26] : memref<212992xf32, #tpu.memory_space<hbm>> -> memref<8192xf32, #tpu.memory_space<hbm>>
    tpu.enqueue_dma source(%dma_start3A_32 : memref<8192xf32, #tpu.memory_space<hbm>>) target(%dma_start3A_31 : memref<8192xf32, #tpu.memory_space<vmem>>) target_semaphore(%arg10 : memref<!tpu.dma_semaphore, #tpu.memory_space<semaphore_mem>>)
    %mul3A_33 = arith.constant 8192 : i32
    %mul3A_34 = arith.muli %min3A_21, %mul3A_33 : i32
    %dma_start3A_35 = arith.constant 8192 : i32
    %dma_start3A_36 = tpu.memref_slice %arg6[%dma_start3A_35] : memref<16384xf32, #tpu.memory_space<vmem>> -> memref<8192xf32, #tpu.memory_space<vmem>>
    %dma_start3A_37 = tpu.memref_slice %arg3[%mul3A_34] : memref<212992xf32, #tpu.memory_space<hbm>> -> memref<8192xf32, #tpu.memory_space<hbm>>
    %dma_start3A_38 = arith.constant 8192 : i32
    %dma_start3A_39 = tpu.memref_slice %arg6[%dma_start3A_38] : memref<16384xf32, #tpu.memory_space<vmem>> -> memref<8192xf32, #tpu.memory_space<vmem>>
    %dma_start3A_40 = tpu.memref_slice %arg3[%mul3A_34] : memref<212992xf32, #tpu.memory_space<hbm>> -> memref<8192xf32, #tpu.memory_space<hbm>>
    tpu.enqueue_dma source(%dma_start3A_40 : memref<8192xf32, #tpu.memory_space<hbm>>) target(%dma_start3A_39 : memref<8192xf32, #tpu.memory_space<vmem>>) target_semaphore(%arg10 : memref<!tpu.dma_semaphore, #tpu.memory_space<semaphore_mem>>)
    %dma_wait3A = tpu.memref_slice %arg2[%mul3A_23] : memref<425984xi32, #tpu.memory_space<hbm>> -> memref<13312xi32, #tpu.memory_space<hbm>>
    %dma_wait3A_41 = tpu.memref_slice %arg2[%mul3A_23] : memref<425984xi32, #tpu.memory_space<hbm>> -> memref<13312xi32, #tpu.memory_space<hbm>>
    tpu.wait_dma2 semaphore(%arg9 : memref<!tpu.dma_semaphore, #tpu.memory_space<semaphore_mem>>) src(%dma_wait3A_41 : memref<13312xi32, #tpu.memory_space<hbm>>) dst(%arg5 : memref<13312xi32, #tpu.memory_space<vmem>>)
    %dma_wait3A_42 = arith.constant 0 : i32
    %dma_wait3A_43 = tpu.memref_slice %arg6[%dma_wait3A_42] : memref<16384xf32, #tpu.memory_space<vmem>> -> memref<8192xf32, #tpu.memory_space<vmem>>
    %dma_wait3A_44 = tpu.memref_slice %arg3[%mul3A_26] : memref<212992xf32, #tpu.memory_space<hbm>> -> memref<8192xf32, #tpu.memory_space<hbm>>
    %dma_wait3A_45 = arith.constant 0 : i32
    %dma_wait3A_46 = tpu.memref_slice %arg6[%dma_wait3A_45] : memref<16384xf32, #tpu.memory_space<vmem>> -> memref<8192xf32, #tpu.memory_space<vmem>>
    %dma_wait3A_47 = tpu.memref_slice %arg3[%mul3A_26] : memref<212992xf32, #tpu.memory_space<hbm>> -> memref<8192xf32, #tpu.memory_space<hbm>>
    tpu.wait_dma2 semaphore(%arg10 : memref<!tpu.dma_semaphore, #tpu.memory_space<semaphore_mem>>) src(%dma_wait3A_47 : memref<8192xf32, #tpu.memory_space<hbm>>) dst(%dma_wait3A_46 : memref<8192xf32, #tpu.memory_space<vmem>>)
    %dma_wait3A_48 = arith.constant 8192 : i32
    %dma_wait3A_49 = tpu.memref_slice %arg6[%dma_wait3A_48] : memref<16384xf32, #tpu.memory_space<vmem>> -> memref<8192xf32, #tpu.memory_space<vmem>>
    %dma_wait3A_50 = tpu.memref_slice %arg3[%mul3A_34] : memref<212992xf32, #tpu.memory_space<hbm>> -> memref<8192xf32, #tpu.memory_space<hbm>>
    %dma_wait3A_51 = arith.constant 8192 : i32
    %dma_wait3A_52 = tpu.memref_slice %arg6[%dma_wait3A_51] : memref<16384xf32, #tpu.memory_space<vmem>> -> memref<8192xf32, #tpu.memory_space<vmem>>
    %dma_wait3A_53 = tpu.memref_slice %arg3[%mul3A_34] : memref<212992xf32, #tpu.memory_space<hbm>> -> memref<8192xf32, #tpu.memory_space<hbm>>
    tpu.wait_dma2 semaphore(%arg10 : memref<!tpu.dma_semaphore, #tpu.memory_space<semaphore_mem>>) src(%dma_wait3A_53 : memref<8192xf32, #tpu.memory_space<hbm>>) dst(%dma_wait3A_52 : memref<8192xf32, #tpu.memory_space<vmem>>)
    %scan3A = arith.constant 0 : i32
    %scan3A_54 = arith.constant 0 : i32
    %scan3A_55 = arith.constant 13 : i32
    %scan3A_56 = arith.addi %scan3A_54, %scan3A_55 : i32
    %scan3A_57 = arith.constant 1 : i32
    scf.for %scan3A_77 = %scan3A_54 to %scan3A_56 step %scan3A_57  : i32 {
      %mul3A_78 = arith.constant 2 : i32
      %mul3A_79 = arith.muli %scan3A_77, %mul3A_78 : i32
      %add3A_80 = arith.constant 0 : i32
      %add3A_81 = arith.addi %mul3A_79, %add3A_80 : i32
      %gt3A = arith.constant 0 : i32
      %gt3A_82 = arith.cmpi sgt, %scan3A_77, %gt3A : i32
      %convert_element_type3A = arith.extui %gt3A_82 : i1 to i32
      %cond3A = arith.constant 0 : i32
      %cond3A_83 = arith.cmpi ne, %convert_element_type3A, %cond3A : i32
      scf.if %cond3A_83 {
        %dma_wait3A_633 = arith.constant 0 : i32
        %dma_wait3A_634 = arith.constant 0 : i32
        %dma_wait3A_635 = arith.constant 0 : i32
        %dma_wait3A_636 = tpu.memref_slice %arg4[%dma_wait3A_633, %dma_wait3A_634, %dma_wait3A_635] : memref<26x64x16384xf32, #tpu.memory_space<hbm>> -> memref<1x64x512xf32, #tpu.memory_space<hbm>>
        %dma_wait3A_637 = tpu.memref_squeeze %dma_wait3A_636 : memref<1x64x512xf32, #tpu.memory_space<hbm>> -> memref<64x512xf32, #tpu.memory_space<hbm>>
        %dma_wait3A_638 = arith.constant 0 : i32
        %dma_wait3A_639 = arith.constant 0 : i32
        %dma_wait3A_640 = tpu.memref_slice %arg4[%dma_wait3A_633, %dma_wait3A_638, %dma_wait3A_639] : memref<26x64x16384xf32, #tpu.memory_space<hbm>> -> memref<1x64x512xf32, #tpu.memory_space<hbm>>
        %dma_wait3A_641 = tpu.memref_squeeze %dma_wait3A_640 : memref<1x64x512xf32, #tpu.memory_space<hbm>> -> memref<64x512xf32, #tpu.memory_space<hbm>>
        tpu.wait_dma2 semaphore(%arg9 : memref<!tpu.dma_semaphore, #tpu.memory_space<semaphore_mem>>) src(%dma_wait3A_641 : memref<64x512xf32, #tpu.memory_space<hbm>>) dst(%arg7 : memref<64x512xf32, #tpu.memory_space<vmem>>)
      } else {
      }
      %add3A_84 = arith.addi %mul3A_2, %add3A_81 : i32
      %jit3A_85 = arith.constant 32 : i32
      %div3A_86 = arith.divsi %add3A_84, %jit3A_85 : i32
      %sign3A_87 = arith.constant 0 : i32
      %sign3A_88 = arith.cmpi sgt, %add3A_84, %sign3A_87 : i32
      %sign3A_89 = arith.extui %sign3A_88 : i1 to i32
      %sign3A_90 = arith.constant 0 : i32
      %sign3A_91 = arith.cmpi slt, %add3A_84, %sign3A_90 : i32
      %sign3A_92 = arith.extui %sign3A_91 : i1 to i32
      %sign3A_93 = arith.subi %sign3A_89, %sign3A_92 : i32
      %sign3A_94 = arith.constant 0 : i32
      %sign3A_95 = arith.cmpi sgt, %jit3A_85, %sign3A_94 : i32
      %sign3A_96 = arith.extui %sign3A_95 : i1 to i32
      %sign3A_97 = arith.constant 0 : i32
      %sign3A_98 = arith.cmpi slt, %jit3A_85, %sign3A_97 : i32
      %sign3A_99 = arith.extui %sign3A_98 : i1 to i32
      %sign3A_100 = arith.subi %sign3A_96, %sign3A_99 : i32
      %ne3A_101 = arith.cmpi ne, %sign3A_93, %sign3A_100 : i32
      %rem3A_102 = arith.remsi %add3A_84, %jit3A_85 : i32
      %ne3A_103 = arith.constant 0 : i32
      %ne3A_104 = arith.cmpi ne, %rem3A_102, %ne3A_103 : i32
      %and3A_105 = arith.andi %ne3A_101, %ne3A_104 : i1
      %sub3A_106 = arith.constant 1 : i32
      %sub3A_107 = arith.subi %div3A_86, %sub3A_106 : i32
      %select_n3A_108 = arith.select %and3A_105, %sub3A_107, %div3A_86 : i32
      %sub3A_109 = arith.subi %select_n3A_108, %select_n3A : i32
      %mul3A_110 = arith.constant 8192 : i32
      %mul3A_111 = arith.muli %sub3A_109, %mul3A_110 : i32
      %mul3A_112 = arith.constant 512 : i32
      %mul3A_113 = arith.muli %add3A_81, %mul3A_112 : i32
      %add3A_114 = arith.constant 0 : i32
      %add3A_115 = arith.addi %mul3A_113, %add3A_114 : i32
      %get3A = arith.index_cast %add3A_115 : i32 to index
      %get3A_116 = tpu.vector_load %arg5[%get3A] {strides = array<i32>} : memref<13312xi32, #tpu.memory_space<vmem>>, vector<16xi32>,
      %mul3A_117 = arith.constant 512 : i32
      %mul3A_118 = arith.muli %add3A_81, %mul3A_117 : i32
      %add3A_119 = arith.constant 16 : i32
      %add3A_120 = arith.addi %mul3A_118, %add3A_119 : i32
      %get3A_121 = arith.index_cast %add3A_120 : i32 to index
      %get3A_122 = tpu.vector_load %arg5[%get3A_121] {strides = array<i32>} : memref<13312xi32, #tpu.memory_space<vmem>>, vector<16xi32>,
      %mul3A_123 = arith.constant 512 : i32
      %mul3A_124 = arith.muli %add3A_81, %mul3A_123 : i32
      %add3A_125 = arith.constant 32 : i32
      %add3A_126 = arith.addi %mul3A_124, %add3A_125 : i32
      %get3A_127 = arith.index_cast %add3A_126 : i32 to index
      %get3A_128 = tpu.vector_load %arg5[%get3A_127] {strides = array<i32>} : memref<13312xi32, #tpu.memory_space<vmem>>, vector<16xi32>,
      %mul3A_129 = arith.constant 512 : i32
      %mul3A_130 = arith.muli %add3A_81, %mul3A_129 : i32
      %add3A_131 = arith.constant 48 : i32
      %add3A_132 = arith.addi %mul3A_130, %add3A_131 : i32
      %get3A_133 = arith.index_cast %add3A_132 : i32 to index
      %get3A_134 = tpu.vector_load %arg5[%get3A_133] {strides = array<i32>} : memref<13312xi32, #tpu.memory_space<vmem>>, vector<16xi32>,
      %mul3A_135 = arith.constant 512 : i32
      %mul3A_136 = arith.muli %add3A_81, %mul3A_135 : i32
      %add3A_137 = arith.constant 64 : i32
      %add3A_138 = arith.addi %mul3A_136, %add3A_137 : i32
      %get3A_139 = arith.index_cast %add3A_138 : i32 to index
      %get3A_140 = tpu.vector_load %arg5[%get3A_139] {strides = array<i32>} : memref<13312xi32, #tpu.memory_space<vmem>>, vector<16xi32>,
      %mul3A_141 = arith.constant 512 : i32
      %mul3A_142 = arith.muli %add3A_81, %mul3A_141 : i32
      %add3A_143 = arith.constant 80 : i32
      %add3A_144 = arith.addi %mul3A_142, %add3A_143 : i32
      %get3A_145 = arith.index_cast %add3A_144 : i32 to index
      %get3A_146 = tpu.vector_load %arg5[%get3A_145] {strides = array<i32>} : memref<13312xi32, #tpu.memory_space<vmem>>, vector<16xi32>,
      %mul3A_147 = arith.constant 512 : i32
      %mul3A_148 = arith.muli %add3A_81, %mul3A_147 : i32
      %add3A_149 = arith.constant 96 : i32
      %add3A_150 = arith.addi %mul3A_148, %add3A_149 : i32
      %get3A_151 = arith.index_cast %add3A_150 : i32 to index
      %get3A_152 = tpu.vector_load %arg5[%get3A_151] {strides = array<i32>} : memref<13312xi32, #tpu.memory_space<vmem>>, vector<16xi32>,
      %mul3A_153 = arith.constant 512 : i32
      %mul3A_154 = arith.muli %add3A_81, %mul3A_153 : i32
      %add3A_155 = arith.constant 112 : i32
      %add3A_156 = arith.addi %mul3A_154, %add3A_155 : i32
      %get3A_157 = arith.index_cast %add3A_156 : i32 to index
      %get3A_158 = tpu.vector_load %arg5[%get3A_157] {strides = array<i32>} : memref<13312xi32, #tpu.memory_space<vmem>>, vector<16xi32>,
      %mul3A_159 = arith.constant 512 : i32
      %mul3A_160 = arith.muli %add3A_81, %mul3A_159 : i32
      %add3A_161 = arith.constant 128 : i32
      %add3A_162 = arith.addi %mul3A_160, %add3A_161 : i32
      %get3A_163 = arith.index_cast %add3A_162 : i32 to index
      %get3A_164 = tpu.vector_load %arg5[%get3A_163] {strides = array<i32>} : memref<13312xi32, #tpu.memory_space<vmem>>, vector<16xi32>,
      %mul3A_165 = arith.constant 512 : i32
      %mul3A_166 = arith.muli %add3A_81, %mul3A_165 : i32
      %add3A_167 = arith.constant 144 : i32
      %add3A_168 = arith.addi %mul3A_166, %add3A_167 : i32
      %get3A_169 = arith.index_cast %add3A_168 : i32 to index
      %get3A_170 = tpu.vector_load %arg5[%get3A_169] {strides = array<i32>} : memref<13312xi32, #tpu.memory_space<vmem>>, vector<16xi32>,
      %mul3A_171 = arith.constant 512 : i32
      %mul3A_172 = arith.muli %add3A_81, %mul3A_171 : i32
      %add3A_173 = arith.constant 160 : i32
      %add3A_174 = arith.addi %mul3A_172, %add3A_173 : i32
      %get3A_175 = arith.index_cast %add3A_174 : i32 to index
      %get3A_176 = tpu.vector_load %arg5[%get3A_175] {strides = array<i32>} : memref<13312xi32, #tpu.memory_space<vmem>>, vector<16xi32>,
      %mul3A_177 = arith.constant 512 : i32
      %mul3A_178 = arith.muli %add3A_81, %mul3A_177 : i32
      %add3A_179 = arith.constant 176 : i32
      %add3A_180 = arith.addi %mul3A_178, %add3A_179 : i32
      %get3A_181 = arith.index_cast %add3A_180 : i32 to index
      %get3A_182 = tpu.vector_load %arg5[%get3A_181] {strides = array<i32>} : memref<13312xi32, #tpu.memory_space<vmem>>, vector<16xi32>,
      %mul3A_183 = arith.constant 512 : i32
      %mul3A_184 = arith.muli %add3A_81, %mul3A_183 : i32
      %add3A_185 = arith.constant 192 : i32
      %add3A_186 = arith.addi %mul3A_184, %add3A_185 : i32
      %get3A_187 = arith.index_cast %add3A_186 : i32 to index
      %get3A_188 = tpu.vector_load %arg5[%get3A_187] {strides = array<i32>} : memref<13312xi32, #tpu.memory_space<vmem>>, vector<16xi32>,
      %mul3A_189 = arith.constant 512 : i32
      %mul3A_190 = arith.muli %add3A_81, %mul3A_189 : i32
      %add3A_191 = arith.constant 208 : i32
      %add3A_192 = arith.addi %mul3A_190, %add3A_191 : i32
      %get3A_193 = arith.index_cast %add3A_192 : i32 to index
      %get3A_194 = tpu.vector_load %arg5[%get3A_193] {strides = array<i32>} : memref<13312xi32, #tpu.memory_space<vmem>>, vector<16xi32>,
      %mul3A_195 = arith.constant 512 : i32
      %mul3A_196 = arith.muli %add3A_81, %mul3A_195 : i32
      %add3A_197 = arith.constant 224 : i32
      %add3A_198 = arith.addi %mul3A_196, %add3A_197 : i32
      %get3A_199 = arith.index_cast %add3A_198 : i32 to index
      %get3A_200 = tpu.vector_load %arg5[%get3A_199] {strides = array<i32>} : memref<13312xi32, #tpu.memory_space<vmem>>, vector<16xi32>,
      %mul3A_201 = arith.constant 512 : i32
      %mul3A_202 = arith.muli %add3A_81, %mul3A_201 : i32
      %add3A_203 = arith.constant 240 : i32
      %add3A_204 = arith.addi %mul3A_202, %add3A_203 : i32
      %get3A_205 = arith.index_cast %add3A_204 : i32 to index
      %get3A_206 = tpu.vector_load %arg5[%get3A_205] {strides = array<i32>} : memref<13312xi32, #tpu.memory_space<vmem>>, vector<16xi32>,
      %mul3A_207 = arith.constant 512 : i32
      %mul3A_208 = arith.muli %add3A_81, %mul3A_207 : i32
      %add3A_209 = arith.constant 256 : i32
      %add3A_210 = arith.addi %mul3A_208, %add3A_209 : i32
      %get3A_211 = arith.index_cast %add3A_210 : i32 to index
      %get3A_212 = tpu.vector_load %arg5[%get3A_211] {strides = array<i32>} : memref<13312xi32, #tpu.memory_space<vmem>>, vector<16xi32>,
      %mul3A_213 = arith.constant 512 : i32
      %mul3A_214 = arith.muli %add3A_81, %mul3A_213 : i32
      %add3A_215 = arith.constant 272 : i32
      %add3A_216 = arith.addi %mul3A_214, %add3A_215 : i32
      %get3A_217 = arith.index_cast %add3A_216 : i32 to index
      %get3A_218 = tpu.vector_load %arg5[%get3A_217] {strides = array<i32>} : memref<13312xi32, #tpu.memory_space<vmem>>, vector<16xi32>,
      %mul3A_219 = arith.constant 512 : i32
      %mul3A_220 = arith.muli %add3A_81, %mul3A_219 : i32
      %add3A_221 = arith.constant 288 : i32
      %add3A_222 = arith.addi %mul3A_220, %add3A_221 : i32
      %get3A_223 = arith.index_cast %add3A_222 : i32 to index
      %get3A_224 = tpu.vector_load %arg5[%get3A_223] {strides = array<i32>} : memref<13312xi32, #tpu.memory_space<vmem>>, vector<16xi32>,
      %mul3A_225 = arith.constant 512 : i32
      %mul3A_226 = arith.muli %add3A_81, %mul3A_225 : i32
      %add3A_227 = arith.constant 304 : i32
      %add3A_228 = arith.addi %mul3A_226, %add3A_227 : i32
      %get3A_229 = arith.index_cast %add3A_228 : i32 to index
      %get3A_230 = tpu.vector_load %arg5[%get3A_229] {strides = array<i32>} : memref<13312xi32, #tpu.memory_space<vmem>>, vector<16xi32>,
      %mul3A_231 = arith.constant 512 : i32
      %mul3A_232 = arith.muli %add3A_81, %mul3A_231 : i32
      %add3A_233 = arith.constant 320 : i32
      %add3A_234 = arith.addi %mul3A_232, %add3A_233 : i32
      %get3A_235 = arith.index_cast %add3A_234 : i32 to index
      %get3A_236 = tpu.vector_load %arg5[%get3A_235] {strides = array<i32>} : memref<13312xi32, #tpu.memory_space<vmem>>, vector<16xi32>,
      %mul3A_237 = arith.constant 512 : i32
      %mul3A_238 = arith.muli %add3A_81, %mul3A_237 : i32
      %add3A_239 = arith.constant 336 : i32
      %add3A_240 = arith.addi %mul3A_238, %add3A_239 : i32
      %get3A_241 = arith.index_cast %add3A_240 : i32 to index
      %get3A_242 = tpu.vector_load %arg5[%get3A_241] {strides = array<i32>} : memref<13312xi32, #tpu.memory_space<vmem>>, vector<16xi32>,
      %mul3A_243 = arith.constant 512 : i32
      %mul3A_244 = arith.muli %add3A_81, %mul3A_243 : i32
      %add3A_245 = arith.constant 352 : i32
      %add3A_246 = arith.addi %mul3A_244, %add3A_245 : i32
      %get3A_247 = arith.index_cast %add3A_246 : i32 to index
      %get3A_248 = tpu.vector_load %arg5[%get3A_247] {strides = array<i32>} : memref<13312xi32, #tpu.memory_space<vmem>>, vector<16xi32>,
      %mul3A_249 = arith.constant 512 : i32
      %mul3A_250 = arith.muli %add3A_81, %mul3A_249 : i32
      %add3A_251 = arith.constant 368 : i32
      %add3A_252 = arith.addi %mul3A_250, %add3A_251 : i32
      %get3A_253 = arith.index_cast %add3A_252 : i32 to index
      %get3A_254 = tpu.vector_load %arg5[%get3A_253] {strides = array<i32>} : memref<13312xi32, #tpu.memory_space<vmem>>, vector<16xi32>,
      %mul3A_255 = arith.constant 512 : i32
      %mul3A_256 = arith.muli %add3A_81, %mul3A_255 : i32
      %add3A_257 = arith.constant 384 : i32
      %add3A_258 = arith.addi %mul3A_256, %add3A_257 : i32
      %get3A_259 = arith.index_cast %add3A_258 : i32 to index
      %get3A_260 = tpu.vector_load %arg5[%get3A_259] {strides = array<i32>} : memref<13312xi32, #tpu.memory_space<vmem>>, vector<16xi32>,
      %mul3A_261 = arith.constant 512 : i32
      %mul3A_262 = arith.muli %add3A_81, %mul3A_261 : i32
      %add3A_263 = arith.constant 400 : i32
      %add3A_264 = arith.addi %mul3A_262, %add3A_263 : i32
      %get3A_265 = arith.index_cast %add3A_264 : i32 to index
      %get3A_266 = tpu.vector_load %arg5[%get3A_265] {strides = array<i32>} : memref<13312xi32, #tpu.memory_space<vmem>>, vector<16xi32>,
      %mul3A_267 = arith.constant 512 : i32
      %mul3A_268 = arith.muli %add3A_81, %mul3A_267 : i32
      %add3A_269 = arith.constant 416 : i32
      %add3A_270 = arith.addi %mul3A_268, %add3A_269 : i32
      %get3A_271 = arith.index_cast %add3A_270 : i32 to index
      %get3A_272 = tpu.vector_load %arg5[%get3A_271] {strides = array<i32>} : memref<13312xi32, #tpu.memory_space<vmem>>, vector<16xi32>,
      %mul3A_273 = arith.constant 512 : i32
      %mul3A_274 = arith.muli %add3A_81, %mul3A_273 : i32
      %add3A_275 = arith.constant 432 : i32
      %add3A_276 = arith.addi %mul3A_274, %add3A_275 : i32
      %get3A_277 = arith.index_cast %add3A_276 : i32 to index
      %get3A_278 = tpu.vector_load %arg5[%get3A_277] {strides = array<i32>} : memref<13312xi32, #tpu.memory_space<vmem>>, vector<16xi32>,
      %mul3A_279 = arith.constant 512 : i32
      %mul3A_280 = arith.muli %add3A_81, %mul3A_279 : i32
      %add3A_281 = arith.constant 448 : i32
      %add3A_282 = arith.addi %mul3A_280, %add3A_281 : i32
      %get3A_283 = arith.index_cast %add3A_282 : i32 to index
      %get3A_284 = tpu.vector_load %arg5[%get3A_283] {strides = array<i32>} : memref<13312xi32, #tpu.memory_space<vmem>>, vector<16xi32>,
      %mul3A_285 = arith.constant 512 : i32
      %mul3A_286 = arith.muli %add3A_81, %mul3A_285 : i32
      %add3A_287 = arith.constant 464 : i32
      %add3A_288 = arith.addi %mul3A_286, %add3A_287 : i32
      %get3A_289 = arith.index_cast %add3A_288 : i32 to index
      %get3A_290 = tpu.vector_load %arg5[%get3A_289] {strides = array<i32>} : memref<13312xi32, #tpu.memory_space<vmem>>, vector<16xi32>,
      %mul3A_291 = arith.constant 512 : i32
      %mul3A_292 = arith.muli %add3A_81, %mul3A_291 : i32
      %add3A_293 = arith.constant 480 : i32
      %add3A_294 = arith.addi %mul3A_292, %add3A_293 : i32
      %get3A_295 = arith.index_cast %add3A_294 : i32 to index
      %get3A_296 = tpu.vector_load %arg5[%get3A_295] {strides = array<i32>} : memref<13312xi32, #tpu.memory_space<vmem>>, vector<16xi32>,
      %mul3A_297 = arith.constant 512 : i32
      %mul3A_298 = arith.muli %add3A_81, %mul3A_297 : i32
      %add3A_299 = arith.constant 496 : i32
      %add3A_300 = arith.addi %mul3A_298, %add3A_299 : i32
      %get3A_301 = arith.index_cast %add3A_300 : i32 to index
      %get3A_302 = tpu.vector_load %arg5[%get3A_301] {strides = array<i32>} : memref<13312xi32, #tpu.memory_space<vmem>>, vector<16xi32>,
      %parallel_loop3A = arith.constant 0 : i32
      %parallel_loop3A_303 = arith.constant 64 : i32
      %parallel_loop3A_304 = arith.constant 1 : i32
      scf.for %parallel_loop3A_633 = %parallel_loop3A to %parallel_loop3A_303 step %parallel_loop3A_304  : i32 {
        %parallel_loop3A_634 = arith.constant 0 : i32
        %parallel_loop3A_635 = arith.addi %parallel_loop3A_633, %parallel_loop3A_634 : i32
        %parallel_loop3A_636 = arith.constant 128 : i32
        %parallel_loop3A_637 = arith.muli %parallel_loop3A_635, %parallel_loop3A_636 : i32
        %parallel_loop3A_638 = arith.addi %mul3A_111, %parallel_loop3A_637 : i32
        %parallel_loop3A_639 = vector.broadcast %parallel_loop3A_638 : i32 to vector<16xi32>
        %parallel_loop3A_640 = arith.addi %parallel_loop3A_639, %get3A_116 : vector<16xi32>
        %parallel_loop3A_641 = tpu.vector_load_idx %arg6[%parallel_loop3A_640] : memref<16384xf32, #tpu.memory_space<vmem>>[vector<16xi32>], vector<16xf32>,
        %parallel_loop3A_642 = arith.index_cast %parallel_loop3A_635 : i32 to index
        %parallel_loop3A_643 = arith.constant 0 : index
        %parallel_loop3A_644 = tpu.vector_load %arg7[%parallel_loop3A_642, %parallel_loop3A_643] {strides = array<i32>} : memref<64x512xf32, #tpu.memory_space<vmem>>, vector<16xf32>,
        tpu.vector_store %arg7[%parallel_loop3A_642, %parallel_loop3A_643], %parallel_loop3A_641 {strides = array<i32>} : memref<64x512xf32, #tpu.memory_space<vmem>>, vector<16xf32>,
        %parallel_loop3A_645 = arith.addi %parallel_loop3A_639, %get3A_122 : vector<16xi32>
        %parallel_loop3A_646 = tpu.vector_load_idx %arg6[%parallel_loop3A_645] : memref<16384xf32, #tpu.memory_space<vmem>>[vector<16xi32>], vector<16xf32>,
        %parallel_loop3A_647 = arith.index_cast %parallel_loop3A_635 : i32 to index
        %parallel_loop3A_648 = arith.constant 16 : index
        %parallel_loop3A_649 = tpu.vector_load %arg7[%parallel_loop3A_647, %parallel_loop3A_648] {strides = array<i32>} : memref<64x512xf32, #tpu.memory_space<vmem>>, vector<16xf32>,
        tpu.vector_store %arg7[%parallel_loop3A_647, %parallel_loop3A_648], %parallel_loop3A_646 {strides = array<i32>} : memref<64x512xf32, #tpu.memory_space<vmem>>, vector<16xf32>,
        %parallel_loop3A_650 = arith.addi %parallel_loop3A_639, %get3A_128 : vector<16xi32>
        %parallel_loop3A_651 = tpu.vector_load_idx %arg6[%parallel_loop3A_650] : memref<16384xf32, #tpu.memory_space<vmem>>[vector<16xi32>], vector<16xf32>,
        %parallel_loop3A_652 = arith.index_cast %parallel_loop3A_635 : i32 to index
        %parallel_loop3A_653 = arith.constant 32 : index
        %parallel_loop3A_654 = tpu.vector_load %arg7[%parallel_loop3A_652, %parallel_loop3A_653] {strides = array<i32>} : memref<64x512xf32, #tpu.memory_space<vmem>>, vector<16xf32>,
        tpu.vector_store %arg7[%parallel_loop3A_652, %parallel_loop3A_653], %parallel_loop3A_651 {strides = array<i32>} : memref<64x512xf32, #tpu.memory_space<vmem>>, vector<16xf32>,
        %parallel_loop3A_655 = arith.addi %parallel_loop3A_639, %get3A_134 : vector<16xi32>
        %parallel_loop3A_656 = tpu.vector_load_idx %arg6[%parallel_loop3A_655] : memref<16384xf32, #tpu.memory_space<vmem>>[vector<16xi32>], vector<16xf32>,
        %parallel_loop3A_657 = arith.index_cast %parallel_loop3A_635 : i32 to index
        %parallel_loop3A_658 = arith.constant 48 : index
        %parallel_loop3A_659 = tpu.vector_load %arg7[%parallel_loop3A_657, %parallel_loop3A_658] {strides = array<i32>} : memref<64x512xf32, #tpu.memory_space<vmem>>, vector<16xf32>,
        tpu.vector_store %arg7[%parallel_loop3A_657, %parallel_loop3A_658], %parallel_loop3A_656 {strides = array<i32>} : memref<64x512xf32, #tpu.memory_space<vmem>>, vector<16xf32>,
        %parallel_loop3A_660 = arith.addi %parallel_loop3A_639, %get3A_140 : vector<16xi32>
        %parallel_loop3A_661 = tpu.vector_load_idx %arg6[%parallel_loop3A_660] : memref<16384xf32, #tpu.memory_space<vmem>>[vector<16xi32>], vector<16xf32>,
        %parallel_loop3A_662 = arith.index_cast %parallel_loop3A_635 : i32 to index
        %parallel_loop3A_663 = arith.constant 64 : index
        %parallel_loop3A_664 = tpu.vector_load %arg7[%parallel_loop3A_662, %parallel_loop3A_663] {strides = array<i32>} : memref<64x512xf32, #tpu.memory_space<vmem>>, vector<16xf32>,
        tpu.vector_store %arg7[%parallel_loop3A_662, %parallel_loop3A_663], %parallel_loop3A_661 {strides = array<i32>} : memref<64x512xf32, #tpu.memory_space<vmem>>, vector<16xf32>,
        %parallel_loop3A_665 = arith.addi %parallel_loop3A_639, %get3A_146 : vector<16xi32>
        %parallel_loop3A_666 = tpu.vector_load_idx %arg6[%parallel_loop3A_665] : memref<16384xf32, #tpu.memory_space<vmem>>[vector<16xi32>], vector<16xf32>,
        %parallel_loop3A_667 = arith.index_cast %parallel_loop3A_635 : i32 to index
        %parallel_loop3A_668 = arith.constant 80 : index
        %parallel_loop3A_669 = tpu.vector_load %arg7[%parallel_loop3A_667, %parallel_loop3A_668] {strides = array<i32>} : memref<64x512xf32, #tpu.memory_space<vmem>>, vector<16xf32>,
        tpu.vector_store %arg7[%parallel_loop3A_667, %parallel_loop3A_668], %parallel_loop3A_666 {strides = array<i32>} : memref<64x512xf32, #tpu.memory_space<vmem>>, vector<16xf32>,
        %parallel_loop3A_670 = arith.addi %parallel_loop3A_639, %get3A_152 : vector<16xi32>
        %parallel_loop3A_671 = tpu.vector_load_idx %arg6[%parallel_loop3A_670] : memref<16384xf32, #tpu.memory_space<vmem>>[vector<16xi32>], vector<16xf32>,
        %parallel_loop3A_672 = arith.index_cast %parallel_loop3A_635 : i32 to index
        %parallel_loop3A_673 = arith.constant 96 : index
        %parallel_loop3A_674 = tpu.vector_load %arg7[%parallel_loop3A_672, %parallel_loop3A_673] {strides = array<i32>} : memref<64x512xf32, #tpu.memory_space<vmem>>, vector<16xf32>,
        tpu.vector_store %arg7[%parallel_loop3A_672, %parallel_loop3A_673], %parallel_loop3A_671 {strides = array<i32>} : memref<64x512xf32, #tpu.memory_space<vmem>>, vector<16xf32>,
        %parallel_loop3A_675 = arith.addi %parallel_loop3A_639, %get3A_158 : vector<16xi32>
        %parallel_loop3A_676 = tpu.vector_load_idx %arg6[%parallel_loop3A_675] : memref<16384xf32, #tpu.memory_space<vmem>>[vector<16xi32>], vector<16xf32>,
        %parallel_loop3A_677 = arith.index_cast %parallel_loop3A_635 : i32 to index
        %parallel_loop3A_678 = arith.constant 112 : index
        %parallel_loop3A_679 = tpu.vector_load %arg7[%parallel_loop3A_677, %parallel_loop3A_678] {strides = array<i32>} : memref<64x512xf32, #tpu.memory_space<vmem>>, vector<16xf32>,
        tpu.vector_store %arg7[%parallel_loop3A_677, %parallel_loop3A_678], %parallel_loop3A_676 {strides = array<i32>} : memref<64x512xf32, #tpu.memory_space<vmem>>, vector<16xf32>,
        %parallel_loop3A_680 = arith.addi %parallel_loop3A_639, %get3A_164 : vector<16xi32>
        %parallel_loop3A_681 = tpu.vector_load_idx %arg6[%parallel_loop3A_680] : memref<16384xf32, #tpu.memory_space<vmem>>[vector<16xi32>], vector<16xf32>,
        %parallel_loop3A_682 = arith.index_cast %parallel_loop3A_635 : i32 to index
        %parallel_loop3A_683 = arith.constant 128 : index
        %parallel_loop3A_684 = tpu.vector_load %arg7[%parallel_loop3A_682, %parallel_loop3A_683] {strides = array<i32>} : memref<64x512xf32, #tpu.memory_space<vmem>>, vector<16xf32>,
        tpu.vector_store %arg7[%parallel_loop3A_682, %parallel_loop3A_683], %parallel_loop3A_681 {strides = array<i32>} : memref<64x512xf32, #tpu.memory_space<vmem>>, vector<16xf32>,
        %parallel_loop3A_685 = arith.addi %parallel_loop3A_639, %get3A_170 : vector<16xi32>
        %parallel_loop3A_686 = tpu.vector_load_idx %arg6[%parallel_loop3A_685] : memref<16384xf32, #tpu.memory_space<vmem>>[vector<16xi32>], vector<16xf32>,
        %parallel_loop3A_687 = arith.index_cast %parallel_loop3A_635 : i32 to index
        %parallel_loop3A_688 = arith.constant 144 : index
        %parallel_loop3A_689 = tpu.vector_load %arg7[%parallel_loop3A_687, %parallel_loop3A_688] {strides = array<i32>} : memref<64x512xf32, #tpu.memory_space<vmem>>, vector<16xf32>,
        tpu.vector_store %arg7[%parallel_loop3A_687, %parallel_loop3A_688], %parallel_loop3A_686 {strides = array<i32>} : memref<64x512xf32, #tpu.memory_space<vmem>>, vector<16xf32>,
        %parallel_loop3A_690 = arith.addi %parallel_loop3A_639, %get3A_176 : vector<16xi32>
        %parallel_loop3A_691 = tpu.vector_load_idx %arg6[%parallel_loop3A_690] : memref<16384xf32, #tpu.memory_space<vmem>>[vector<16xi32>], vector<16xf32>,
        %parallel_loop3A_692 = arith.index_cast %parallel_loop3A_635 : i32 to index
        %parallel_loop3A_693 = arith.constant 160 : index
        %parallel_loop3A_694 = tpu.vector_load %arg7[%parallel_loop3A_692, %parallel_loop3A_693] {strides = array<i32>} : memref<64x512xf32, #tpu.memory_space<vmem>>, vector<16xf32>,
        tpu.vector_store %arg7[%parallel_loop3A_692, %parallel_loop3A_693], %parallel_loop3A_691 {strides = array<i32>} : memref<64x512xf32, #tpu.memory_space<vmem>>, vector<16xf32>,
        %parallel_loop3A_695 = arith.addi %parallel_loop3A_639, %get3A_182 : vector<16xi32>
        %parallel_loop3A_696 = tpu.vector_load_idx %arg6[%parallel_loop3A_695] : memref<16384xf32, #tpu.memory_space<vmem>>[vector<16xi32>], vector<16xf32>,
        %parallel_loop3A_697 = arith.index_cast %parallel_loop3A_635 : i32 to index
        %parallel_loop3A_698 = arith.constant 176 : index
        %parallel_loop3A_699 = tpu.vector_load %arg7[%parallel_loop3A_697, %parallel_loop3A_698] {strides = array<i32>} : memref<64x512xf32, #tpu.memory_space<vmem>>, vector<16xf32>,
        tpu.vector_store %arg7[%parallel_loop3A_697, %parallel_loop3A_698], %parallel_loop3A_696 {strides = array<i32>} : memref<64x512xf32, #tpu.memory_space<vmem>>, vector<16xf32>,
        %parallel_loop3A_700 = arith.addi %parallel_loop3A_639, %get3A_188 : vector<16xi32>
        %parallel_loop3A_701 = tpu.vector_load_idx %arg6[%parallel_loop3A_700] : memref<16384xf32, #tpu.memory_space<vmem>>[vector<16xi32>], vector<16xf32>,
        %parallel_loop3A_702 = arith.index_cast %parallel_loop3A_635 : i32 to index
        %parallel_loop3A_703 = arith.constant 192 : index
        %parallel_loop3A_704 = tpu.vector_load %arg7[%parallel_loop3A_702, %parallel_loop3A_703] {strides = array<i32>} : memref<64x512xf32, #tpu.memory_space<vmem>>, vector<16xf32>,
        tpu.vector_store %arg7[%parallel_loop3A_702, %parallel_loop3A_703], %parallel_loop3A_701 {strides = array<i32>} : memref<64x512xf32, #tpu.memory_space<vmem>>, vector<16xf32>,
        %parallel_loop3A_705 = arith.addi %parallel_loop3A_639, %get3A_194 : vector<16xi32>
        %parallel_loop3A_706 = tpu.vector_load_idx %arg6[%parallel_loop3A_705] : memref<16384xf32, #tpu.memory_space<vmem>>[vector<16xi32>], vector<16xf32>,
        %parallel_loop3A_707 = arith.index_cast %parallel_loop3A_635 : i32 to index
        %parallel_loop3A_708 = arith.constant 208 : index
        %parallel_loop3A_709 = tpu.vector_load %arg7[%parallel_loop3A_707, %parallel_loop3A_708] {strides = array<i32>} : memref<64x512xf32, #tpu.memory_space<vmem>>, vector<16xf32>,
        tpu.vector_store %arg7[%parallel_loop3A_707, %parallel_loop3A_708], %parallel_loop3A_706 {strides = array<i32>} : memref<64x512xf32, #tpu.memory_space<vmem>>, vector<16xf32>,
        %parallel_loop3A_710 = arith.addi %parallel_loop3A_639, %get3A_200 : vector<16xi32>
        %parallel_loop3A_711 = tpu.vector_load_idx %arg6[%parallel_loop3A_710] : memref<16384xf32, #tpu.memory_space<vmem>>[vector<16xi32>], vector<16xf32>,
        %parallel_loop3A_712 = arith.index_cast %parallel_loop3A_635 : i32 to index
        %parallel_loop3A_713 = arith.constant 224 : index
        %parallel_loop3A_714 = tpu.vector_load %arg7[%parallel_loop3A_712, %parallel_loop3A_713] {strides = array<i32>} : memref<64x512xf32, #tpu.memory_space<vmem>>, vector<16xf32>,
        tpu.vector_store %arg7[%parallel_loop3A_712, %parallel_loop3A_713], %parallel_loop3A_711 {strides = array<i32>} : memref<64x512xf32, #tpu.memory_space<vmem>>, vector<16xf32>,
        %parallel_loop3A_715 = arith.addi %parallel_loop3A_639, %get3A_206 : vector<16xi32>
        %parallel_loop3A_716 = tpu.vector_load_idx %arg6[%parallel_loop3A_715] : memref<16384xf32, #tpu.memory_space<vmem>>[vector<16xi32>], vector<16xf32>,
        %parallel_loop3A_717 = arith.index_cast %parallel_loop3A_635 : i32 to index
        %parallel_loop3A_718 = arith.constant 240 : index
        %parallel_loop3A_719 = tpu.vector_load %arg7[%parallel_loop3A_717, %parallel_loop3A_718] {strides = array<i32>} : memref<64x512xf32, #tpu.memory_space<vmem>>, vector<16xf32>,
        tpu.vector_store %arg7[%parallel_loop3A_717, %parallel_loop3A_718], %parallel_loop3A_716 {strides = array<i32>} : memref<64x512xf32, #tpu.memory_space<vmem>>, vector<16xf32>,
        %parallel_loop3A_720 = arith.addi %parallel_loop3A_639, %get3A_212 : vector<16xi32>
        %parallel_loop3A_721 = tpu.vector_load_idx %arg6[%parallel_loop3A_720] : memref<16384xf32, #tpu.memory_space<vmem>>[vector<16xi32>], vector<16xf32>,
        %parallel_loop3A_722 = arith.index_cast %parallel_loop3A_635 : i32 to index
        %parallel_loop3A_723 = arith.constant 256 : index
        %parallel_loop3A_724 = tpu.vector_load %arg7[%parallel_loop3A_722, %parallel_loop3A_723] {strides = array<i32>} : memref<64x512xf32, #tpu.memory_space<vmem>>, vector<16xf32>,
        tpu.vector_store %arg7[%parallel_loop3A_722, %parallel_loop3A_723], %parallel_loop3A_721 {strides = array<i32>} : memref<64x512xf32, #tpu.memory_space<vmem>>, vector<16xf32>,
        %parallel_loop3A_725 = arith.addi %parallel_loop3A_639, %get3A_218 : vector<16xi32>
        %parallel_loop3A_726 = tpu.vector_load_idx %arg6[%parallel_loop3A_725] : memref<16384xf32, #tpu.memory_space<vmem>>[vector<16xi32>], vector<16xf32>,
        %parallel_loop3A_727 = arith.index_cast %parallel_loop3A_635 : i32 to index
        %parallel_loop3A_728 = arith.constant 272 : index
        %parallel_loop3A_729 = tpu.vector_load %arg7[%parallel_loop3A_727, %parallel_loop3A_728] {strides = array<i32>} : memref<64x512xf32, #tpu.memory_space<vmem>>, vector<16xf32>,
        tpu.vector_store %arg7[%parallel_loop3A_727, %parallel_loop3A_728], %parallel_loop3A_726 {strides = array<i32>} : memref<64x512xf32, #tpu.memory_space<vmem>>, vector<16xf32>,
        %parallel_loop3A_730 = arith.addi %parallel_loop3A_639, %get3A_224 : vector<16xi32>
        %parallel_loop3A_731 = tpu.vector_load_idx %arg6[%parallel_loop3A_730] : memref<16384xf32, #tpu.memory_space<vmem>>[vector<16xi32>], vector<16xf32>,
        %parallel_loop3A_732 = arith.index_cast %parallel_loop3A_635 : i32 to index
        %parallel_loop3A_733 = arith.constant 288 : index
        %parallel_loop3A_734 = tpu.vector_load %arg7[%parallel_loop3A_732, %parallel_loop3A_733] {strides = array<i32>} : memref<64x512xf32, #tpu.memory_space<vmem>>, vector<16xf32>,
        tpu.vector_store %arg7[%parallel_loop3A_732, %parallel_loop3A_733], %parallel_loop3A_731 {strides = array<i32>} : memref<64x512xf32, #tpu.memory_space<vmem>>, vector<16xf32>,
        %parallel_loop3A_735 = arith.addi %parallel_loop3A_639, %get3A_230 : vector<16xi32>
        %parallel_loop3A_736 = tpu.vector_load_idx %arg6[%parallel_loop3A_735] : memref<16384xf32, #tpu.memory_space<vmem>>[vector<16xi32>], vector<16xf32>,
        %parallel_loop3A_737 = arith.index_cast %parallel_loop3A_635 : i32 to index
        %parallel_loop3A_738 = arith.constant 304 : index
        %parallel_loop3A_739 = tpu.vector_load %arg7[%parallel_loop3A_737, %parallel_loop3A_738] {strides = array<i32>} : memref<64x512xf32, #tpu.memory_space<vmem>>, vector<16xf32>,
        tpu.vector_store %arg7[%parallel_loop3A_737, %parallel_loop3A_738], %parallel_loop3A_736 {strides = array<i32>} : memref<64x512xf32, #tpu.memory_space<vmem>>, vector<16xf32>,
        %parallel_loop3A_740 = arith.addi %parallel_loop3A_639, %get3A_236 : vector<16xi32>
        %parallel_loop3A_741 = tpu.vector_load_idx %arg6[%parallel_loop3A_740] : memref<16384xf32, #tpu.memory_space<vmem>>[vector<16xi32>], vector<16xf32>,
        %parallel_loop3A_742 = arith.index_cast %parallel_loop3A_635 : i32 to index
        %parallel_loop3A_743 = arith.constant 320 : index
        %parallel_loop3A_744 = tpu.vector_load %arg7[%parallel_loop3A_742, %parallel_loop3A_743] {strides = array<i32>} : memref<64x512xf32, #tpu.memory_space<vmem>>, vector<16xf32>,
        tpu.vector_store %arg7[%parallel_loop3A_742, %parallel_loop3A_743], %parallel_loop3A_741 {strides = array<i32>} : memref<64x512xf32, #tpu.memory_space<vmem>>, vector<16xf32>,
        %parallel_loop3A_745 = arith.addi %parallel_loop3A_639, %get3A_242 : vector<16xi32>
        %parallel_loop3A_746 = tpu.vector_load_idx %arg6[%parallel_loop3A_745] : memref<16384xf32, #tpu.memory_space<vmem>>[vector<16xi32>], vector<16xf32>,
        %parallel_loop3A_747 = arith.index_cast %parallel_loop3A_635 : i32 to index
        %parallel_loop3A_748 = arith.constant 336 : index
        %parallel_loop3A_749 = tpu.vector_load %arg7[%parallel_loop3A_747, %parallel_loop3A_748] {strides = array<i32>} : memref<64x512xf32, #tpu.memory_space<vmem>>, vector<16xf32>,
        tpu.vector_store %arg7[%parallel_loop3A_747, %parallel_loop3A_748], %parallel_loop3A_746 {strides = array<i32>} : memref<64x512xf32, #tpu.memory_space<vmem>>, vector<16xf32>,
        %parallel_loop3A_750 = arith.addi %parallel_loop3A_639, %get3A_248 : vector<16xi32>
        %parallel_loop3A_751 = tpu.vector_load_idx %arg6[%parallel_loop3A_750] : memref<16384xf32, #tpu.memory_space<vmem>>[vector<16xi32>], vector<16xf32>,
        %parallel_loop3A_752 = arith.index_cast %parallel_loop3A_635 : i32 to index
        %parallel_loop3A_753 = arith.constant 352 : index
        %parallel_loop3A_754 = tpu.vector_load %arg7[%parallel_loop3A_752, %parallel_loop3A_753] {strides = array<i32>} : memref<64x512xf32, #tpu.memory_space<vmem>>, vector<16xf32>,
        tpu.vector_store %arg7[%parallel_loop3A_752, %parallel_loop3A_753], %parallel_loop3A_751 {strides = array<i32>} : memref<64x512xf32, #tpu.memory_space<vmem>>, vector<16xf32>,
        %parallel_loop3A_755 = arith.addi %parallel_loop3A_639, %get3A_254 : vector<16xi32>
        %parallel_loop3A_756 = tpu.vector_load_idx %arg6[%parallel_loop3A_755] : memref<16384xf32, #tpu.memory_space<vmem>>[vector<16xi32>], vector<16xf32>,
        %parallel_loop3A_757 = arith.index_cast %parallel_loop3A_635 : i32 to index
        %parallel_loop3A_758 = arith.constant 368 : index
        %parallel_loop3A_759 = tpu.vector_load %arg7[%parallel_loop3A_757, %parallel_loop3A_758] {strides = array<i32>} : memref<64x512xf32, #tpu.memory_space<vmem>>, vector<16xf32>,
        tpu.vector_store %arg7[%parallel_loop3A_757, %parallel_loop3A_758], %parallel_loop3A_756 {strides = array<i32>} : memref<64x512xf32, #tpu.memory_space<vmem>>, vector<16xf32>,
        %parallel_loop3A_760 = arith.addi %parallel_loop3A_639, %get3A_260 : vector<16xi32>
        %parallel_loop3A_761 = tpu.vector_load_idx %arg6[%parallel_loop3A_760] : memref<16384xf32, #tpu.memory_space<vmem>>[vector<16xi32>], vector<16xf32>,
        %parallel_loop3A_762 = arith.index_cast %parallel_loop3A_635 : i32 to index
        %parallel_loop3A_763 = arith.constant 384 : index
        %parallel_loop3A_764 = tpu.vector_load %arg7[%parallel_loop3A_762, %parallel_loop3A_763] {strides = array<i32>} : memref<64x512xf32, #tpu.memory_space<vmem>>, vector<16xf32>,
        tpu.vector_store %arg7[%parallel_loop3A_762, %parallel_loop3A_763], %parallel_loop3A_761 {strides = array<i32>} : memref<64x512xf32, #tpu.memory_space<vmem>>, vector<16xf32>,
        %parallel_loop3A_765 = arith.addi %parallel_loop3A_639, %get3A_266 : vector<16xi32>
        %parallel_loop3A_766 = tpu.vector_load_idx %arg6[%parallel_loop3A_765] : memref<16384xf32, #tpu.memory_space<vmem>>[vector<16xi32>], vector<16xf32>,
        %parallel_loop3A_767 = arith.index_cast %parallel_loop3A_635 : i32 to index
        %parallel_loop3A_768 = arith.constant 400 : index
        %parallel_loop3A_769 = tpu.vector_load %arg7[%parallel_loop3A_767, %parallel_loop3A_768] {strides = array<i32>} : memref<64x512xf32, #tpu.memory_space<vmem>>, vector<16xf32>,
        tpu.vector_store %arg7[%parallel_loop3A_767, %parallel_loop3A_768], %parallel_loop3A_766 {strides = array<i32>} : memref<64x512xf32, #tpu.memory_space<vmem>>, vector<16xf32>,
        %parallel_loop3A_770 = arith.addi %parallel_loop3A_639, %get3A_272 : vector<16xi32>
        %parallel_loop3A_771 = tpu.vector_load_idx %arg6[%parallel_loop3A_770] : memref<16384xf32, #tpu.memory_space<vmem>>[vector<16xi32>], vector<16xf32>,
        %parallel_loop3A_772 = arith.index_cast %parallel_loop3A_635 : i32 to index
        %parallel_loop3A_773 = arith.constant 416 : index
        %parallel_loop3A_774 = tpu.vector_load %arg7[%parallel_loop3A_772, %parallel_loop3A_773] {strides = array<i32>} : memref<64x512xf32, #tpu.memory_space<vmem>>, vector<16xf32>,
        tpu.vector_store %arg7[%parallel_loop3A_772, %parallel_loop3A_773], %parallel_loop3A_771 {strides = array<i32>} : memref<64x512xf32, #tpu.memory_space<vmem>>, vector<16xf32>,
        %parallel_loop3A_775 = arith.addi %parallel_loop3A_639, %get3A_278 : vector<16xi32>
        %parallel_loop3A_776 = tpu.vector_load_idx %arg6[%parallel_loop3A_775] : memref<16384xf32, #tpu.memory_space<vmem>>[vector<16xi32>], vector<16xf32>,
        %parallel_loop3A_777 = arith.index_cast %parallel_loop3A_635 : i32 to index
        %parallel_loop3A_778 = arith.constant 432 : index
        %parallel_loop3A_779 = tpu.vector_load %arg7[%parallel_loop3A_777, %parallel_loop3A_778] {strides = array<i32>} : memref<64x512xf32, #tpu.memory_space<vmem>>, vector<16xf32>,
        tpu.vector_store %arg7[%parallel_loop3A_777, %parallel_loop3A_778], %parallel_loop3A_776 {strides = array<i32>} : memref<64x512xf32, #tpu.memory_space<vmem>>, vector<16xf32>,
        %parallel_loop3A_780 = arith.addi %parallel_loop3A_639, %get3A_284 : vector<16xi32>
        %parallel_loop3A_781 = tpu.vector_load_idx %arg6[%parallel_loop3A_780] : memref<16384xf32, #tpu.memory_space<vmem>>[vector<16xi32>], vector<16xf32>,
        %parallel_loop3A_782 = arith.index_cast %parallel_loop3A_635 : i32 to index
        %parallel_loop3A_783 = arith.constant 448 : index
        %parallel_loop3A_784 = tpu.vector_load %arg7[%parallel_loop3A_782, %parallel_loop3A_783] {strides = array<i32>} : memref<64x512xf32, #tpu.memory_space<vmem>>, vector<16xf32>,
        tpu.vector_store %arg7[%parallel_loop3A_782, %parallel_loop3A_783], %parallel_loop3A_781 {strides = array<i32>} : memref<64x512xf32, #tpu.memory_space<vmem>>, vector<16xf32>,
        %parallel_loop3A_785 = arith.addi %parallel_loop3A_639, %get3A_290 : vector<16xi32>
        %parallel_loop3A_786 = tpu.vector_load_idx %arg6[%parallel_loop3A_785] : memref<16384xf32, #tpu.memory_space<vmem>>[vector<16xi32>], vector<16xf32>,
        %parallel_loop3A_787 = arith.index_cast %parallel_loop3A_635 : i32 to index
        %parallel_loop3A_788 = arith.constant 464 : index
        %parallel_loop3A_789 = tpu.vector_load %arg7[%parallel_loop3A_787, %parallel_loop3A_788] {strides = array<i32>} : memref<64x512xf32, #tpu.memory_space<vmem>>, vector<16xf32>,
        tpu.vector_store %arg7[%parallel_loop3A_787, %parallel_loop3A_788], %parallel_loop3A_786 {strides = array<i32>} : memref<64x512xf32, #tpu.memory_space<vmem>>, vector<16xf32>,
        %parallel_loop3A_790 = arith.addi %parallel_loop3A_639, %get3A_296 : vector<16xi32>
        %parallel_loop3A_791 = tpu.vector_load_idx %arg6[%parallel_loop3A_790] : memref<16384xf32, #tpu.memory_space<vmem>>[vector<16xi32>], vector<16xf32>,
        %parallel_loop3A_792 = arith.index_cast %parallel_loop3A_635 : i32 to index
        %parallel_loop3A_793 = arith.constant 480 : index
        %parallel_loop3A_794 = tpu.vector_load %arg7[%parallel_loop3A_792, %parallel_loop3A_793] {strides = array<i32>} : memref<64x512xf32, #tpu.memory_space<vmem>>, vector<16xf32>,
        tpu.vector_store %arg7[%parallel_loop3A_792, %parallel_loop3A_793], %parallel_loop3A_791 {strides = array<i32>} : memref<64x512xf32, #tpu.memory_space<vmem>>, vector<16xf32>,
        %parallel_loop3A_795 = arith.addi %parallel_loop3A_639, %get3A_302 : vector<16xi32>
        %parallel_loop3A_796 = tpu.vector_load_idx %arg6[%parallel_loop3A_795] : memref<16384xf32, #tpu.memory_space<vmem>>[vector<16xi32>], vector<16xf32>,
        %parallel_loop3A_797 = arith.index_cast %parallel_loop3A_635 : i32 to index
        %parallel_loop3A_798 = arith.constant 496 : index
        %parallel_loop3A_799 = tpu.vector_load %arg7[%parallel_loop3A_797, %parallel_loop3A_798] {strides = array<i32>} : memref<64x512xf32, #tpu.memory_space<vmem>>, vector<16xf32>,
        tpu.vector_store %arg7[%parallel_loop3A_797, %parallel_loop3A_798], %parallel_loop3A_796 {strides = array<i32>} : memref<64x512xf32, #tpu.memory_space<vmem>>, vector<16xf32>,
      } {sc.loop_unroll_factor = 2 : i64, sc.parallel_access}
      %add3A_305 = arith.addi %mul3A_2, %add3A_81 : i32
      %jit3A_306 = arith.constant 32 : i32
      %div3A_307 = arith.divsi %add3A_305, %jit3A_306 : i32
      %sign3A_308 = arith.constant 0 : i32
      %sign3A_309 = arith.cmpi sgt, %add3A_305, %sign3A_308 : i32
      %sign3A_310 = arith.extui %sign3A_309 : i1 to i32
      %sign3A_311 = arith.constant 0 : i32
      %sign3A_312 = arith.cmpi slt, %add3A_305, %sign3A_311 : i32
      %sign3A_313 = arith.extui %sign3A_312 : i1 to i32
      %sign3A_314 = arith.subi %sign3A_310, %sign3A_313 : i32
      %sign3A_315 = arith.constant 0 : i32
      %sign3A_316 = arith.cmpi sgt, %jit3A_306, %sign3A_315 : i32
      %sign3A_317 = arith.extui %sign3A_316 : i1 to i32
      %sign3A_318 = arith.constant 0 : i32
      %sign3A_319 = arith.cmpi slt, %jit3A_306, %sign3A_318 : i32
      %sign3A_320 = arith.extui %sign3A_319 : i1 to i32
      %sign3A_321 = arith.subi %sign3A_317, %sign3A_320 : i32
      %ne3A_322 = arith.cmpi ne, %sign3A_314, %sign3A_321 : i32
      %rem3A_323 = arith.remsi %add3A_305, %jit3A_306 : i32
      %ne3A_324 = arith.constant 0 : i32
      %ne3A_325 = arith.cmpi ne, %rem3A_323, %ne3A_324 : i32
      %and3A_326 = arith.andi %ne3A_322, %ne3A_325 : i1
      %sub3A_327 = arith.constant 1 : i32
      %sub3A_328 = arith.subi %div3A_307, %sub3A_327 : i32
      %select_n3A_329 = arith.select %and3A_326, %sub3A_328, %div3A_307 : i32
      %jit3A_330 = arith.constant 32 : i32
      %eq3A = arith.constant 0 : i32
      %eq3A_331 = arith.cmpi eq, %jit3A_330, %eq3A : i32
      %jit3A_332 = arith.constant 1 : i32
      %select_n3A_333 = arith.select %eq3A_331, %jit3A_332, %jit3A_330 : i32
      %rem3A_334 = arith.remsi %add3A_305, %select_n3A_333 : i32
      %ne3A_335 = arith.constant 0 : i32
      %ne3A_336 = arith.cmpi ne, %rem3A_334, %ne3A_335 : i32
      %lt3A = arith.constant 0 : i32
      %lt3A_337 = arith.cmpi slt, %rem3A_334, %lt3A : i32
      %lt3A_338 = arith.constant 0 : i32
      %lt3A_339 = arith.cmpi slt, %select_n3A_333, %lt3A_338 : i32
      %ne3A_340 = arith.xori %lt3A_337, %lt3A_339 : i1
      %and3A_341 = arith.andi %ne3A_340, %ne3A_336 : i1
      %add3A_342 = arith.addi %rem3A_334, %select_n3A_333 : i32
      %select_n3A_343 = arith.select %and3A_341, %add3A_342, %rem3A_334 : i32
      %mul3A_344 = arith.constant 512 : i32
      %mul3A_345 = arith.muli %select_n3A_343, %mul3A_344 : i32
      %dma_start3A_346 = arith.constant 0 : i32
      %dma_start3A_347 = tpu.memref_slice %arg4[%select_n3A_329, %dma_start3A_346, %mul3A_345] : memref<26x64x16384xf32, #tpu.memory_space<hbm>> -> memref<1x64x512xf32, #tpu.memory_space<hbm>>
      %dma_start3A_348 = tpu.memref_squeeze %dma_start3A_347 : memref<1x64x512xf32, #tpu.memory_space<hbm>> -> memref<64x512xf32, #tpu.memory_space<hbm>>
      %dma_start3A_349 = arith.constant 0 : i32
      %dma_start3A_350 = tpu.memref_slice %arg4[%select_n3A_329, %dma_start3A_349, %mul3A_345] : memref<26x64x16384xf32, #tpu.memory_space<hbm>> -> memref<1x64x512xf32, #tpu.memory_space<hbm>>
      %dma_start3A_351 = tpu.memref_squeeze %dma_start3A_350 : memref<1x64x512xf32, #tpu.memory_space<hbm>> -> memref<64x512xf32, #tpu.memory_space<hbm>>
      tpu.enqueue_dma source(%arg7 : memref<64x512xf32, #tpu.memory_space<vmem>>) target(%dma_start3A_351 : memref<64x512xf32, #tpu.memory_space<hbm>>) target_semaphore(%arg9 : memref<!tpu.dma_semaphore, #tpu.memory_space<semaphore_mem>>)
      %mul3A_352 = arith.constant 2 : i32
      %mul3A_353 = arith.muli %scan3A_77, %mul3A_352 : i32
      %add3A_354 = arith.constant 1 : i32
      %add3A_355 = arith.addi %mul3A_353, %add3A_354 : i32
      %gt3A_356 = arith.constant 0 : i32
      %gt3A_357 = arith.cmpi sgt, %scan3A_77, %gt3A_356 : i32
      %convert_element_type3A_358 = arith.extui %gt3A_357 : i1 to i32
      %cond3A_359 = arith.constant 0 : i32
      %cond3A_360 = arith.cmpi ne, %convert_element_type3A_358, %cond3A_359 : i32
      scf.if %cond3A_360 {
        %dma_wait3A_633 = arith.constant 0 : i32
        %dma_wait3A_634 = arith.constant 0 : i32
        %dma_wait3A_635 = arith.constant 0 : i32
        %dma_wait3A_636 = tpu.memref_slice %arg4[%dma_wait3A_633, %dma_wait3A_634, %dma_wait3A_635] : memref<26x64x16384xf32, #tpu.memory_space<hbm>> -> memref<1x64x512xf32, #tpu.memory_space<hbm>>
        %dma_wait3A_637 = tpu.memref_squeeze %dma_wait3A_636 : memref<1x64x512xf32, #tpu.memory_space<hbm>> -> memref<64x512xf32, #tpu.memory_space<hbm>>
        %dma_wait3A_638 = arith.constant 0 : i32
        %dma_wait3A_639 = arith.constant 0 : i32
        %dma_wait3A_640 = tpu.memref_slice %arg4[%dma_wait3A_633, %dma_wait3A_638, %dma_wait3A_639] : memref<26x64x16384xf32, #tpu.memory_space<hbm>> -> memref<1x64x512xf32, #tpu.memory_space<hbm>>
        %dma_wait3A_641 = tpu.memref_squeeze %dma_wait3A_640 : memref<1x64x512xf32, #tpu.memory_space<hbm>> -> memref<64x512xf32, #tpu.memory_space<hbm>>
        tpu.wait_dma2 semaphore(%arg10 : memref<!tpu.dma_semaphore, #tpu.memory_space<semaphore_mem>>) src(%dma_wait3A_641 : memref<64x512xf32, #tpu.memory_space<hbm>>) dst(%arg8 : memref<64x512xf32, #tpu.memory_space<vmem>>)
      } else {
      }
      %add3A_361 = arith.addi %mul3A_2, %add3A_355 : i32
      %jit3A_362 = arith.constant 32 : i32
      %div3A_363 = arith.divsi %add3A_361, %jit3A_362 : i32
      %sign3A_364 = arith.constant 0 : i32
      %sign3A_365 = arith.cmpi sgt, %add3A_361, %sign3A_364 : i32
      %sign3A_366 = arith.extui %sign3A_365 : i1 to i32
      %sign3A_367 = arith.constant 0 : i32
      %sign3A_368 = arith.cmpi slt, %add3A_361, %sign3A_367 : i32
      %sign3A_369 = arith.extui %sign3A_368 : i1 to i32
      %sign3A_370 = arith.subi %sign3A_366, %sign3A_369 : i32
      %sign3A_371 = arith.constant 0 : i32
      %sign3A_372 = arith.cmpi sgt, %jit3A_362, %sign3A_371 : i32
      %sign3A_373 = arith.extui %sign3A_372 : i1 to i32
      %sign3A_374 = arith.constant 0 : i32
      %sign3A_375 = arith.cmpi slt, %jit3A_362, %sign3A_374 : i32
      %sign3A_376 = arith.extui %sign3A_375 : i1 to i32
      %sign3A_377 = arith.subi %sign3A_373, %sign3A_376 : i32
      %ne3A_378 = arith.cmpi ne, %sign3A_370, %sign3A_377 : i32
      %rem3A_379 = arith.remsi %add3A_361, %jit3A_362 : i32
      %ne3A_380 = arith.constant 0 : i32
      %ne3A_381 = arith.cmpi ne, %rem3A_379, %ne3A_380 : i32
      %and3A_382 = arith.andi %ne3A_378, %ne3A_381 : i1
      %sub3A_383 = arith.constant 1 : i32
      %sub3A_384 = arith.subi %div3A_363, %sub3A_383 : i32
      %select_n3A_385 = arith.select %and3A_382, %sub3A_384, %div3A_363 : i32
      %sub3A_386 = arith.subi %select_n3A_385, %select_n3A : i32
      %mul3A_387 = arith.constant 8192 : i32
      %mul3A_388 = arith.muli %sub3A_386, %mul3A_387 : i32
      %mul3A_389 = arith.constant 512 : i32
      %mul3A_390 = arith.muli %add3A_355, %mul3A_389 : i32
      %add3A_391 = arith.constant 0 : i32
      %add3A_392 = arith.addi %mul3A_390, %add3A_391 : i32
      %get3A_393 = arith.index_cast %add3A_392 : i32 to index
      %get3A_394 = tpu.vector_load %arg5[%get3A_393] {strides = array<i32>} : memref<13312xi32, #tpu.memory_space<vmem>>, vector<16xi32>,
      %mul3A_395 = arith.constant 512 : i32
      %mul3A_396 = arith.muli %add3A_355, %mul3A_395 : i32
      %add3A_397 = arith.constant 16 : i32
      %add3A_398 = arith.addi %mul3A_396, %add3A_397 : i32
      %get3A_399 = arith.index_cast %add3A_398 : i32 to index
      %get3A_400 = tpu.vector_load %arg5[%get3A_399] {strides = array<i32>} : memref<13312xi32, #tpu.memory_space<vmem>>, vector<16xi32>,
      %mul3A_401 = arith.constant 512 : i32
      %mul3A_402 = arith.muli %add3A_355, %mul3A_401 : i32
      %add3A_403 = arith.constant 32 : i32
      %add3A_404 = arith.addi %mul3A_402, %add3A_403 : i32
      %get3A_405 = arith.index_cast %add3A_404 : i32 to index
      %get3A_406 = tpu.vector_load %arg5[%get3A_405] {strides = array<i32>} : memref<13312xi32, #tpu.memory_space<vmem>>, vector<16xi32>,
      %mul3A_407 = arith.constant 512 : i32
      %mul3A_408 = arith.muli %add3A_355, %mul3A_407 : i32
      %add3A_409 = arith.constant 48 : i32
      %add3A_410 = arith.addi %mul3A_408, %add3A_409 : i32
      %get3A_411 = arith.index_cast %add3A_410 : i32 to index
      %get3A_412 = tpu.vector_load %arg5[%get3A_411] {strides = array<i32>} : memref<13312xi32, #tpu.memory_space<vmem>>, vector<16xi32>,
      %mul3A_413 = arith.constant 512 : i32
      %mul3A_414 = arith.muli %add3A_355, %mul3A_413 : i32
      %add3A_415 = arith.constant 64 : i32
      %add3A_416 = arith.addi %mul3A_414, %add3A_415 : i32
      %get3A_417 = arith.index_cast %add3A_416 : i32 to index
      %get3A_418 = tpu.vector_load %arg5[%get3A_417] {strides = array<i32>} : memref<13312xi32, #tpu.memory_space<vmem>>, vector<16xi32>,
      %mul3A_419 = arith.constant 512 : i32
      %mul3A_420 = arith.muli %add3A_355, %mul3A_419 : i32
      %add3A_421 = arith.constant 80 : i32
      %add3A_422 = arith.addi %mul3A_420, %add3A_421 : i32
      %get3A_423 = arith.index_cast %add3A_422 : i32 to index
      %get3A_424 = tpu.vector_load %arg5[%get3A_423] {strides = array<i32>} : memref<13312xi32, #tpu.memory_space<vmem>>, vector<16xi32>,
      %mul3A_425 = arith.constant 512 : i32
      %mul3A_426 = arith.muli %add3A_355, %mul3A_425 : i32
      %add3A_427 = arith.constant 96 : i32
      %add3A_428 = arith.addi %mul3A_426, %add3A_427 : i32
      %get3A_429 = arith.index_cast %add3A_428 : i32 to index
      %get3A_430 = tpu.vector_load %arg5[%get3A_429] {strides = array<i32>} : memref<13312xi32, #tpu.memory_space<vmem>>, vector<16xi32>,
      %mul3A_431 = arith.constant 512 : i32
      %mul3A_432 = arith.muli %add3A_355, %mul3A_431 : i32
      %add3A_433 = arith.constant 112 : i32
      %add3A_434 = arith.addi %mul3A_432, %add3A_433 : i32
      %get3A_435 = arith.index_cast %add3A_434 : i32 to index
      %get3A_436 = tpu.vector_load %arg5[%get3A_435] {strides = array<i32>} : memref<13312xi32, #tpu.memory_space<vmem>>, vector<16xi32>,
      %mul3A_437 = arith.constant 512 : i32
      %mul3A_438 = arith.muli %add3A_355, %mul3A_437 : i32
      %add3A_439 = arith.constant 128 : i32
      %add3A_440 = arith.addi %mul3A_438, %add3A_439 : i32
      %get3A_441 = arith.index_cast %add3A_440 : i32 to index
      %get3A_442 = tpu.vector_load %arg5[%get3A_441] {strides = array<i32>} : memref<13312xi32, #tpu.memory_space<vmem>>, vector<16xi32>,
      %mul3A_443 = arith.constant 512 : i32
      %mul3A_444 = arith.muli %add3A_355, %mul3A_443 : i32
      %add3A_445 = arith.constant 144 : i32
      %add3A_446 = arith.addi %mul3A_444, %add3A_445 : i32
      %get3A_447 = arith.index_cast %add3A_446 : i32 to index
      %get3A_448 = tpu.vector_load %arg5[%get3A_447] {strides = array<i32>} : memref<13312xi32, #tpu.memory_space<vmem>>, vector<16xi32>,
      %mul3A_449 = arith.constant 512 : i32
      %mul3A_450 = arith.muli %add3A_355, %mul3A_449 : i32
      %add3A_451 = arith.constant 160 : i32
      %add3A_452 = arith.addi %mul3A_450, %add3A_451 : i32
      %get3A_453 = arith.index_cast %add3A_452 : i32 to index
      %get3A_454 = tpu.vector_load %arg5[%get3A_453] {strides = array<i32>} : memref<13312xi32, #tpu.memory_space<vmem>>, vector<16xi32>,
      %mul3A_455 = arith.constant 512 : i32
      %mul3A_456 = arith.muli %add3A_355, %mul3A_455 : i32
      %add3A_457 = arith.constant 176 : i32
      %add3A_458 = arith.addi %mul3A_456, %add3A_457 : i32
      %get3A_459 = arith.index_cast %add3A_458 : i32 to index
      %get3A_460 = tpu.vector_load %arg5[%get3A_459] {strides = array<i32>} : memref<13312xi32, #tpu.memory_space<vmem>>, vector<16xi32>,
      %mul3A_461 = arith.constant 512 : i32
      %mul3A_462 = arith.muli %add3A_355, %mul3A_461 : i32
      %add3A_463 = arith.constant 192 : i32
      %add3A_464 = arith.addi %mul3A_462, %add3A_463 : i32
      %get3A_465 = arith.index_cast %add3A_464 : i32 to index
      %get3A_466 = tpu.vector_load %arg5[%get3A_465] {strides = array<i32>} : memref<13312xi32, #tpu.memory_space<vmem>>, vector<16xi32>,
      %mul3A_467 = arith.constant 512 : i32
      %mul3A_468 = arith.muli %add3A_355, %mul3A_467 : i32
      %add3A_469 = arith.constant 208 : i32
      %add3A_470 = arith.addi %mul3A_468, %add3A_469 : i32
      %get3A_471 = arith.index_cast %add3A_470 : i32 to index
      %get3A_472 = tpu.vector_load %arg5[%get3A_471] {strides = array<i32>} : memref<13312xi32, #tpu.memory_space<vmem>>, vector<16xi32>,
      %mul3A_473 = arith.constant 512 : i32
      %mul3A_474 = arith.muli %add3A_355, %mul3A_473 : i32
      %add3A_475 = arith.constant 224 : i32
      %add3A_476 = arith.addi %mul3A_474, %add3A_475 : i32
      %get3A_477 = arith.index_cast %add3A_476 : i32 to index
      %get3A_478 = tpu.vector_load %arg5[%get3A_477] {strides = array<i32>} : memref<13312xi32, #tpu.memory_space<vmem>>, vector<16xi32>,
      %mul3A_479 = arith.constant 512 : i32
      %mul3A_480 = arith.muli %add3A_355, %mul3A_479 : i32
      %add3A_481 = arith.constant 240 : i32
      %add3A_482 = arith.addi %mul3A_480, %add3A_481 : i32
      %get3A_483 = arith.index_cast %add3A_482 : i32 to index
      %get3A_484 = tpu.vector_load %arg5[%get3A_483] {strides = array<i32>} : memref<13312xi32, #tpu.memory_space<vmem>>, vector<16xi32>,
      %mul3A_485 = arith.constant 512 : i32
      %mul3A_486 = arith.muli %add3A_355, %mul3A_485 : i32
      %add3A_487 = arith.constant 256 : i32
      %add3A_488 = arith.addi %mul3A_486, %add3A_487 : i32
      %get3A_489 = arith.index_cast %add3A_488 : i32 to index
      %get3A_490 = tpu.vector_load %arg5[%get3A_489] {strides = array<i32>} : memref<13312xi32, #tpu.memory_space<vmem>>, vector<16xi32>,
      %mul3A_491 = arith.constant 512 : i32
      %mul3A_492 = arith.muli %add3A_355, %mul3A_491 : i32
      %add3A_493 = arith.constant 272 : i32
      %add3A_494 = arith.addi %mul3A_492, %add3A_493 : i32
      %get3A_495 = arith.index_cast %add3A_494 : i32 to index
      %get3A_496 = tpu.vector_load %arg5[%get3A_495] {strides = array<i32>} : memref<13312xi32, #tpu.memory_space<vmem>>, vector<16xi32>,
      %mul3A_497 = arith.constant 512 : i32
      %mul3A_498 = arith.muli %add3A_355, %mul3A_497 : i32
      %add3A_499 = arith.constant 288 : i32
      %add3A_500 = arith.addi %mul3A_498, %add3A_499 : i32
      %get3A_501 = arith.index_cast %add3A_500 : i32 to index
      %get3A_502 = tpu.vector_load %arg5[%get3A_501] {strides = array<i32>} : memref<13312xi32, #tpu.memory_space<vmem>>, vector<16xi32>,
      %mul3A_503 = arith.constant 512 : i32
      %mul3A_504 = arith.muli %add3A_355, %mul3A_503 : i32
      %add3A_505 = arith.constant 304 : i32
      %add3A_506 = arith.addi %mul3A_504, %add3A_505 : i32
      %get3A_507 = arith.index_cast %add3A_506 : i32 to index
      %get3A_508 = tpu.vector_load %arg5[%get3A_507] {strides = array<i32>} : memref<13312xi32, #tpu.memory_space<vmem>>, vector<16xi32>,
      %mul3A_509 = arith.constant 512 : i32
      %mul3A_510 = arith.muli %add3A_355, %mul3A_509 : i32
      %add3A_511 = arith.constant 320 : i32
      %add3A_512 = arith.addi %mul3A_510, %add3A_511 : i32
      %get3A_513 = arith.index_cast %add3A_512 : i32 to index
      %get3A_514 = tpu.vector_load %arg5[%get3A_513] {strides = array<i32>} : memref<13312xi32, #tpu.memory_space<vmem>>, vector<16xi32>,
      %mul3A_515 = arith.constant 512 : i32
      %mul3A_516 = arith.muli %add3A_355, %mul3A_515 : i32
      %add3A_517 = arith.constant 336 : i32
      %add3A_518 = arith.addi %mul3A_516, %add3A_517 : i32
      %get3A_519 = arith.index_cast %add3A_518 : i32 to index
      %get3A_520 = tpu.vector_load %arg5[%get3A_519] {strides = array<i32>} : memref<13312xi32, #tpu.memory_space<vmem>>, vector<16xi32>,
      %mul3A_521 = arith.constant 512 : i32
      %mul3A_522 = arith.muli %add3A_355, %mul3A_521 : i32
      %add3A_523 = arith.constant 352 : i32
      %add3A_524 = arith.addi %mul3A_522, %add3A_523 : i32
      %get3A_525 = arith.index_cast %add3A_524 : i32 to index
      %get3A_526 = tpu.vector_load %arg5[%get3A_525] {strides = array<i32>} : memref<13312xi32, #tpu.memory_space<vmem>>, vector<16xi32>,
      %mul3A_527 = arith.constant 512 : i32
      %mul3A_528 = arith.muli %add3A_355, %mul3A_527 : i32
      %add3A_529 = arith.constant 368 : i32
      %add3A_530 = arith.addi %mul3A_528, %add3A_529 : i32
      %get3A_531 = arith.index_cast %add3A_530 : i32 to index
      %get3A_532 = tpu.vector_load %arg5[%get3A_531] {strides = array<i32>} : memref<13312xi32, #tpu.memory_space<vmem>>, vector<16xi32>,
      %mul3A_533 = arith.constant 512 : i32
      %mul3A_534 = arith.muli %add3A_355, %mul3A_533 : i32
      %add3A_535 = arith.constant 384 : i32
      %add3A_536 = arith.addi %mul3A_534, %add3A_535 : i32
      %get3A_537 = arith.index_cast %add3A_536 : i32 to index
      %get3A_538 = tpu.vector_load %arg5[%get3A_537] {strides = array<i32>} : memref<13312xi32, #tpu.memory_space<vmem>>, vector<16xi32>,
      %mul3A_539 = arith.constant 512 : i32
      %mul3A_540 = arith.muli %add3A_355, %mul3A_539 : i32
      %add3A_541 = arith.constant 400 : i32
      %add3A_542 = arith.addi %mul3A_540, %add3A_541 : i32
      %get3A_543 = arith.index_cast %add3A_542 : i32 to index
      %get3A_544 = tpu.vector_load %arg5[%get3A_543] {strides = array<i32>} : memref<13312xi32, #tpu.memory_space<vmem>>, vector<16xi32>,
      %mul3A_545 = arith.constant 512 : i32
      %mul3A_546 = arith.muli %add3A_355, %mul3A_545 : i32
      %add3A_547 = arith.constant 416 : i32
      %add3A_548 = arith.addi %mul3A_546, %add3A_547 : i32
      %get3A_549 = arith.index_cast %add3A_548 : i32 to index
      %get3A_550 = tpu.vector_load %arg5[%get3A_549] {strides = array<i32>} : memref<13312xi32, #tpu.memory_space<vmem>>, vector<16xi32>,
      %mul3A_551 = arith.constant 512 : i32
      %mul3A_552 = arith.muli %add3A_355, %mul3A_551 : i32
      %add3A_553 = arith.constant 432 : i32
      %add3A_554 = arith.addi %mul3A_552, %add3A_553 : i32
      %get3A_555 = arith.index_cast %add3A_554 : i32 to index
      %get3A_556 = tpu.vector_load %arg5[%get3A_555] {strides = array<i32>} : memref<13312xi32, #tpu.memory_space<vmem>>, vector<16xi32>,
      %mul3A_557 = arith.constant 512 : i32
      %mul3A_558 = arith.muli %add3A_355, %mul3A_557 : i32
      %add3A_559 = arith.constant 448 : i32
      %add3A_560 = arith.addi %mul3A_558, %add3A_559 : i32
      %get3A_561 = arith.index_cast %add3A_560 : i32 to index
      %get3A_562 = tpu.vector_load %arg5[%get3A_561] {strides = array<i32>} : memref<13312xi32, #tpu.memory_space<vmem>>, vector<16xi32>,
      %mul3A_563 = arith.constant 512 : i32
      %mul3A_564 = arith.muli %add3A_355, %mul3A_563 : i32
      %add3A_565 = arith.constant 464 : i32
      %add3A_566 = arith.addi %mul3A_564, %add3A_565 : i32
      %get3A_567 = arith.index_cast %add3A_566 : i32 to index
      %get3A_568 = tpu.vector_load %arg5[%get3A_567] {strides = array<i32>} : memref<13312xi32, #tpu.memory_space<vmem>>, vector<16xi32>,
      %mul3A_569 = arith.constant 512 : i32
      %mul3A_570 = arith.muli %add3A_355, %mul3A_569 : i32
      %add3A_571 = arith.constant 480 : i32
      %add3A_572 = arith.addi %mul3A_570, %add3A_571 : i32
      %get3A_573 = arith.index_cast %add3A_572 : i32 to index
      %get3A_574 = tpu.vector_load %arg5[%get3A_573] {strides = array<i32>} : memref<13312xi32, #tpu.memory_space<vmem>>, vector<16xi32>,
      %mul3A_575 = arith.constant 512 : i32
      %mul3A_576 = arith.muli %add3A_355, %mul3A_575 : i32
      %add3A_577 = arith.constant 496 : i32
      %add3A_578 = arith.addi %mul3A_576, %add3A_577 : i32
      %get3A_579 = arith.index_cast %add3A_578 : i32 to index
      %get3A_580 = tpu.vector_load %arg5[%get3A_579] {strides = array<i32>} : memref<13312xi32, #tpu.memory_space<vmem>>, vector<16xi32>,
      %parallel_loop3A_581 = arith.constant 0 : i32
      %parallel_loop3A_582 = arith.constant 64 : i32
      %parallel_loop3A_583 = arith.constant 1 : i32
      scf.for %parallel_loop3A_633 = %parallel_loop3A_581 to %parallel_loop3A_582 step %parallel_loop3A_583  : i32 {
        %parallel_loop3A_634 = arith.constant 0 : i32
        %parallel_loop3A_635 = arith.addi %parallel_loop3A_633, %parallel_loop3A_634 : i32
        %parallel_loop3A_636 = arith.constant 128 : i32
        %parallel_loop3A_637 = arith.muli %parallel_loop3A_635, %parallel_loop3A_636 : i32
        %parallel_loop3A_638 = arith.addi %mul3A_388, %parallel_loop3A_637 : i32
        %parallel_loop3A_639 = vector.broadcast %parallel_loop3A_638 : i32 to vector<16xi32>
        %parallel_loop3A_640 = arith.addi %parallel_loop3A_639, %get3A_394 : vector<16xi32>
        %parallel_loop3A_641 = tpu.vector_load_idx %arg6[%parallel_loop3A_640] : memref<16384xf32, #tpu.memory_space<vmem>>[vector<16xi32>], vector<16xf32>,
        %parallel_loop3A_642 = arith.index_cast %parallel_loop3A_635 : i32 to index
        %parallel_loop3A_643 = arith.constant 0 : index
        %parallel_loop3A_644 = tpu.vector_load %arg8[%parallel_loop3A_642, %parallel_loop3A_643] {strides = array<i32>} : memref<64x512xf32, #tpu.memory_space<vmem>>, vector<16xf32>,
        tpu.vector_store %arg8[%parallel_loop3A_642, %parallel_loop3A_643], %parallel_loop3A_641 {strides = array<i32>} : memref<64x512xf32, #tpu.memory_space<vmem>>, vector<16xf32>,
        %parallel_loop3A_645 = arith.addi %parallel_loop3A_639, %get3A_400 : vector<16xi32>
        %parallel_loop3A_646 = tpu.vector_load_idx %arg6[%parallel_loop3A_645] : memref<16384xf32, #tpu.memory_space<vmem>>[vector<16xi32>], vector<16xf32>,
        %parallel_loop3A_647 = arith.index_cast %parallel_loop3A_635 : i32 to index
        %parallel_loop3A_648 = arith.constant 16 : index
        %parallel_loop3A_649 = tpu.vector_load %arg8[%parallel_loop3A_647, %parallel_loop3A_648] {strides = array<i32>} : memref<64x512xf32, #tpu.memory_space<vmem>>, vector<16xf32>,
        tpu.vector_store %arg8[%parallel_loop3A_647, %parallel_loop3A_648], %parallel_loop3A_646 {strides = array<i32>} : memref<64x512xf32, #tpu.memory_space<vmem>>, vector<16xf32>,
        %parallel_loop3A_650 = arith.addi %parallel_loop3A_639, %get3A_406 : vector<16xi32>
        %parallel_loop3A_651 = tpu.vector_load_idx %arg6[%parallel_loop3A_650] : memref<16384xf32, #tpu.memory_space<vmem>>[vector<16xi32>], vector<16xf32>,
        %parallel_loop3A_652 = arith.index_cast %parallel_loop3A_635 : i32 to index
        %parallel_loop3A_653 = arith.constant 32 : index
        %parallel_loop3A_654 = tpu.vector_load %arg8[%parallel_loop3A_652, %parallel_loop3A_653] {strides = array<i32>} : memref<64x512xf32, #tpu.memory_space<vmem>>, vector<16xf32>,
        tpu.vector_store %arg8[%parallel_loop3A_652, %parallel_loop3A_653], %parallel_loop3A_651 {strides = array<i32>} : memref<64x512xf32, #tpu.memory_space<vmem>>, vector<16xf32>,
        %parallel_loop3A_655 = arith.addi %parallel_loop3A_639, %get3A_412 : vector<16xi32>
        %parallel_loop3A_656 = tpu.vector_load_idx %arg6[%parallel_loop3A_655] : memref<16384xf32, #tpu.memory_space<vmem>>[vector<16xi32>], vector<16xf32>,
        %parallel_loop3A_657 = arith.index_cast %parallel_loop3A_635 : i32 to index
        %parallel_loop3A_658 = arith.constant 48 : index
        %parallel_loop3A_659 = tpu.vector_load %arg8[%parallel_loop3A_657, %parallel_loop3A_658] {strides = array<i32>} : memref<64x512xf32, #tpu.memory_space<vmem>>, vector<16xf32>,
        tpu.vector_store %arg8[%parallel_loop3A_657, %parallel_loop3A_658], %parallel_loop3A_656 {strides = array<i32>} : memref<64x512xf32, #tpu.memory_space<vmem>>, vector<16xf32>,
        %parallel_loop3A_660 = arith.addi %parallel_loop3A_639, %get3A_418 : vector<16xi32>
        %parallel_loop3A_661 = tpu.vector_load_idx %arg6[%parallel_loop3A_660] : memref<16384xf32, #tpu.memory_space<vmem>>[vector<16xi32>], vector<16xf32>,
        %parallel_loop3A_662 = arith.index_cast %parallel_loop3A_635 : i32 to index
        %parallel_loop3A_663 = arith.constant 64 : index
        %parallel_loop3A_664 = tpu.vector_load %arg8[%parallel_loop3A_662, %parallel_loop3A_663] {strides = array<i32>} : memref<64x512xf32, #tpu.memory_space<vmem>>, vector<16xf32>,
        tpu.vector_store %arg8[%parallel_loop3A_662, %parallel_loop3A_663], %parallel_loop3A_661 {strides = array<i32>} : memref<64x512xf32, #tpu.memory_space<vmem>>, vector<16xf32>,
        %parallel_loop3A_665 = arith.addi %parallel_loop3A_639, %get3A_424 : vector<16xi32>
        %parallel_loop3A_666 = tpu.vector_load_idx %arg6[%parallel_loop3A_665] : memref<16384xf32, #tpu.memory_space<vmem>>[vector<16xi32>], vector<16xf32>,
        %parallel_loop3A_667 = arith.index_cast %parallel_loop3A_635 : i32 to index
        %parallel_loop3A_668 = arith.constant 80 : index
        %parallel_loop3A_669 = tpu.vector_load %arg8[%parallel_loop3A_667, %parallel_loop3A_668] {strides = array<i32>} : memref<64x512xf32, #tpu.memory_space<vmem>>, vector<16xf32>,
        tpu.vector_store %arg8[%parallel_loop3A_667, %parallel_loop3A_668], %parallel_loop3A_666 {strides = array<i32>} : memref<64x512xf32, #tpu.memory_space<vmem>>, vector<16xf32>,
        %parallel_loop3A_670 = arith.addi %parallel_loop3A_639, %get3A_430 : vector<16xi32>
        %parallel_loop3A_671 = tpu.vector_load_idx %arg6[%parallel_loop3A_670] : memref<16384xf32, #tpu.memory_space<vmem>>[vector<16xi32>], vector<16xf32>,
        %parallel_loop3A_672 = arith.index_cast %parallel_loop3A_635 : i32 to index
        %parallel_loop3A_673 = arith.constant 96 : index
        %parallel_loop3A_674 = tpu.vector_load %arg8[%parallel_loop3A_672, %parallel_loop3A_673] {strides = array<i32>} : memref<64x512xf32, #tpu.memory_space<vmem>>, vector<16xf32>,
        tpu.vector_store %arg8[%parallel_loop3A_672, %parallel_loop3A_673], %parallel_loop3A_671 {strides = array<i32>} : memref<64x512xf32, #tpu.memory_space<vmem>>, vector<16xf32>,
        %parallel_loop3A_675 = arith.addi %parallel_loop3A_639, %get3A_436 : vector<16xi32>
        %parallel_loop3A_676 = tpu.vector_load_idx %arg6[%parallel_loop3A_675] : memref<16384xf32, #tpu.memory_space<vmem>>[vector<16xi32>], vector<16xf32>,
        %parallel_loop3A_677 = arith.index_cast %parallel_loop3A_635 : i32 to index
        %parallel_loop3A_678 = arith.constant 112 : index
        %parallel_loop3A_679 = tpu.vector_load %arg8[%parallel_loop3A_677, %parallel_loop3A_678] {strides = array<i32>} : memref<64x512xf32, #tpu.memory_space<vmem>>, vector<16xf32>,
        tpu.vector_store %arg8[%parallel_loop3A_677, %parallel_loop3A_678], %parallel_loop3A_676 {strides = array<i32>} : memref<64x512xf32, #tpu.memory_space<vmem>>, vector<16xf32>,
        %parallel_loop3A_680 = arith.addi %parallel_loop3A_639, %get3A_442 : vector<16xi32>
        %parallel_loop3A_681 = tpu.vector_load_idx %arg6[%parallel_loop3A_680] : memref<16384xf32, #tpu.memory_space<vmem>>[vector<16xi32>], vector<16xf32>,
        %parallel_loop3A_682 = arith.index_cast %parallel_loop3A_635 : i32 to index
        %parallel_loop3A_683 = arith.constant 128 : index
        %parallel_loop3A_684 = tpu.vector_load %arg8[%parallel_loop3A_682, %parallel_loop3A_683] {strides = array<i32>} : memref<64x512xf32, #tpu.memory_space<vmem>>, vector<16xf32>,
        tpu.vector_store %arg8[%parallel_loop3A_682, %parallel_loop3A_683], %parallel_loop3A_681 {strides = array<i32>} : memref<64x512xf32, #tpu.memory_space<vmem>>, vector<16xf32>,
        %parallel_loop3A_685 = arith.addi %parallel_loop3A_639, %get3A_448 : vector<16xi32>
        %parallel_loop3A_686 = tpu.vector_load_idx %arg6[%parallel_loop3A_685] : memref<16384xf32, #tpu.memory_space<vmem>>[vector<16xi32>], vector<16xf32>,
        %parallel_loop3A_687 = arith.index_cast %parallel_loop3A_635 : i32 to index
        %parallel_loop3A_688 = arith.constant 144 : index
        %parallel_loop3A_689 = tpu.vector_load %arg8[%parallel_loop3A_687, %parallel_loop3A_688] {strides = array<i32>} : memref<64x512xf32, #tpu.memory_space<vmem>>, vector<16xf32>,
        tpu.vector_store %arg8[%parallel_loop3A_687, %parallel_loop3A_688], %parallel_loop3A_686 {strides = array<i32>} : memref<64x512xf32, #tpu.memory_space<vmem>>, vector<16xf32>,
        %parallel_loop3A_690 = arith.addi %parallel_loop3A_639, %get3A_454 : vector<16xi32>
        %parallel_loop3A_691 = tpu.vector_load_idx %arg6[%parallel_loop3A_690] : memref<16384xf32, #tpu.memory_space<vmem>>[vector<16xi32>], vector<16xf32>,
        %parallel_loop3A_692 = arith.index_cast %parallel_loop3A_635 : i32 to index
        %parallel_loop3A_693 = arith.constant 160 : index
        %parallel_loop3A_694 = tpu.vector_load %arg8[%parallel_loop3A_692, %parallel_loop3A_693] {strides = array<i32>} : memref<64x512xf32, #tpu.memory_space<vmem>>, vector<16xf32>,
        tpu.vector_store %arg8[%parallel_loop3A_692, %parallel_loop3A_693], %parallel_loop3A_691 {strides = array<i32>} : memref<64x512xf32, #tpu.memory_space<vmem>>, vector<16xf32>,
        %parallel_loop3A_695 = arith.addi %parallel_loop3A_639, %get3A_460 : vector<16xi32>
        %parallel_loop3A_696 = tpu.vector_load_idx %arg6[%parallel_loop3A_695] : memref<16384xf32, #tpu.memory_space<vmem>>[vector<16xi32>], vector<16xf32>,
        %parallel_loop3A_697 = arith.index_cast %parallel_loop3A_635 : i32 to index
        %parallel_loop3A_698 = arith.constant 176 : index
        %parallel_loop3A_699 = tpu.vector_load %arg8[%parallel_loop3A_697, %parallel_loop3A_698] {strides = array<i32>} : memref<64x512xf32, #tpu.memory_space<vmem>>, vector<16xf32>,
        tpu.vector_store %arg8[%parallel_loop3A_697, %parallel_loop3A_698], %parallel_loop3A_696 {strides = array<i32>} : memref<64x512xf32, #tpu.memory_space<vmem>>, vector<16xf32>,
        %parallel_loop3A_700 = arith.addi %parallel_loop3A_639, %get3A_466 : vector<16xi32>
        %parallel_loop3A_701 = tpu.vector_load_idx %arg6[%parallel_loop3A_700] : memref<16384xf32, #tpu.memory_space<vmem>>[vector<16xi32>], vector<16xf32>,
        %parallel_loop3A_702 = arith.index_cast %parallel_loop3A_635 : i32 to index
        %parallel_loop3A_703 = arith.constant 192 : index
        %parallel_loop3A_704 = tpu.vector_load %arg8[%parallel_loop3A_702, %parallel_loop3A_703] {strides = array<i32>} : memref<64x512xf32, #tpu.memory_space<vmem>>, vector<16xf32>,
        tpu.vector_store %arg8[%parallel_loop3A_702, %parallel_loop3A_703], %parallel_loop3A_701 {strides = array<i32>} : memref<64x512xf32, #tpu.memory_space<vmem>>, vector<16xf32>,
        %parallel_loop3A_705 = arith.addi %parallel_loop3A_639, %get3A_472 : vector<16xi32>
        %parallel_loop3A_706 = tpu.vector_load_idx %arg6[%parallel_loop3A_705] : memref<16384xf32, #tpu.memory_space<vmem>>[vector<16xi32>], vector<16xf32>,
        %parallel_loop3A_707 = arith.index_cast %parallel_loop3A_635 : i32 to index
        %parallel_loop3A_708 = arith.constant 208 : index
        %parallel_loop3A_709 = tpu.vector_load %arg8[%parallel_loop3A_707, %parallel_loop3A_708] {strides = array<i32>} : memref<64x512xf32, #tpu.memory_space<vmem>>, vector<16xf32>,
        tpu.vector_store %arg8[%parallel_loop3A_707, %parallel_loop3A_708], %parallel_loop3A_706 {strides = array<i32>} : memref<64x512xf32, #tpu.memory_space<vmem>>, vector<16xf32>,
        %parallel_loop3A_710 = arith.addi %parallel_loop3A_639, %get3A_478 : vector<16xi32>
        %parallel_loop3A_711 = tpu.vector_load_idx %arg6[%parallel_loop3A_710] : memref<16384xf32, #tpu.memory_space<vmem>>[vector<16xi32>], vector<16xf32>,
        %parallel_loop3A_712 = arith.index_cast %parallel_loop3A_635 : i32 to index
        %parallel_loop3A_713 = arith.constant 224 : index
        %parallel_loop3A_714 = tpu.vector_load %arg8[%parallel_loop3A_712, %parallel_loop3A_713] {strides = array<i32>} : memref<64x512xf32, #tpu.memory_space<vmem>>, vector<16xf32>,
        tpu.vector_store %arg8[%parallel_loop3A_712, %parallel_loop3A_713], %parallel_loop3A_711 {strides = array<i32>} : memref<64x512xf32, #tpu.memory_space<vmem>>, vector<16xf32>,
        %parallel_loop3A_715 = arith.addi %parallel_loop3A_639, %get3A_484 : vector<16xi32>
        %parallel_loop3A_716 = tpu.vector_load_idx %arg6[%parallel_loop3A_715] : memref<16384xf32, #tpu.memory_space<vmem>>[vector<16xi32>], vector<16xf32>,
        %parallel_loop3A_717 = arith.index_cast %parallel_loop3A_635 : i32 to index
        %parallel_loop3A_718 = arith.constant 240 : index
        %parallel_loop3A_719 = tpu.vector_load %arg8[%parallel_loop3A_717, %parallel_loop3A_718] {strides = array<i32>} : memref<64x512xf32, #tpu.memory_space<vmem>>, vector<16xf32>,
        tpu.vector_store %arg8[%parallel_loop3A_717, %parallel_loop3A_718], %parallel_loop3A_716 {strides = array<i32>} : memref<64x512xf32, #tpu.memory_space<vmem>>, vector<16xf32>,
        %parallel_loop3A_720 = arith.addi %parallel_loop3A_639, %get3A_490 : vector<16xi32>
        %parallel_loop3A_721 = tpu.vector_load_idx %arg6[%parallel_loop3A_720] : memref<16384xf32, #tpu.memory_space<vmem>>[vector<16xi32>], vector<16xf32>,
        %parallel_loop3A_722 = arith.index_cast %parallel_loop3A_635 : i32 to index
        %parallel_loop3A_723 = arith.constant 256 : index
        %parallel_loop3A_724 = tpu.vector_load %arg8[%parallel_loop3A_722, %parallel_loop3A_723] {strides = array<i32>} : memref<64x512xf32, #tpu.memory_space<vmem>>, vector<16xf32>,
        tpu.vector_store %arg8[%parallel_loop3A_722, %parallel_loop3A_723], %parallel_loop3A_721 {strides = array<i32>} : memref<64x512xf32, #tpu.memory_space<vmem>>, vector<16xf32>,
        %parallel_loop3A_725 = arith.addi %parallel_loop3A_639, %get3A_496 : vector<16xi32>
        %parallel_loop3A_726 = tpu.vector_load_idx %arg6[%parallel_loop3A_725] : memref<16384xf32, #tpu.memory_space<vmem>>[vector<16xi32>], vector<16xf32>,
        %parallel_loop3A_727 = arith.index_cast %parallel_loop3A_635 : i32 to index
        %parallel_loop3A_728 = arith.constant 272 : index
        %parallel_loop3A_729 = tpu.vector_load %arg8[%parallel_loop3A_727, %parallel_loop3A_728] {strides = array<i32>} : memref<64x512xf32, #tpu.memory_space<vmem>>, vector<16xf32>,
        tpu.vector_store %arg8[%parallel_loop3A_727, %parallel_loop3A_728], %parallel_loop3A_726 {strides = array<i32>} : memref<64x512xf32, #tpu.memory_space<vmem>>, vector<16xf32>,
        %parallel_loop3A_730 = arith.addi %parallel_loop3A_639, %get3A_502 : vector<16xi32>
        %parallel_loop3A_731 = tpu.vector_load_idx %arg6[%parallel_loop3A_730] : memref<16384xf32, #tpu.memory_space<vmem>>[vector<16xi32>], vector<16xf32>,
        %parallel_loop3A_732 = arith.index_cast %parallel_loop3A_635 : i32 to index
        %parallel_loop3A_733 = arith.constant 288 : index
        %parallel_loop3A_734 = tpu.vector_load %arg8[%parallel_loop3A_732, %parallel_loop3A_733] {strides = array<i32>} : memref<64x512xf32, #tpu.memory_space<vmem>>, vector<16xf32>,
        tpu.vector_store %arg8[%parallel_loop3A_732, %parallel_loop3A_733], %parallel_loop3A_731 {strides = array<i32>} : memref<64x512xf32, #tpu.memory_space<vmem>>, vector<16xf32>,
        %parallel_loop3A_735 = arith.addi %parallel_loop3A_639, %get3A_508 : vector<16xi32>
        %parallel_loop3A_736 = tpu.vector_load_idx %arg6[%parallel_loop3A_735] : memref<16384xf32, #tpu.memory_space<vmem>>[vector<16xi32>], vector<16xf32>,
        %parallel_loop3A_737 = arith.index_cast %parallel_loop3A_635 : i32 to index
        %parallel_loop3A_738 = arith.constant 304 : index
        %parallel_loop3A_739 = tpu.vector_load %arg8[%parallel_loop3A_737, %parallel_loop3A_738] {strides = array<i32>} : memref<64x512xf32, #tpu.memory_space<vmem>>, vector<16xf32>,
        tpu.vector_store %arg8[%parallel_loop3A_737, %parallel_loop3A_738], %parallel_loop3A_736 {strides = array<i32>} : memref<64x512xf32, #tpu.memory_space<vmem>>, vector<16xf32>,
        %parallel_loop3A_740 = arith.addi %parallel_loop3A_639, %get3A_514 : vector<16xi32>
        %parallel_loop3A_741 = tpu.vector_load_idx %arg6[%parallel_loop3A_740] : memref<16384xf32, #tpu.memory_space<vmem>>[vector<16xi32>], vector<16xf32>,
        %parallel_loop3A_742 = arith.index_cast %parallel_loop3A_635 : i32 to index
        %parallel_loop3A_743 = arith.constant 320 : index
        %parallel_loop3A_744 = tpu.vector_load %arg8[%parallel_loop3A_742, %parallel_loop3A_743] {strides = array<i32>} : memref<64x512xf32, #tpu.memory_space<vmem>>, vector<16xf32>,
        tpu.vector_store %arg8[%parallel_loop3A_742, %parallel_loop3A_743], %parallel_loop3A_741 {strides = array<i32>} : memref<64x512xf32, #tpu.memory_space<vmem>>, vector<16xf32>,
        %parallel_loop3A_745 = arith.addi %parallel_loop3A_639, %get3A_520 : vector<16xi32>
        %parallel_loop3A_746 = tpu.vector_load_idx %arg6[%parallel_loop3A_745] : memref<16384xf32, #tpu.memory_space<vmem>>[vector<16xi32>], vector<16xf32>,
        %parallel_loop3A_747 = arith.index_cast %parallel_loop3A_635 : i32 to index
        %parallel_loop3A_748 = arith.constant 336 : index
        %parallel_loop3A_749 = tpu.vector_load %arg8[%parallel_loop3A_747, %parallel_loop3A_748] {strides = array<i32>} : memref<64x512xf32, #tpu.memory_space<vmem>>, vector<16xf32>,
        tpu.vector_store %arg8[%parallel_loop3A_747, %parallel_loop3A_748], %parallel_loop3A_746 {strides = array<i32>} : memref<64x512xf32, #tpu.memory_space<vmem>>, vector<16xf32>,
        %parallel_loop3A_750 = arith.addi %parallel_loop3A_639, %get3A_526 : vector<16xi32>
        %parallel_loop3A_751 = tpu.vector_load_idx %arg6[%parallel_loop3A_750] : memref<16384xf32, #tpu.memory_space<vmem>>[vector<16xi32>], vector<16xf32>,
        %parallel_loop3A_752 = arith.index_cast %parallel_loop3A_635 : i32 to index
        %parallel_loop3A_753 = arith.constant 352 : index
        %parallel_loop3A_754 = tpu.vector_load %arg8[%parallel_loop3A_752, %parallel_loop3A_753] {strides = array<i32>} : memref<64x512xf32, #tpu.memory_space<vmem>>, vector<16xf32>,
        tpu.vector_store %arg8[%parallel_loop3A_752, %parallel_loop3A_753], %parallel_loop3A_751 {strides = array<i32>} : memref<64x512xf32, #tpu.memory_space<vmem>>, vector<16xf32>,
        %parallel_loop3A_755 = arith.addi %parallel_loop3A_639, %get3A_532 : vector<16xi32>
        %parallel_loop3A_756 = tpu.vector_load_idx %arg6[%parallel_loop3A_755] : memref<16384xf32, #tpu.memory_space<vmem>>[vector<16xi32>], vector<16xf32>,
        %parallel_loop3A_757 = arith.index_cast %parallel_loop3A_635 : i32 to index
        %parallel_loop3A_758 = arith.constant 368 : index
        %parallel_loop3A_759 = tpu.vector_load %arg8[%parallel_loop3A_757, %parallel_loop3A_758] {strides = array<i32>} : memref<64x512xf32, #tpu.memory_space<vmem>>, vector<16xf32>,
        tpu.vector_store %arg8[%parallel_loop3A_757, %parallel_loop3A_758], %parallel_loop3A_756 {strides = array<i32>} : memref<64x512xf32, #tpu.memory_space<vmem>>, vector<16xf32>,
        %parallel_loop3A_760 = arith.addi %parallel_loop3A_639, %get3A_538 : vector<16xi32>
        %parallel_loop3A_761 = tpu.vector_load_idx %arg6[%parallel_loop3A_760] : memref<16384xf32, #tpu.memory_space<vmem>>[vector<16xi32>], vector<16xf32>,
        %parallel_loop3A_762 = arith.index_cast %parallel_loop3A_635 : i32 to index
        %parallel_loop3A_763 = arith.constant 384 : index
        %parallel_loop3A_764 = tpu.vector_load %arg8[%parallel_loop3A_762, %parallel_loop3A_763] {strides = array<i32>} : memref<64x512xf32, #tpu.memory_space<vmem>>, vector<16xf32>,
        tpu.vector_store %arg8[%parallel_loop3A_762, %parallel_loop3A_763], %parallel_loop3A_761 {strides = array<i32>} : memref<64x512xf32, #tpu.memory_space<vmem>>, vector<16xf32>,
        %parallel_loop3A_765 = arith.addi %parallel_loop3A_639, %get3A_544 : vector<16xi32>
        %parallel_loop3A_766 = tpu.vector_load_idx %arg6[%parallel_loop3A_765] : memref<16384xf32, #tpu.memory_space<vmem>>[vector<16xi32>], vector<16xf32>,
        %parallel_loop3A_767 = arith.index_cast %parallel_loop3A_635 : i32 to index
        %parallel_loop3A_768 = arith.constant 400 : index
        %parallel_loop3A_769 = tpu.vector_load %arg8[%parallel_loop3A_767, %parallel_loop3A_768] {strides = array<i32>} : memref<64x512xf32, #tpu.memory_space<vmem>>, vector<16xf32>,
        tpu.vector_store %arg8[%parallel_loop3A_767, %parallel_loop3A_768], %parallel_loop3A_766 {strides = array<i32>} : memref<64x512xf32, #tpu.memory_space<vmem>>, vector<16xf32>,
        %parallel_loop3A_770 = arith.addi %parallel_loop3A_639, %get3A_550 : vector<16xi32>
        %parallel_loop3A_771 = tpu.vector_load_idx %arg6[%parallel_loop3A_770] : memref<16384xf32, #tpu.memory_space<vmem>>[vector<16xi32>], vector<16xf32>,
        %parallel_loop3A_772 = arith.index_cast %parallel_loop3A_635 : i32 to index
        %parallel_loop3A_773 = arith.constant 416 : index
        %parallel_loop3A_774 = tpu.vector_load %arg8[%parallel_loop3A_772, %parallel_loop3A_773] {strides = array<i32>} : memref<64x512xf32, #tpu.memory_space<vmem>>, vector<16xf32>,
        tpu.vector_store %arg8[%parallel_loop3A_772, %parallel_loop3A_773], %parallel_loop3A_771 {strides = array<i32>} : memref<64x512xf32, #tpu.memory_space<vmem>>, vector<16xf32>,
        %parallel_loop3A_775 = arith.addi %parallel_loop3A_639, %get3A_556 : vector<16xi32>
        %parallel_loop3A_776 = tpu.vector_load_idx %arg6[%parallel_loop3A_775] : memref<16384xf32, #tpu.memory_space<vmem>>[vector<16xi32>], vector<16xf32>,
        %parallel_loop3A_777 = arith.index_cast %parallel_loop3A_635 : i32 to index
        %parallel_loop3A_778 = arith.constant 432 : index
        %parallel_loop3A_779 = tpu.vector_load %arg8[%parallel_loop3A_777, %parallel_loop3A_778] {strides = array<i32>} : memref<64x512xf32, #tpu.memory_space<vmem>>, vector<16xf32>,
        tpu.vector_store %arg8[%parallel_loop3A_777, %parallel_loop3A_778], %parallel_loop3A_776 {strides = array<i32>} : memref<64x512xf32, #tpu.memory_space<vmem>>, vector<16xf32>,
        %parallel_loop3A_780 = arith.addi %parallel_loop3A_639, %get3A_562 : vector<16xi32>
        %parallel_loop3A_781 = tpu.vector_load_idx %arg6[%parallel_loop3A_780] : memref<16384xf32, #tpu.memory_space<vmem>>[vector<16xi32>], vector<16xf32>,
        %parallel_loop3A_782 = arith.index_cast %parallel_loop3A_635 : i32 to index
        %parallel_loop3A_783 = arith.constant 448 : index
        %parallel_loop3A_784 = tpu.vector_load %arg8[%parallel_loop3A_782, %parallel_loop3A_783] {strides = array<i32>} : memref<64x512xf32, #tpu.memory_space<vmem>>, vector<16xf32>,
        tpu.vector_store %arg8[%parallel_loop3A_782, %parallel_loop3A_783], %parallel_loop3A_781 {strides = array<i32>} : memref<64x512xf32, #tpu.memory_space<vmem>>, vector<16xf32>,
        %parallel_loop3A_785 = arith.addi %parallel_loop3A_639, %get3A_568 : vector<16xi32>
        %parallel_loop3A_786 = tpu.vector_load_idx %arg6[%parallel_loop3A_785] : memref<16384xf32, #tpu.memory_space<vmem>>[vector<16xi32>], vector<16xf32>,
        %parallel_loop3A_787 = arith.index_cast %parallel_loop3A_635 : i32 to index
        %parallel_loop3A_788 = arith.constant 464 : index
        %parallel_loop3A_789 = tpu.vector_load %arg8[%parallel_loop3A_787, %parallel_loop3A_788] {strides = array<i32>} : memref<64x512xf32, #tpu.memory_space<vmem>>, vector<16xf32>,
        tpu.vector_store %arg8[%parallel_loop3A_787, %parallel_loop3A_788], %parallel_loop3A_786 {strides = array<i32>} : memref<64x512xf32, #tpu.memory_space<vmem>>, vector<16xf32>,
        %parallel_loop3A_790 = arith.addi %parallel_loop3A_639, %get3A_574 : vector<16xi32>
        %parallel_loop3A_791 = tpu.vector_load_idx %arg6[%parallel_loop3A_790] : memref<16384xf32, #tpu.memory_space<vmem>>[vector<16xi32>], vector<16xf32>,
        %parallel_loop3A_792 = arith.index_cast %parallel_loop3A_635 : i32 to index
        %parallel_loop3A_793 = arith.constant 480 : index
        %parallel_loop3A_794 = tpu.vector_load %arg8[%parallel_loop3A_792, %parallel_loop3A_793] {strides = array<i32>} : memref<64x512xf32, #tpu.memory_space<vmem>>, vector<16xf32>,
        tpu.vector_store %arg8[%parallel_loop3A_792, %parallel_loop3A_793], %parallel_loop3A_791 {strides = array<i32>} : memref<64x512xf32, #tpu.memory_space<vmem>>, vector<16xf32>,
        %parallel_loop3A_795 = arith.addi %parallel_loop3A_639, %get3A_580 : vector<16xi32>
        %parallel_loop3A_796 = tpu.vector_load_idx %arg6[%parallel_loop3A_795] : memref<16384xf32, #tpu.memory_space<vmem>>[vector<16xi32>], vector<16xf32>,
        %parallel_loop3A_797 = arith.index_cast %parallel_loop3A_635 : i32 to index
        %parallel_loop3A_798 = arith.constant 496 : index
        %parallel_loop3A_799 = tpu.vector_load %arg8[%parallel_loop3A_797, %parallel_loop3A_798] {strides = array<i32>} : memref<64x512xf32, #tpu.memory_space<vmem>>, vector<16xf32>,
        tpu.vector_store %arg8[%parallel_loop3A_797, %parallel_loop3A_798], %parallel_loop3A_796 {strides = array<i32>} : memref<64x512xf32, #tpu.memory_space<vmem>>, vector<16xf32>,
      } {sc.loop_unroll_factor = 2 : i64, sc.parallel_access}
      %add3A_584 = arith.addi %mul3A_2, %add3A_355 : i32
      %jit3A_585 = arith.constant 32 : i32
      %div3A_586 = arith.divsi %add3A_584, %jit3A_585 : i32
      %sign3A_587 = arith.constant 0 : i32
      %sign3A_588 = arith.cmpi sgt, %add3A_584, %sign3A_587 : i32
      %sign3A_589 = arith.extui %sign3A_588 : i1 to i32
      %sign3A_590 = arith.constant 0 : i32
      %sign3A_591 = arith.cmpi slt, %add3A_584, %sign3A_590 : i32
      %sign3A_592 = arith.extui %sign3A_591 : i1 to i32
      %sign3A_593 = arith.subi %sign3A_589, %sign3A_592 : i32
      %sign3A_594 = arith.constant 0 : i32
      %sign3A_595 = arith.cmpi sgt, %jit3A_585, %sign3A_594 : i32
      %sign3A_596 = arith.extui %sign3A_595 : i1 to i32
      %sign3A_597 = arith.constant 0 : i32
      %sign3A_598 = arith.cmpi slt, %jit3A_585, %sign3A_597 : i32
      %sign3A_599 = arith.extui %sign3A_598 : i1 to i32
      %sign3A_600 = arith.subi %sign3A_596, %sign3A_599 : i32
      %ne3A_601 = arith.cmpi ne, %sign3A_593, %sign3A_600 : i32
      %rem3A_602 = arith.remsi %add3A_584, %jit3A_585 : i32
      %ne3A_603 = arith.constant 0 : i32
      %ne3A_604 = arith.cmpi ne, %rem3A_602, %ne3A_603 : i32
      %and3A_605 = arith.andi %ne3A_601, %ne3A_604 : i1
      %sub3A_606 = arith.constant 1 : i32
      %sub3A_607 = arith.subi %div3A_586, %sub3A_606 : i32
      %select_n3A_608 = arith.select %and3A_605, %sub3A_607, %div3A_586 : i32
      %jit3A_609 = arith.constant 32 : i32
      %eq3A_610 = arith.constant 0 : i32
      %eq3A_611 = arith.cmpi eq, %jit3A_609, %eq3A_610 : i32
      %jit3A_612 = arith.constant 1 : i32
      %select_n3A_613 = arith.select %eq3A_611, %jit3A_612, %jit3A_609 : i32
      %rem3A_614 = arith.remsi %add3A_584, %select_n3A_613 : i32
      %ne3A_615 = arith.constant 0 : i32
      %ne3A_616 = arith.cmpi ne, %rem3A_614, %ne3A_615 : i32
      %lt3A_617 = arith.constant 0 : i32
      %lt3A_618 = arith.cmpi slt, %rem3A_614, %lt3A_617 : i32
      %lt3A_619 = arith.constant 0 : i32
      %lt3A_620 = arith.cmpi slt, %select_n3A_613, %lt3A_619 : i32
      %ne3A_621 = arith.xori %lt3A_618, %lt3A_620 : i1
      %and3A_622 = arith.andi %ne3A_621, %ne3A_616 : i1
      %add3A_623 = arith.addi %rem3A_614, %select_n3A_613 : i32
      %select_n3A_624 = arith.select %and3A_622, %add3A_623, %rem3A_614 : i32
      %mul3A_625 = arith.constant 512 : i32
      %mul3A_626 = arith.muli %select_n3A_624, %mul3A_625 : i32
      %dma_start3A_627 = arith.constant 0 : i32
      %dma_start3A_628 = tpu.memref_slice %arg4[%select_n3A_608, %dma_start3A_627, %mul3A_626] : memref<26x64x16384xf32, #tpu.memory_space<hbm>> -> memref<1x64x512xf32, #tpu.memory_space<hbm>>
      %dma_start3A_629 = tpu.memref_squeeze %dma_start3A_628 : memref<1x64x512xf32, #tpu.memory_space<hbm>> -> memref<64x512xf32, #tpu.memory_space<hbm>>
      %dma_start3A_630 = arith.constant 0 : i32
      %dma_start3A_631 = tpu.memref_slice %arg4[%select_n3A_608, %dma_start3A_630, %mul3A_626] : memref<26x64x16384xf32, #tpu.memory_space<hbm>> -> memref<1x64x512xf32, #tpu.memory_space<hbm>>
      %dma_start3A_632 = tpu.memref_squeeze %dma_start3A_631 : memref<1x64x512xf32, #tpu.memory_space<hbm>> -> memref<64x512xf32, #tpu.memory_space<hbm>>
      tpu.enqueue_dma source(%arg8 : memref<64x512xf32, #tpu.memory_space<vmem>>) target(%dma_start3A_632 : memref<64x512xf32, #tpu.memory_space<hbm>>) target_semaphore(%arg10 : memref<!tpu.dma_semaphore, #tpu.memory_space<semaphore_mem>>)
    }
    %scan3A_58 = arith.constant 13 : i32
    %dma_wait3A_59 = arith.constant 0 : i32
    %dma_wait3A_60 = arith.constant 0 : i32
    %dma_wait3A_61 = arith.constant 0 : i32
    %dma_wait3A_62 = tpu.memref_slice %arg4[%dma_wait3A_59, %dma_wait3A_60, %dma_wait3A_61] : memref<26x64x16384xf32, #tpu.memory_space<hbm>> -> memref<1x64x512xf32, #tpu.memory_space<hbm>>
    %dma_wait3A_63 = tpu.memref_squeeze %dma_wait3A_62 : memref<1x64x512xf32, #tpu.memory_space<hbm>> -> memref<64x512xf32, #tpu.memory_space<hbm>>
    %dma_wait3A_64 = arith.constant 0 : i32
    %dma_wait3A_65 = arith.constant 0 : i32
    %dma_wait3A_66 = tpu.memref_slice %arg4[%dma_wait3A_59, %dma_wait3A_64, %dma_wait3A_65] : memref<26x64x16384xf32, #tpu.memory_space<hbm>> -> memref<1x64x512xf32, #tpu.memory_space<hbm>>
    %dma_wait3A_67 = tpu.memref_squeeze %dma_wait3A_66 : memref<1x64x512xf32, #tpu.memory_space<hbm>> -> memref<64x512xf32, #tpu.memory_space<hbm>>
    tpu.wait_dma2 semaphore(%arg9 : memref<!tpu.dma_semaphore, #tpu.memory_space<semaphore_mem>>) src(%dma_wait3A_67 : memref<64x512xf32, #tpu.memory_space<hbm>>) dst(%arg7 : memref<64x512xf32, #tpu.memory_space<vmem>>)
    %dma_wait3A_68 = arith.constant 0 : i32
    %dma_wait3A_69 = arith.constant 0 : i32
    %dma_wait3A_70 = arith.constant 0 : i32
    %dma_wait3A_71 = tpu.memref_slice %arg4[%dma_wait3A_68, %dma_wait3A_69, %dma_wait3A_70] : memref<26x64x16384xf32, #tpu.memory_space<hbm>> -> memref<1x64x512xf32, #tpu.memory_space<hbm>>
    %dma_wait3A_72 = tpu.memref_squeeze %dma_wait3A_71 : memref<1x64x512xf32, #tpu.memory_space<hbm>> -> memref<64x512xf32, #tpu.memory_space<hbm>>
    %dma_wait3A_73 = arith.constant 0 : i32
    %dma_wait3A_74 = arith.constant 0 : i32
    %dma_wait3A_75 = tpu.memref_slice %arg4[%dma_wait3A_68, %dma_wait3A_73, %dma_wait3A_74] : memref<26x64x16384xf32, #tpu.memory_space<hbm>> -> memref<1x64x512xf32, #tpu.memory_space<hbm>>
    %dma_wait3A_76 = tpu.memref_squeeze %dma_wait3A_75 : memref<1x64x512xf32, #tpu.memory_space<hbm>> -> memref<64x512xf32, #tpu.memory_space<hbm>>
    tpu.wait_dma2 semaphore(%arg10 : memref<!tpu.dma_semaphore, #tpu.memory_space<semaphore_mem>>) src(%dma_wait3A_76 : memref<64x512xf32, #tpu.memory_space<hbm>>) dst(%arg8 : memref<64x512xf32, #tpu.memory_space<vmem>>)
    return
  }
}

</mosaic_0001>

<sc_bundles>
// kernel: kernel.3.cloned.1.call-start
scs
__scs_entry_jumppad:
0x0: {  	(pc) =	sbr.rel $0x88, $3  }
0x1: {  	(tag) =	ssettag $0x0;
	lr =	simm.s32 $0x1  }
0x2: {  	[smem:$0x3F9F] =	sst lr;
	_ =	strace $0xD0000000  }
0x3: {  	_ = 	snop  }
0x4: {  	_ = 	snop  }
0x5: {  	_ = 	snop  }
0x6: {  	_ = 	snop  }
0x7: {  	_ = 	snop  }
__scs_overlays_trampoline_lowered:
0x8: {  	[smem:$0x3FAE] =	sst s0  }
0x9: {  	[smem:$0x3FAF] =	sst s1  }
0xa: {  	[smem:$0x3FB0] =	sst s2  }
0xb: {  	[smem:$0x3FB1] =	sst s3  }
0xc: {  	[smem:$0x3FB2] =	sst s4  }
0xd: {  	[smem:$0x3FB3] =	sst s5  }
0xe: {  	[smem:$0x3FB4] =	sst s6  }
0xf: {  	[smem:$0x3FB5] =	sst s7  }
0x10: {  	[smem:$0x3FB6] =	sst s8  }
0x11: {  	[smem:$0x3FB7] =	sst s9;
	s0 =	simm.s32 @!p0 $0x0  }
0x12: {  	s1 =	sld [smem:$0x3F9D];
	s0 =	simm.s32 @p0 $0x1  }
0x13: {  	[smem:$0x3FB8] =	sst s0;
	s0 =	simm.s32 @!p1 $0x0  }
0x14: {  	s2 =	sld [smem:$0x3F9C];
	s0 =	simm.s32 @p1 $0x1  }
0x15: {  	[smem:$0x3FB9] =	sst s0;
	s0 =	simm.s32 @!p2 $0x0  }
0x16: {  	s3 =	sld [smem:$0x3FDB];
	s0 =	simm.s32 @p2 $0x1  }
0x17: {  	s4 =	simm.s32 $0x1BF5;
	[smem:$0x3FBB] =	sst s0  }
0x18: {  	s0 =	sld [smem:$0x3F9E];
	_ =	swait.ge [sflag:s4], $0x0  }
0x19: {  	s7 =	sld [smem:$0x3F9F]  }
0x1a: {  	s8 =	sadd.s32 $0xFFFFE003, lr  }
0x1b: {  	s9 =	sadd.s32 $0xFFFFFEF7, lr;
	s5 =	simm.s32 $0xFFFFFFFF;
	p2 =	slt.u32 s8, $0xFFFFF086  }
0x1c: {  	p1 =	slt.u32 s9, $0xF7A;
	s5 =	simm.s32 @!p2 $0x0  }
0x1d: {  	s5 =	simm.s32 @p1 $0x1;
	p0 =	seq.s32 s7, s2  }
0x1e: {  	s7 =	smul.u32 @!p0 $0xF7A, s2;
	p2 =	seq.s32 @!p0 s5, $0x0  }
0x1f: {  	s9 =	smul.u32 $0xF7A, s1;
	s8 =	simm.s32 @!p0 $0x1BF5;
	p2 =	por !p2, p0  }
0x20: {  	[sflag:s8] =	ssyncset.s32 @!p0 $0xFFFFF086;
	s6 =	sadd.s32 @!p0 s3, s7;
	s7 =	simm.s32 @!p0 $0x108  }
0x21: {  	s3 =	sadd.s32 s3, s9;
	s6 =	sadd.s32 @!p0 $0x88, s6;
	s7 =	simm.s32 @p2 $0x1082  }
0x22: {  	[simem:s7], [sflag:s8] =	dma.local @!p0 [hbm:s6], $0xF7A  }
0x23: {  	s9 =	sor.u32 $0xD0000000, s2;
	s6 =	simm.s32 $0x108;
	_ =	swait.ge @!p0 [sflag:s8], $0x0  }
0x24: {  	s3 =	sadd.s32 $0x88, s3;
	s6 =	simm.s32 @!p1 $0x1082;
	[sflag:s4] =	ssyncset.s32 $0xFFFFF086  }
0x25: {  	[simem:s6], [sflag:s4] =	dma.local [hbm:s3], $0xF7A  }
0x26: {  	[smem:$0x3F9F] =	sst s1;
	(tag) =	ssettag s2;
	_ =	strace s9  }
0x27: {  	s1 =	sld [smem:$0x3FAF]  }
0x28: {  	s2 =	sld [smem:$0x3FB0]  }
0x29: {  	s4 =	sld [smem:$0x3FB2]  }
0x2a: {  	p0 =	seq.s32 s5, $0x0;
	s5 =	sld [smem:$0x3FB3]  }
0x2b: {  	s6 =	sld [smem:$0x3FB4]  }
0x2c: {  	s7 =	sld [smem:$0x3FB5]  }
0x2d: {  	s3 =	simm.s32 $0x108;
	s8 =	sld [smem:$0x3FB6]  }
0x2e: {  	s3 =	simm.s32 @!p0 $0x1082;
	s9 =	sld [smem:$0x3FB7]  }
0x2f: {  	lr =	sadd.s32 s0, s3;
	s0 =	sld [smem:$0x3FAE]  }
0x30: {  	s3 =	sld [smem:$0x3FB1]  }
0x31: {  	[smem:$0x3FBA] =	sst s10  }
0x32: {  	s10 =	sld [smem:$0x3FB8];
	_ =	sdelay $0x3  }
0x33: {  	p0 =	seq.s32 s10, $0x1;
	s10 =	sld [smem:$0x3FBA];
	_ =	sdelay $0x3  }
0x34: {  	[smem:$0x3FBA] =	sst s10  }
0x35: {  	s10 =	sld [smem:$0x3FB9];
	_ =	sdelay $0x3  }
0x36: {  	p1 =	seq.s32 s10, $0x1;
	s10 =	sld [smem:$0x3FBA];
	_ =	sdelay $0x3  }
0x37: {  	[smem:$0x3FBA] =	sst s10  }
0x38: {  	s10 =	sld [smem:$0x3FBB]  }
0x39: {  	_ = 	snop;
	(pc) =	sbr.ind lr, $3  }
0x3a: {  	_ = 	snop  }
0x3b: {  	_ = 	snop  }
0x3c: {  	p2 =	seq.s32 s10, $0x1;
	s10 =	sld [smem:$0x3FBA]  }
0x3d: {  	_ =	shalt  }
0x3e: {  	_ =	shalt  }
0x3f: {  	_ =	shalt  }
0x40: {  	_ =	shalt  }
0x41: {  	_ =	shalt  }
0x42: {  	_ =	shalt  }
0x43: {  	_ =	shalt  }
0x44: {  	_ =	shalt  }
0x45: {  	_ =	shalt  }
0x46: {  	_ =	shalt  }
0x47: {  	_ =	shalt  }
0x48: {  	_ =	shalt  }
0x49: {  	_ =	shalt  }
0x4a: {  	_ =	shalt  }
0x4b: {  	_ =	shalt  }
0x4c: {  	_ =	shalt  }
0x4d: {  	_ =	shalt  }
0x4e: {  	_ =	shalt  }
0x4f: {  	_ =	shalt  }
0x50: {  	_ =	shalt  }
0x51: {  	_ =	shalt  }
0x52: {  	_ =	shalt  }
0x53: {  	_ =	shalt  }
0x54: {  	_ =	shalt  }
0x55: {  	_ =	shalt  }
0x56: {  	_ =	shalt  }
0x57: {  	_ =	shalt  }
0x58: {  	_ =	shalt  }
0x59: {  	_ =	shalt  }
0x5a: {  	_ =	shalt  }
0x5b: {  	_ =	shalt  }
0x5c: {  	_ =	shalt  }
0x5d: {  	_ =	shalt  }
0x5e: {  	_ =	shalt  }
0x5f: {  	_ =	shalt  }
0x60: {  	_ =	shalt  }
0x61: {  	_ =	shalt  }
0x62: {  	_ =	shalt  }
0x63: {  	_ =	shalt  }
0x64: {  	_ =	shalt  }
0x65: {  	_ =	shalt  }
0x66: {  	_ =	shalt  }
0x67: {  	_ =	shalt  }
0x68: {  	_ =	shalt  }
0x69: {  	_ =	shalt  }
0x6a: {  	_ =	shalt  }
0x6b: {  	_ =	shalt  }
0x6c: {  	_ =	shalt  }
0x6d: {  	_ =	shalt  }
0x6e: {  	_ =	shalt  }
0x6f: {  	_ =	shalt  }
0x70: {  	_ =	shalt  }
0x71: {  	_ =	shalt  }
0x72: {  	_ =	shalt  }
0x73: {  	_ =	shalt  }
0x74: {  	_ =	shalt  }
0x75: {  	_ =	shalt  }
0x76: {  	_ =	shalt  }
0x77: {  	_ =	shalt  }
0x78: {  	_ =	shalt  }
0x79: {  	_ =	shalt  }
0x7a: {  	_ =	shalt  }
0x7b: {  	_ =	shalt  }
0x7c: {  	_ =	shalt  }
0x7d: {  	_ =	shalt  }
0x7e: {  	_ =	shalt  }
0x7f: {  	_ =	shalt  }
0x80: {  	_ =	shalt  }
0x81: {  	_ =	shalt  }
0x82: {  	_ =	shalt  }
0x83: {  	_ =	shalt  }
0x84: {  	_ =	shalt  }
0x85: {  	_ =	shalt  }
0x86: {  	_ =	shalt  }
0x87: {  	_ =	shalt  }
.Lfunc_end0:
.L_simem_size_0:
called_computation_lowered:
.L_overlay_start_0:
0x88: {  	s2 =	sld [smem:$0x3FD9]  }
0x89: {  	s3 =	sld [smem:$0x3FFE];
	_ =	sdelay $0x1  }
0x8a: {  	s1 =	srdreg.scid  }
0x8b: {  	s0 =	sand.u32 $0x1, s1  }
0x8c: {  	s17 =	sshll.u32 s0, $0xA;
	s2 =	sadd.s32 s3, s2  }
0x8d: {  	s2 =	sadd.s32 s2, s17  }
0x8e: {  	[smem:$0x3FC6] =	sst s2  }
0x8f: {  	_ = 	snop  }
0x90: {  	s2 =	sld [smem:$0x3FD0];
	(tm) =	ssettm $0x1  }
0x91: {  	s18 =	sld [smem:$0x3FFB];
	_ =	sdelay $0x3  }
0x92: {  	_ =	strace s18  }
0x93: {  	s3 =	sld [smem:$0x3FFC];
	_ =	sdelay $0x3  }
0x94: {  	_ =	strace s3  }
0x95: {  	s3 =	sld [smem:$0x3FFD];
	_ =	sdelay $0x3  }
0x96: {  	_ =	strace s3  }
0x97: {  	_ =	strace $0x8FFFFFFF  }
0x98: {  	s19 =	sld [smem:$0x3FDB];
	_ =	sdelay $0x1  }
0x99: {  	s4 =	simm.s32 $_scs_section_size  }
0x9a: {  	s5 =	simm.s32 $_size__tile_overlayer_lowered;
	s6 =	simm.s32 $_tile_overlayer_lowered  }
0x9b: {  	s22 =	simm.s32 $0x1BFF;
	s21 =	sshll.u32 s6, $0x1;
	s3 =	sadd.s32 s4, s19  }
0x9c: {  	s7 =	simm.s32 $0x0;
	s20 =	sshll.u32 s5, $0x1;
	s5 =	sadd.s32 s21, s3  }
0x9d: {  	[timem:s7], [sflag:s22] =	dma.local [hbm:s5], s20  }
0x9e: {  	_ =	swait.ge [sflag:s22], s20  }
0x9f: {  	s4 =	ssub.s32 $0x0, s20;
	[sflag:s22] =	ssyncset.done $0x0  }
0xa0: {  	[sflag:s22] =	ssyncadd.s32 s4;
	_ =	sdelay $0x1  }
0xa1: {  	s23 =	simm.s32 $0x1B8B  }
0xa2: {  	_ =	swait.ge [sflag:s23], $0x1  }
0xa3: {  	[sflag:s23] =	ssyncset.done $0x0  }
0xa4: {  	s25 =	simm.s32 $0x1B8E;
	s24 =	sld [smem:$0x3FFE];
	[sflag:s23] =	ssyncadd.s32 $0xFFFFFFFF  }
0xa5: {  	s26 =	simm.s32 $execute0_lowered;
	[smem:$0x3FD2] =	sst s25  }
0xa6: {  	s5 =	sshll.u32 s26, $0x1;
	_ =	strace $0x80000046;
	[dreg:$0x1] =	wrdreg $0xFFFFFFFF  }
0xa7: {  	s28 =	simm.s32 $_size_execute0_lowered;
	s3 =	sadd.s32 s3, s5;
	[dreg:$0x0] =	wrdreg $0x0  }
0xa8: {  	s5 =	sshll.u32 s28, $0x1;
	[dreg:$0x2] =	wrdreg s3  }
0xa9: {  	[dreg:$0x3] =	wrdreg s5  }
0xaa: {  	[dreg:$0x4] =	wrdreg $0xC0  }
0xab: {  	_ =	task [dreg:s7], $0x5FFFF  }
0xac: {  	[dreg:$0x1] =	wrdreg $0xFFFFFFFF  }
0xad: {  	[dreg:$0x0] =	wrdreg $0x60  }
0xae: {  	[dreg:$0x2] =	wrdreg s24  }
0xaf: {  	[dreg:$0x3] =	wrdreg s2  }
0xb0: {  	[dreg:$0x4] =	wrdreg $0x9  }
0xb1: {  	_ =	task.clear_ibuf [dreg:s7], $0x5FFFF;
	_ =	strace $0x90000046  }
0xb2: {  	s29 =	simm.s32 $0x9;
	_ =	strace $0x80000048  }
0xb3: {  	_ =	swait.ge [sflag:s29], $0x1  }
0xb4: {  	[sflag:s29] =	ssyncadd.s32 $0xFFFFFFFF  }
0xb5: {  	_ =	strace $0x90000048  }
0xb6: {  	_ =	sfence  }
0xb7: {  	s30 =	sld [smem:$0x0];
	_ =	sdelay $0x2  }
0xb8: {  	s31 =	sshll.u32 s1, $0xD;
	s1 =	sshrl.u32 s1, $0x2  }
0xb9: {  	s3 =	sand.u32 $0x4000, s31;
	s1 =	sadd.s32 s1, s30  }
0xba: {  	s0 =	sor.u32 s3, s0;
	s1 =	sshll.u32 s1, $0x11  }
0xbb: {  	s0 =	sor.u32 s1, s0  }
0xbc: {  	s0 =	sadd.s32 $0x8F2B, s0  }
0xbd: {  	[sflag:s0] =	ssyncadd.remote.s32 $0x1  }
0xbe: {  	_ =	sfence.sel $0xFFFF  }
0xbf: {  	[dreg:$0x0] =	wrdreg $0xFFFFFFFF;
	(pc) =	sbr.abs _section_cstart, $3  }
0xc0: {  	[dreg:$0x1] =	wrdreg $0xFFFFFFFF  }
0xc1: {  	_ =	task.clear_ibuf [dreg:s7], $0x2FFFF;
	_ =	strace $0x9FFFFFFF  }
0xc2: {  	(tm) =	ssettm $0x7FFFFFFF  }
0xc3: {  	_ =	shalt  }
tec
execute0_lowered:
.L_overlay_start_1:
0x0: {  	(tag) =	ssettag $0x1  }
0x1: {  	s0 =	srdreg.scid  }
0x2: {  	s4 =	stileid.u32;
	s1 =	rddreg [dreg:$0x0]  }
0x3: {  	s0 =	sand.u32 $0x1, s0;
	s2 =	sshll.u32 s4, $0x1;
	s4 =	smul.u32 $0x34, s4  }
0x4: {  	s2 =	sor.u32 s0, s2;
	s20 =	ssub.s32 $0x2, s0;
	s0 =	smul.u32 $0x1A, s0  }
0x5: {  	s5 =	simm.s32 $0x0;
	s12 =	simm.s32 $0x3400;
	s3 =	smul.u32 $0x680, s2  }
0x6: {  	[smem:$0x7FF] =	sst s5;
	s7 =	smul.u32 $0x1A, s2;
	s21 =	sshrl.u32 s20, $0x1  }
0x7: {  	_ =	strace $0x80000047;
	s2 =	ssub.s32 s20, s21;
	s24 =	sadd.s32 s0, s4  }
0x8: {  	s3 =	sadd.s32 s3, s1;
	s1 =	sadd.s32 $0xD600, s1;
	s6 =	sshrl.u32 s7, $0x5  }
0x9: {  	[smem:$0x7F7] =	sst s7;
	s23 =	sshll.u32 s7, $0x5;
	s4 =	sshll.u32 s24, $0x8  }
0xa: {  	s30 =	smax.u32 s2, $0x1;
	[smem:$0x7FC] =	sst s24;
	s31 =	sor.u32 $0x1, s24  }
0xb: {  	s22 =	smin.u32 s6, $0x18;
	s3 =	sadd.s32 $0x600, s3;
	[smem:$0x7FA] =	sst s30  }
0xc: {  	s25 =	sand.u32 $0x7C00, s23;
	s29 =	sand.u32 $0x7E000, s4;
	[smem:$0x7FD] =	sst s31  }
0xd: {  	[smem:$0x7F6] =	sst s3;
	s5 =	sshll.u32 s22, $0xA;
	s0 =	sadd.s32 s1, s25  }
0xe: {  	s26 =	sadd.s32 s5, s1;
	[smem:$0x7F8] =	sst s0;
	s0 =	ssub.s32 $0x0, s29  }
0xf: {  	s4 =	simm.s32 $0x2;
	s28 =	sadd.s32 $0x400, s26;
	[smem:$0x7FB] =	sst s0  }
0x10: {  	s3 =	simm.s32 $0x1;
	s1 =	simm.s32 $0x0;
	[smem:$0x7F9] =	sst s28  }
.LBB2_1:
0x11: {  	s29 =	sld [smem:$0x7F6];
	_ =	sdelay $0x1  }
0x12: {  	s0 =	simm.s32 $0x0;
	s30 =	sld [smem:$0x7F8]  }
0x13: {  	[tilespmem:s0], [sflag:$0x1] =	stream.linear.gather [hbm4b:s29+s0], $0x3400, $0x38;
	[tilespmem:$0x17400] =	vst v63  }
0x14: {  	s31 =	sld [smem:$0x7F9]  }
0x15: {  	[tilespmem:s12], [sflag:$0x2] =	stream.linear.gather [hbm4b:s30+s0], $0x2000, $0x38;
	[tilespmem:$0x17400] =	vst v63  }
0x16: {  	[smem:$0x7F5] =	sst s1;
	s2 =	simm.s32 $0x5400  }
0x17: {  	[tilespmem:s2], [sflag:$0x2] =	stream.linear.gather [hbm4b:s31+s0], $0x2000, $0x38;
	[tilespmem:$0x17400] =	vst v63  }
0x18: {  	_ =	swait.ge [sflag:s3], $0x3400  }
0x19: {  	[sflag:s3] =	ssyncset.done $0x0  }
0x1a: {  	[sflag:s3] =	ssyncadd.s32 $0xFFFFCC00  }
0x1b: {  	_ =	swait.ge [sflag:s4], $0x2000  }
0x1c: {  	[sflag:s4] =	ssyncset.done $0x0  }
0x1d: {  	[sflag:s4] =	ssyncadd.s32 $0xFFFFE000  }
0x1e: {  	_ =	swait.ge [sflag:s4], $0x2000  }
0x1f: {  	[sflag:s4] =	ssyncset.done $0x0;
	s0 =	sld [smem:$0x7FD]  }
0x20: {  	s15 =	simm.s32 $0x0;
	s1 =	sld [smem:$0x7FC];
	[sflag:s4] =	ssyncadd.s32 $0xFFFFE000  }
.LBB2_2:
0x21: {  	s2 =	sld [smem:$0x7FB]  }
0x22: {  	s20 =	sshll.u32 s0, $0x8  }
0x23: {  	[smem:$0x7EF] =	sst s0;
	s0 =	sand.u32 $0xFFFFE000, s20;
	s21 =	sshll.u32 s1, $0x8  }
0x24: {  	[smem:$0x7F0] =	sst s1;
	s0 =	sadd.s32 s0, s2;
	s1 =	sand.u32 $0xFFFFE000, s21  }
0x25: {  	p0 =	seq.s32 s15, $0x0;
	[dreg:$0x4] =	wrdreg s0;
	s22 =	sadd.s32 s1, s2  }
0x26: {  	s0 =	simm.s32 @!p0 $0x1;
	[dreg:$0x3] =	wrdreg s22  }
0x27: {  	_ =	swait.ge @!p0 [sflag:s0], $0x8000  }
0x28: {  	s23 =	sshll.u32 s15, $0xA;
	[sflag:s0] =	ssyncset.done @!p0 $0x0  }
0x29: {  	s24 =	sand.u32 $0x3FFFFC00, s23;
	[sflag:s0] =	ssyncadd.s32 @!p0 $0xFFFF8000  }
0x2a: {  	v11 =	vld [tilespmem:s24+$0x0]  }
0x2b: {  	v13 =	vld [tilespmem:s24+$0x10]  }
0x2c: {  	v14 =	vld [tilespmem:s24+$0x20]  }
0x2d: {  	v15 =	vld [tilespmem:s24+$0x30]  }
0x2e: {  	v16 =	vld [tilespmem:s24+$0x40]  }
0x2f: {  	v17 =	vld [tilespmem:s24+$0x50]  }
0x30: {  	v18 =	vld [tilespmem:s24+$0x60]  }
0x31: {  	v21 =	vld [tilespmem:s24+$0x70]  }
0x32: {  	v45 =	vld [tilespmem:s24+$0x80]  }
0x33: {  	v57 =	vld [tilespmem:s24+$0x90]  }
0x34: {  	v23 =	vld [tilespmem:s24+$0xA0]  }
0x35: {  	v44 =	vld [tilespmem:s24+$0xB0]  }
0x36: {  	v43 =	vld [tilespmem:s24+$0xC0]  }
0x37: {  	v24 =	vld [tilespmem:s24+$0xD0]  }
0x38: {  	v42 =	vld [tilespmem:s24+$0xE0]  }
0x39: {  	v41 =	vld [tilespmem:s24+$0xF0]  }
0x3a: {  	v40 =	vld [tilespmem:s24+$0x100]  }
0x3b: {  	v39 =	vld [tilespmem:s24+$0x110]  }
0x3c: {  	v38 =	vld [tilespmem:s24+$0x120]  }
0x3d: {  	v37 =	vld [tilespmem:s24+$0x130]  }
0x3e: {  	s25 =	rddreg [dreg:$0x3];
	v36 =	vld [tilespmem:s24+$0x140]  }
0x3f: {  	s0 =	sadd.s32 $0x0, s25;
	v35 =	vld [tilespmem:s24+$0x150]  }
0x40: {  	v34 =	vld [tilespmem:s24+$0x160];
	s1 =	sadd.s32 $0x80, s0  }
0x41: {  	v33 =	vld [tilespmem:s24+$0x170];
	v0 =	vadd.s32 s1, v11  }
0x42: {  	v32 =	vld [tilespmem:s24+$0x180]  }
0x43: {  	v31 =	vld [tilespmem:s24+$0x190]  }
0x44: {  	v30 =	vld [tilespmem:s24+$0x1A0]  }
0x45: {  	v29 =	vld [tilespmem:s24+$0x1B0]  }
0x46: {  	v1 =	vadd.s32 s0, v11;
	v0 =	vld.idx.msk [tilespmem:v0+s12+$0x0], $0xffff  }
0x47: {  	s5 =	simm.s32 $0x0;
	v28 =	vld [tilespmem:s24+$0x1C0];
	v2 =	vadd.s32 s1, v13  }
0x48: {  	s4 =	simm.s32 $0x80;
	s3 =	sand.u32 $0x7000, s5;
	v27 =	vld [tilespmem:s24+$0x1D0]  }
0x49: {  	s4 =	sand.u32 $0x380, s4;
	s3 =	sadd.s32 $0x7400, s3;
	v26 =	vld [tilespmem:s24+$0x1E0]  }
0x4a: {  	s8 =	sor.u32 s4, s3;
	v25 =	vld [tilespmem:s24+$0x1F0]  }
0x4b: {  	v1 =	vld.idx.msk [tilespmem:v1+s12+$0x0], $0xffff;
	[tilespmem:s8+$0x0] =	vst v0  }
0x4c: {  	v0 =	vadd.s32 s0, v13;
	v2 =	vld.idx.msk [tilespmem:v2+s12+$0x0], $0xffff  }
0x4d: {  	v3 =	vadd.s32 s1, v14  }
0x4e: {  	s26 =	sand.u32 $0x300, s5  }
0x4f: {  	s6 =	sor.u32 s26, s3  }
0x50: {  	[tilespmem:s6+$0x0] =	vst v1  }
0x51: {  	v0 =	vld.idx.msk [tilespmem:v0+s12+$0x0], $0xffff;
	[tilespmem:s8+$0x10] =	vst v2  }
0x52: {  	v1 =	vadd.s32 s0, v14;
	v2 =	vld.idx.msk [tilespmem:v3+s12+$0x0], $0xffff  }
0x53: {  	v3 =	vadd.s32 s1, v15;
	_ =	sdelay $0x2  }
0x54: {  	[tilespmem:s6+$0x10] =	vst v0  }
0x55: {  	v0 =	vld.idx.msk [tilespmem:v1+s12+$0x0], $0xffff;
	[tilespmem:s8+$0x20] =	vst v2  }
0x56: {  	v1 =	vadd.s32 s0, v15;
	v2 =	vld.idx.msk [tilespmem:v3+s12+$0x0], $0xffff  }
0x57: {  	v3 =	vadd.s32 s1, v16;
	_ =	sdelay $0x2  }
0x58: {  	[tilespmem:s6+$0x20] =	vst v0  }
0x59: {  	v0 =	vld.idx.msk [tilespmem:v1+s12+$0x0], $0xffff;
	[tilespmem:s8+$0x30] =	vst v2  }
0x5a: {  	v1 =	vadd.s32 s0, v16;
	v2 =	vld.idx.msk [tilespmem:v3+s12+$0x0], $0xffff  }
0x5b: {  	v3 =	vadd.s32 s1, v17;
	_ =	sdelay $0x2  }
0x5c: {  	[tilespmem:s6+$0x30] =	vst v0  }
0x5d: {  	v0 =	vld.idx.msk [tilespmem:v1+s12+$0x0], $0xffff;
	[tilespmem:s8+$0x40] =	vst v2  }
0x5e: {  	v1 =	vadd.s32 s0, v17;
	v2 =	vld.idx.msk [tilespmem:v3+s12+$0x0], $0xffff  }
0x5f: {  	v3 =	vadd.s32 s1, v18;
	_ =	sdelay $0x2  }
0x60: {  	[tilespmem:s6+$0x40] =	vst v0  }
0x61: {  	v0 =	vld.idx.msk [tilespmem:v1+s12+$0x0], $0xffff;
	[tilespmem:s8+$0x50] =	vst v2  }
0x62: {  	v1 =	vadd.s32 s0, v18;
	v2 =	vld.idx.msk [tilespmem:v3+s12+$0x0], $0xffff  }
0x63: {  	v3 =	vadd.s32 s1, v21;
	_ =	sdelay $0x2  }
0x64: {  	[tilespmem:s6+$0x50] =	vst v0  }
0x65: {  	v0 =	vld.idx.msk [tilespmem:v1+s12+$0x0], $0xffff;
	[tilespmem:s8+$0x60] =	vst v2  }
0x66: {  	v1 =	vadd.s32 s0, v21;
	v2 =	vld.idx.msk [tilespmem:v3+s12+$0x0], $0xffff  }
0x67: {  	v3 =	vadd.s32 s1, v45;
	_ =	sdelay $0x2  }
0x68: {  	[tilespmem:s6+$0x60] =	vst v0  }
0x69: {  	s3 =	rddreg [dreg:$0x3];
	v0 =	vld.idx.msk [tilespmem:v1+s12+$0x0], $0xffff;
	[tilespmem:s8+$0x70] =	vst v2  }
0x6a: {  	s2 =	sadd.s32 $0x100, s3;
	v1 =	vadd.s32 s0, v45;
	v2 =	vld.idx.msk [tilespmem:v3+s12+$0x0], $0xffff  }
0x6b: {  	s24 =	sadd.s32 $0x80, s2;
	v3 =	vadd.s32 s1, v57  }
0x6c: {  	v4 =	vadd.s32 s24, v11;
	_ =	sdelay $0x1  }
0x6d: {  	[tilespmem:s6+$0x70] =	vst v0  }
0x6e: {  	v0 =	vld.idx.msk [tilespmem:v1+s12+$0x0], $0xffff;
	v1 =	vadd.s32 s2, v11;
	[tilespmem:s8+$0x400] =	vst v2  }
0x6f: {  	v2 =	vadd.s32 s0, v57;
	v3 =	vld.idx.msk [tilespmem:v3+s12+$0x0], $0xffff  }
0x70: {  	v5 =	vadd.s32 s1, v23;
	v4 =	vld.idx.msk [tilespmem:v4+s12+$0x0], $0xffff  }
0x71: {  	s4 =	simm.s32 $0x400;
	v6 =	vadd.s32 s24, v13  }
0x72: {  	s7 =	simm.s32 $0x180;
	s3 =	sand.u32 $0x7000, s4  }
0x73: {  	s4 =	sand.u32 $0x380, s7;
	s3 =	sadd.s32 $0x7400, s3;
	[tilespmem:s6+$0x400] =	vst v0;
	v0 =	vld.idx.msk [tilespmem:v1+s12+$0x0], $0xffff  }
0x74: {  	s4 =	sor.u32 s4, s3;
	v1 =	vadd.s32 s2, v13;
	v2 =	vld.idx.msk [tilespmem:v2+s12+$0x0], $0xffff;
	[tilespmem:s8+$0x410] =	vst v3  }
0x75: {  	s7 =	simm.s32 $0x100;
	[tilespmem:s4+$0x0] =	vst v4;
	v3 =	vadd.s32 s0, v23;
	v4 =	vld.idx.msk [tilespmem:v5+s12+$0x0], $0xffff  }
0x76: {  	s7 =	sand.u32 $0x300, s7;
	v5 =	vld.idx.msk [tilespmem:v6+s12+$0x0], $0xffff;
	v6 =	vadd.s32 s1, v44  }
0x77: {  	s3 =	sor.u32 s7, s3;
	v7 =	vadd.s32 s24, v14  }
0x78: {  	[tilespmem:s3+$0x0] =	vst v0  }
0x79: {  	v0 =	vld.idx.msk [tilespmem:v1+s12+$0x0], $0xffff;
	[tilespmem:s6+$0x410] =	vst v2  }
0x7a: {  	v1 =	vadd.s32 s2, v14;
	v2 =	vld.idx.msk [tilespmem:v3+s12+$0x0], $0xffff;
	[tilespmem:s8+$0x420] =	vst v4  }
0x7b: {  	v3 =	vadd.s32 s0, v44;
	[tilespmem:s4+$0x10] =	vst v5;
	v4 =	vld.idx.msk [tilespmem:v6+s12+$0x0], $0xffff  }
0x7c: {  	v5 =	vld.idx.msk [tilespmem:v7+s12+$0x0], $0xffff;
	v6 =	vadd.s32 s1, v43  }
0x7d: {  	v7 =	vadd.s32 s24, v15  }
0x7e: {  	[tilespmem:s3+$0x10] =	vst v0  }
0x7f: {  	v0 =	vld.idx.msk [tilespmem:v1+s12+$0x0], $0xffff;
	[tilespmem:s6+$0x420] =	vst v2  }
0x80: {  	v1 =	vadd.s32 s2, v15;
	v2 =	vld.idx.msk [tilespmem:v3+s12+$0x0], $0xffff;
	[tilespmem:s8+$0x430] =	vst v4  }
0x81: {  	v3 =	vadd.s32 s0, v43;
	[tilespmem:s4+$0x20] =	vst v5;
	v4 =	vld.idx.msk [tilespmem:v6+s12+$0x0], $0xffff  }
0x82: {  	v5 =	vld.idx.msk [tilespmem:v7+s12+$0x0], $0xffff;
	v6 =	vadd.s32 s1, v24  }
0x83: {  	v7 =	vadd.s32 s24, v16  }
0x84: {  	[tilespmem:s3+$0x20] =	vst v0  }
0x85: {  	v0 =	vld.idx.msk [tilespmem:v1+s12+$0x0], $0xffff;
	[tilespmem:s6+$0x430] =	vst v2  }
0x86: {  	v1 =	vadd.s32 s2, v16;
	v2 =	vld.idx.msk [tilespmem:v3+s12+$0x0], $0xffff;
	[tilespmem:s8+$0x440] =	vst v4  }
0x87: {  	v3 =	vadd.s32 s0, v24;
	[tilespmem:s4+$0x30] =	vst v5;
	v4 =	vld.idx.msk [tilespmem:v6+s12+$0x0], $0xffff  }
0x88: {  	v5 =	vld.idx.msk [tilespmem:v7+s12+$0x0], $0xffff;
	v6 =	vadd.s32 s1, v42  }
0x89: {  	v7 =	vadd.s32 s24, v17  }
0x8a: {  	[tilespmem:s3+$0x30] =	vst v0  }
0x8b: {  	v0 =	vld.idx.msk [tilespmem:v1+s12+$0x0], $0xffff;
	[tilespmem:s6+$0x440] =	vst v2  }
0x8c: {  	v1 =	vadd.s32 s2, v17;
	v2 =	vld.idx.msk [tilespmem:v3+s12+$0x0], $0xffff;
	[tilespmem:s8+$0x450] =	vst v4  }
0x8d: {  	v3 =	vadd.s32 s0, v42;
	[tilespmem:s4+$0x40] =	vst v5;
	v4 =	vld.idx.msk [tilespmem:v6+s12+$0x0], $0xffff  }
0x8e: {  	v5 =	vld.idx.msk [tilespmem:v7+s12+$0x0], $0xffff;
	v6 =	vadd.s32 s1, v41  }
0x8f: {  	v7 =	vadd.s32 s24, v18  }
0x90: {  	[tilespmem:s3+$0x40] =	vst v0  }
0x91: {  	v0 =	vld.idx.msk [tilespmem:v1+s12+$0x0], $0xffff;
	[tilespmem:s6+$0x450] =	vst v2  }
0x92: {  	v1 =	vadd.s32 s2, v18;
	v2 =	vld.idx.msk [tilespmem:v3+s12+$0x0], $0xffff;
	[tilespmem:s8+$0x460] =	vst v4  }
0x93: {  	v3 =	vadd.s32 s0, v41;
	[tilespmem:s4+$0x50] =	vst v5;
	v4 =	vld.idx.msk [tilespmem:v6+s12+$0x0], $0xffff  }
0x94: {  	v5 =	vld.idx.msk [tilespmem:v7+s12+$0x0], $0xffff;
	v6 =	vadd.s32 s1, v40  }
0x95: {  	v7 =	vadd.s32 s24, v21  }
0x96: {  	[tilespmem:s3+$0x50] =	vst v0  }
0x97: {  	v0 =	vld.idx.msk [tilespmem:v1+s12+$0x0], $0xffff;
	[tilespmem:s6+$0x460] =	vst v2  }
0x98: {  	v1 =	vadd.s32 s2, v21;
	v2 =	vld.idx.msk [tilespmem:v3+s12+$0x0], $0xffff;
	[tilespmem:s8+$0x470] =	vst v4  }
0x99: {  	v3 =	vadd.s32 s0, v40;
	[tilespmem:s4+$0x60] =	vst v5;
	v4 =	vld.idx.msk [tilespmem:v6+s12+$0x0], $0xffff  }
0x9a: {  	v5 =	vld.idx.msk [tilespmem:v7+s12+$0x0], $0xffff;
	v6 =	vadd.s32 s1, v39  }
0x9b: {  	v7 =	vadd.s32 s24, v45  }
0x9c: {  	[tilespmem:s3+$0x60] =	vst v0  }
0x9d: {  	v0 =	vld.idx.msk [tilespmem:v1+s12+$0x0], $0xffff;
	[tilespmem:s6+$0x470] =	vst v2  }
0x9e: {  	v1 =	vadd.s32 s2, v45;
	v2 =	vld.idx.msk [tilespmem:v3+s12+$0x0], $0xffff;
	[tilespmem:s8+$0x800] =	vst v4  }
0x9f: {  	s9 =	rddreg [dreg:$0x3];
	v3 =	vadd.s32 s0, v39;
	[tilespmem:s4+$0x70] =	vst v5;
	v4 =	vld.idx.msk [tilespmem:v6+s12+$0x0], $0xffff  }
0xa0: {  	s7 =	sadd.s32 $0x200, s9;
	v5 =	vld.idx.msk [tilespmem:v7+s12+$0x0], $0xffff;
	v6 =	vadd.s32 s1, v38  }
0xa1: {  	s25 =	sadd.s32 $0x80, s7;
	v7 =	vadd.s32 s24, v57  }
0xa2: {  	[tilespmem:s3+$0x70] =	vst v0;
	v0 =	vadd.s32 s25, v11  }
0xa3: {  	v1 =	vld.idx.msk [tilespmem:v1+s12+$0x0], $0xffff;
	[tilespmem:s6+$0x800] =	vst v2;
	v2 =	vadd.s32 s7, v11  }
0xa4: {  	v8 =	vadd.s32 s2, v57;
	v3 =	vld.idx.msk [tilespmem:v3+s12+$0x0], $0xffff;
	[tilespmem:s8+$0x810] =	vst v4  }
0xa5: {  	v4 =	vadd.s32 s0, v38;
	[tilespmem:s4+$0x400] =	vst v5;
	v5 =	vld.idx.msk [tilespmem:v6+s12+$0x0], $0xffff  }
0xa6: {  	v6 =	vld.idx.msk [tilespmem:v7+s12+$0x0], $0xffff;
	v7 =	vadd.s32 s1, v37  }
0xa7: {  	v9 =	vadd.s32 s24, v23;
	v0 =	vld.idx.msk [tilespmem:v0+s12+$0x0], $0xffff  }
0xa8: {  	s9 =	simm.s32 $0x800;
	[tilespmem:s3+$0x400] =	vst v1;
	v1 =	vld.idx.msk [tilespmem:v2+s12+$0x0], $0xffff;
	v2 =	vadd.s32 s25, v13  }
0xa9: {  	s10 =	simm.s32 $0x280;
	s9 =	sand.u32 $0x7000, s9;
	v10 =	vadd.s32 s7, v13;
	[tilespmem:s6+$0x810] =	vst v3;
	v3 =	vld.idx.msk [tilespmem:v8+s12+$0x0], $0xffff  }
0xaa: {  	s11 =	simm.s32 $0x200;
	s10 =	sand.u32 $0x380, s10;
	s9 =	sadd.s32 $0x7400, s9;
	v8 =	vadd.s32 s2, v23;
	v4 =	vld.idx.msk [tilespmem:v4+s12+$0x0], $0xffff;
	[tilespmem:s8+$0x820] =	vst v5  }
0xab: {  	s11 =	sand.u32 $0x300, s11;
	s28 =	sor.u32 s10, s9;
	v5 =	vadd.s32 s0, v37;
	[tilespmem:s4+$0x410] =	vst v6;
	v6 =	vld.idx.msk [tilespmem:v7+s12+$0x0], $0xffff  }
0xac: {  	s26 =	sor.u32 s11, s9;
	[tilespmem:s28+$0x0] =	vst v0;
	v0 =	vld.idx.msk [tilespmem:v9+s12+$0x0], $0xffff;
	v7 =	vadd.s32 s1, v36  }
0xad: {  	[tilespmem:s26+$0x0] =	vst v1;
	v1 =	vld.idx.msk [tilespmem:v2+s12+$0x0], $0xffff;
	v2 =	vadd.s32 s24, v44  }
0xae: {  	v9 =	vld.idx.msk [tilespmem:v10+s12+$0x0], $0xffff;
	[tilespmem:s3+$0x410] =	vst v3;
	v3 =	vadd.s32 s25, v14  }
0xaf: {  	v10 =	vadd.s32 s7, v14;
	v8 =	vld.idx.msk [tilespmem:v8+s12+$0x0], $0xffff;
	[tilespmem:s6+$0x820] =	vst v4  }
0xb0: {  	v4 =	vadd.s32 s2, v44;
	v5 =	vld.idx.msk [tilespmem:v5+s12+$0x0], $0xffff;
	[tilespmem:s8+$0x830] =	vst v6  }
0xb1: {  	v6 =	vadd.s32 s0, v36;
	[tilespmem:s4+$0x420] =	vst v0;
	v0 =	vld.idx.msk [tilespmem:v7+s12+$0x0], $0xffff  }
0xb2: {  	[tilespmem:s28+$0x10] =	vst v1;
	v1 =	vld.idx.msk [tilespmem:v2+s12+$0x0], $0xffff;
	v2 =	vadd.s32 s1, v35  }
0xb3: {  	v7 =	vadd.s32 s24, v43;
	[tilespmem:s26+$0x10] =	vst v9;
	v3 =	vld.idx.msk [tilespmem:v3+s12+$0x0], $0xffff  }
0xb4: {  	v9 =	vld.idx.msk [tilespmem:v10+s12+$0x0], $0xffff;
	[tilespmem:s3+$0x420] =	vst v8;
	v8 =	vadd.s32 s25, v15  }
0xb5: {  	v10 =	vadd.s32 s7, v15;
	v4 =	vld.idx.msk [tilespmem:v4+s12+$0x0], $0xffff;
	[tilespmem:s6+$0x830] =	vst v5  }
0xb6: {  	v5 =	vadd.s32 s2, v43;
	v6 =	vld.idx.msk [tilespmem:v6+s12+$0x0], $0xffff;
	[tilespmem:s8+$0x840] =	vst v0  }
0xb7: {  	v0 =	vadd.s32 s0, v35;
	[tilespmem:s4+$0x430] =	vst v1;
	v1 =	vld.idx.msk [tilespmem:v2+s12+$0x0], $0xffff  }
0xb8: {  	[tilespmem:s28+$0x20] =	vst v3;
	v2 =	vld.idx.msk [tilespmem:v7+s12+$0x0], $0xffff;
	v3 =	vadd.s32 s1, v34  }
0xb9: {  	[tilespmem:s26+$0x20] =	vst v9;
	v7 =	vld.idx.msk [tilespmem:v8+s12+$0x0], $0xffff;
	v8 =	vadd.s32 s24, v24  }
0xba: {  	v9 =	vld.idx.msk [tilespmem:v10+s12+$0x0], $0xffff;
	[tilespmem:s3+$0x430] =	vst v4;
	v4 =	vadd.s32 s25, v16  }
0xbb: {  	v10 =	vadd.s32 s7, v16;
	v5 =	vld.idx.msk [tilespmem:v5+s12+$0x0], $0xffff;
	[tilespmem:s6+$0x840] =	vst v6  }
0xbc: {  	v6 =	vadd.s32 s2, v24;
	v0 =	vld.idx.msk [tilespmem:v0+s12+$0x0], $0xffff;
	[tilespmem:s8+$0x850] =	vst v1  }
0xbd: {  	v1 =	vadd.s32 s0, v34;
	[tilespmem:s4+$0x440] =	vst v2;
	v2 =	vld.idx.msk [tilespmem:v3+s12+$0x0], $0xffff  }
0xbe: {  	[tilespmem:s28+$0x30] =	vst v7;
	v3 =	vld.idx.msk [tilespmem:v8+s12+$0x0], $0xffff;
	v7 =	vadd.s32 s1, v33  }
0xbf: {  	v8 =	vadd.s32 s24, v42;
	[tilespmem:s26+$0x30] =	vst v9;
	v4 =	vld.idx.msk [tilespmem:v4+s12+$0x0], $0xffff  }
0xc0: {  	v9 =	vld.idx.msk [tilespmem:v10+s12+$0x0], $0xffff;
	[tilespmem:s3+$0x440] =	vst v5;
	v5 =	vadd.s32 s25, v17  }
0xc1: {  	v10 =	vadd.s32 s7, v17;
	v6 =	vld.idx.msk [tilespmem:v6+s12+$0x0], $0xffff;
	[tilespmem:s6+$0x850] =	vst v0  }
0xc2: {  	v0 =	vadd.s32 s2, v42;
	v1 =	vld.idx.msk [tilespmem:v1+s12+$0x0], $0xffff;
	[tilespmem:s8+$0x860] =	vst v2  }
0xc3: {  	v2 =	vadd.s32 s0, v33;
	[tilespmem:s4+$0x450] =	vst v3;
	v3 =	vld.idx.msk [tilespmem:v7+s12+$0x0], $0xffff  }
0xc4: {  	[tilespmem:s28+$0x40] =	vst v4;
	v4 =	vld.idx.msk [tilespmem:v8+s12+$0x0], $0xffff;
	v7 =	vadd.s32 s1, v32  }
0xc5: {  	v8 =	vadd.s32 s24, v41;
	[tilespmem:s26+$0x40] =	vst v9;
	v5 =	vld.idx.msk [tilespmem:v5+s12+$0x0], $0xffff  }
0xc6: {  	v9 =	vld.idx.msk [tilespmem:v10+s12+$0x0], $0xffff;
	[tilespmem:s3+$0x450] =	vst v6;
	v6 =	vadd.s32 s25, v18  }
0xc7: {  	v10 =	vadd.s32 s7, v18;
	v0 =	vld.idx.msk [tilespmem:v0+s12+$0x0], $0xffff;
	[tilespmem:s6+$0x860] =	vst v1  }
0xc8: {  	v1 =	vadd.s32 s2, v41;
	v2 =	vld.idx.msk [tilespmem:v2+s12+$0x0], $0xffff;
	[tilespmem:s8+$0x870] =	vst v3  }
0xc9: {  	v3 =	vadd.s32 s0, v32;
	[tilespmem:s4+$0x460] =	vst v4;
	v4 =	vld.idx.msk [tilespmem:v7+s12+$0x0], $0xffff  }
0xca: {  	s10 =	sand.u32 $0x7, s5;
	[tilespmem:s28+$0x50] =	vst v5;
	v5 =	vld.idx.msk [tilespmem:v8+s12+$0x0], $0xffff;
	v7 =	vadd.s32 s1, v31  }
0xcb: {  	s8 =	sshll.u32 s10, $0x7;
	v8 =	vadd.s32 s24, v40;
	[tilespmem:s26+$0x50] =	vst v9;
	v6 =	vld.idx.msk [tilespmem:v6+s12+$0x0], $0xffff  }
0xcc: {  	s8 =	sadd.s32 $0x80, s8;
	v9 =	vld.idx.msk [tilespmem:v10+s12+$0x0], $0xffff;
	[tilespmem:s3+$0x460] =	vst v0;
	v0 =	vadd.s32 s25, v21  }
0xcd: {  	s11 =	sor.u32 $0xC00, s8;
	v10 =	vadd.s32 s7, v21;
	v1 =	vld.idx.msk [tilespmem:v1+s12+$0x0], $0xffff;
	[tilespmem:s6+$0x870] =	vst v2  }
0xce: {  	v2 =	vadd.s32 s2, v40;
	v3 =	vld.idx.msk [tilespmem:v3+s12+$0x0], $0xffff;
	[tilespmem:s11+$0x7400] =	vst v4  }
0xcf: {  	s5 =	sand.u32 $0x3, s5;
	v4 =	vadd.s32 s0, v31;
	[tilespmem:s4+$0x470] =	vst v5;
	v5 =	vld.idx.msk [tilespmem:v7+s12+$0x0], $0xffff  }
0xd0: {  	s5 =	sshll.u32 s5, $0x8;
	[tilespmem:s28+$0x60] =	vst v6;
	v6 =	vld.idx.msk [tilespmem:v8+s12+$0x0], $0xffff  }
0xd1: {  	s6 =	sadd.s32 $0x0, s5;
	v7 =	vadd.s32 s1, v30;
	[tilespmem:s26+$0x60] =	vst v9;
	v0 =	vld.idx.msk [tilespmem:v0+s12+$0x0], $0xffff  }
0xd2: {  	s5 =	sor.u32 $0xC00, s6;
	v8 =	vadd.s32 s24, v39;
	v9 =	vld.idx.msk [tilespmem:v10+s12+$0x0], $0xffff;
	[tilespmem:s3+$0x470] =	vst v1  }
0xd3: {  	s13 =	sor.u32 $0xC10, s8;
	v1 =	vadd.s32 s25, v45;
	v2 =	vld.idx.msk [tilespmem:v2+s12+$0x0], $0xffff;
	[tilespmem:s5+$0x7400] =	vst v3  }
0xd4: {  	v10 =	vadd.s32 s7, v45;
	v4 =	vld.idx.msk [tilespmem:v4+s12+$0x0], $0xffff;
	[tilespmem:s13+$0x7400] =	vst v5  }
0xd5: {  	v3 =	vadd.s32 s2, v39;
	[tilespmem:s4+$0x800] =	vst v6  }
0xd6: {  	v5 =	vadd.s32 s0, v30;
	v6 =	vld.idx.msk [tilespmem:v7+s12+$0x0], $0xffff;
	[tilespmem:s28+$0x70] =	vst v0  }
0xd7: {  	v0 =	vld.idx.msk [tilespmem:v8+s12+$0x0], $0xffff;
	v7 =	vadd.s32 s1, v29;
	[tilespmem:s26+$0x70] =	vst v9  }
0xd8: {  	s14 =	rddreg [dreg:$0x3];
	s16 =	sor.u32 $0xC10, s6;
	v1 =	vld.idx.msk [tilespmem:v1+s12+$0x0], $0xffff;
	[tilespmem:s3+$0x800] =	vst v2  }
0xd9: {  	s13 =	sadd.s32 $0x300, s14;
	v8 =	vadd.s32 s24, v38;
	v9 =	vld.idx.msk [tilespmem:v10+s12+$0x0], $0xffff;
	[tilespmem:s16+$0x7400] =	vst v4  }
0xda: {  	s17 =	sor.u32 $0xC20, s8;
	s29 =	sadd.s32 $0x80, s13;
	v2 =	vadd.s32 s25, v57;
	v3 =	vld.idx.msk [tilespmem:v3+s12+$0x0], $0xffff;
	[tilespmem:$0x1FD80] =	vst v11  }
0xdb: {  	v4 =	vadd.s32 s29, v11;
	v5 =	vld.idx.msk [tilespmem:v5+s12+$0x0], $0xffff;
	[tilespmem:s17+$0x7400] =	vst v6  }
0xdc: {  	v10 =	vadd.s32 s13, v11;
	[tilespmem:s4+$0x810] =	vst v0;
	v0 =	vld.idx.msk [tilespmem:v7+s12+$0x0], $0xffff  }
0xdd: {  	v6 =	vadd.s32 s7, v57;
	[tilespmem:s28+$0x400] =	vst v1  }
0xde: {  	v7 =	vadd.s32 s2, v38;
	v1 =	vld.idx.msk [tilespmem:v8+s12+$0x0], $0xffff;
	[tilespmem:s26+$0x400] =	vst v9  }
0xdf: {  	s18 =	sor.u32 $0xC20, s6;
	v8 =	vadd.s32 s1, v28;
	v2 =	vld.idx.msk [tilespmem:v2+s12+$0x0], $0xffff;
	[tilespmem:s3+$0x810] =	vst v3  }
0xe0: {  	s19 =	sor.u32 $0xC30, s8;
	v4 =	vld.idx.msk [tilespmem:v4+s12+$0x0], $0xffff;
	[tilespmem:s18+$0x7400] =	vst v5  }
0xe1: {  	s20 =	simm.s32 $0xC00;
	v9 =	vld.idx.msk [tilespmem:v10+s12+$0x0], $0xffff;
	v3 =	vadd.s32 s24, v37;
	[tilespmem:s19+$0x7400] =	vst v0  }
0xe2: {  	s21 =	sand.u32 $0x7000, s20;
	s22 =	simm.s32 $0x380;
	v10 =	vadd.s32 s25, v23;
	v6 =	vld.idx.msk [tilespmem:v6+s12+$0x0], $0xffff;
	[tilespmem:$0x1FD90] =	vst v13  }
0xe3: {  	s23 =	sadd.s32 $0x7400, s21;
	s11 =	sand.u32 $0x380, s22;
	v5 =	vadd.s32 s29, v13;
	s19 =	simm.s32 $0x300;
	v7 =	vld.idx.msk [tilespmem:v7+s12+$0x0], $0xffff;
	[tilespmem:s4+$0x820] =	vst v1  }
0xe4: {  	s31 =	sor.u32 s11, s23;
	v0 =	vadd.s32 s13, v13;
	s14 =	sand.u32 $0x300, s19;
	v8 =	vld.idx.msk [tilespmem:v8+s12+$0x0], $0xffff;
	[tilespmem:s28+$0x410] =	vst v2  }
0xe5: {  	v1 =	vadd.s32 s7, v23;
	s30 =	sor.u32 s14, s23;
	[tilespmem:s31+$0x0] =	vst v4  }
0xe6: {  	v2 =	vadd.s32 s2, v37;
	v3 =	vld.idx.msk [tilespmem:v3+s12+$0x0], $0xffff;
	[tilespmem:s30+$0x0] =	vst v9  }
0xe7: {  	v4 =	vld.idx.msk [tilespmem:v10+s12+$0x0], $0xffff;
	v10 =	vadd.s32 s1, v27;
	[tilespmem:s26+$0x410] =	vst v6  }
0xe8: {  	s16 =	sor.u32 $0xC40, s8;
	v5 =	vld.idx.msk [tilespmem:v5+s12+$0x0], $0xffff;
	[tilespmem:s3+$0x820] =	vst v7  }
0xe9: {  	v9 =	vadd.s32 s24, v36;
	v0 =	vld.idx.msk [tilespmem:v0+s12+$0x0], $0xffff;
	[tilespmem:s16+$0x7400] =	vst v8  }
0xea: {  	v6 =	vadd.s32 s25, v44;
	v1 =	vld.idx.msk [tilespmem:v1+s12+$0x0], $0xffff;
	[tilespmem:$0x1FDA0] =	vst v14  }
0xeb: {  	v7 =	vadd.s32 s29, v14;
	v2 =	vld.idx.msk [tilespmem:v2+s12+$0x0], $0xffff;
	[tilespmem:s4+$0x830] =	vst v3  }
0xec: {  	v8 =	vadd.s32 s13, v14;
	v10 =	vld.idx.msk [tilespmem:v10+s12+$0x0], $0xffff;
	[tilespmem:s28+$0x420] =	vst v4  }
0xed: {  	v3 =	vadd.s32 s7, v44;
	[tilespmem:s31+$0x10] =	vst v5  }
0xee: {  	v4 =	vadd.s32 s2, v36;
	v9 =	vld.idx.msk [tilespmem:v9+s12+$0x0], $0xffff;
	[tilespmem:s30+$0x10] =	vst v0  }
0xef: {  	v5 =	vld.idx.msk [tilespmem:v6+s12+$0x0], $0xffff;
	v6 =	vadd.s32 s1, v26;
	[tilespmem:s26+$0x420] =	vst v1  }
0xf0: {  	s17 =	sor.u32 $0xC50, s8;
	v0 =	vld.idx.msk [tilespmem:v7+s12+$0x0], $0xffff;
	[tilespmem:s3+$0x830] =	vst v2  }
0xf1: {  	v7 =	vadd.s32 s24, v35;
	v1 =	vld.idx.msk [tilespmem:v8+s12+$0x0], $0xffff;
	[tilespmem:s17+$0x7400] =	vst v10  }
0xf2: {  	v8 =	vadd.s32 s25, v43;
	v3 =	vld.idx.msk [tilespmem:v3+s12+$0x0], $0xffff;
	[tilespmem:$0x1FDB0] =	vst v15  }
0xf3: {  	v2 =	vadd.s32 s29, v15;
	v4 =	vld.idx.msk [tilespmem:v4+s12+$0x0], $0xffff;
	[tilespmem:s4+$0x840] =	vst v9  }
0xf4: {  	v10 =	vadd.s32 s13, v15;
	v6 =	vld.idx.msk [tilespmem:v6+s12+$0x0], $0xffff;
	[tilespmem:s28+$0x430] =	vst v5  }
0xf5: {  	v9 =	vadd.s32 s7, v43;
	[tilespmem:s31+$0x20] =	vst v0  }
0xf6: {  	v5 =	vadd.s32 s2, v35;
	v7 =	vld.idx.msk [tilespmem:v7+s12+$0x0], $0xffff;
	[tilespmem:s30+$0x20] =	vst v1  }
0xf7: {  	v0 =	vld.idx.msk [tilespmem:v8+s12+$0x0], $0xffff;
	v8 =	vadd.s32 s1, v25;
	[tilespmem:s26+$0x430] =	vst v3  }
0xf8: {  	s18 =	sor.u32 $0xC60, s8;
	v1 =	vld.idx.msk [tilespmem:v2+s12+$0x0], $0xffff;
	v2 =	vadd.s32 s24, v34;
	[tilespmem:s3+$0x840] =	vst v4  }
0xf9: {  	v3 =	vld.idx.msk [tilespmem:v10+s12+$0x0], $0xffff;
	[tilespmem:s18+$0x7400] =	vst v6  }
0xfa: {  	v10 =	vadd.s32 s25, v24;
	v9 =	vld.idx.msk [tilespmem:v9+s12+$0x0], $0xffff;
	[tilespmem:$0x1FDC0] =	vst v16  }
0xfb: {  	v4 =	vadd.s32 s29, v16;
	v5 =	vld.idx.msk [tilespmem:v5+s12+$0x0], $0xffff;
	[tilespmem:s4+$0x850] =	vst v7  }
0xfc: {  	v6 =	vadd.s32 s13, v16;
	v8 =	vld.idx.msk [tilespmem:v8+s12+$0x0], $0xffff;
	[tilespmem:s28+$0x440] =	vst v0  }
0xfd: {  	v0 =	vadd.s32 s7, v24;
	v2 =	vld.idx.msk [tilespmem:v2+s12+$0x0], $0xffff;
	[tilespmem:s31+$0x30] =	vst v1  }
0xfe: {  	v7 =	vadd.s32 s2, v34;
	[tilespmem:s30+$0x30] =	vst v3  }
0xff: {  	v10 =	vld.idx.msk [tilespmem:v10+s12+$0x0], $0xffff;
	[tilespmem:s26+$0x440] =	vst v9  }
0x100: {  	s21 =	sor.u32 $0xC70, s8;
	v1 =	vadd.s32 s0, v29;
	v3 =	vld.idx.msk [tilespmem:v4+s12+$0x0], $0xffff;
	[tilespmem:s3+$0x850] =	vst v5  }
0x101: {  	v4 =	vadd.s32 s24, v33;
	v6 =	vld.idx.msk [tilespmem:v6+s12+$0x0], $0xffff;
	[tilespmem:s21+$0x7400] =	vst v8  }
0x102: {  	v9 =	vadd.s32 s25, v42;
	v0 =	vld.idx.msk [tilespmem:v0+s12+$0x0], $0xffff;
	[tilespmem:s4+$0x860] =	vst v2  }
0x103: {  	v7 =	vld.idx.msk [tilespmem:v7+s12+$0x0], $0xffff;
	[tilespmem:$0x1FDD0] =	vst v17  }
0x104: {  	v5 =	vadd.s32 s29, v17;
	[tilespmem:s28+$0x450] =	vst v10  }
0x105: {  	v2 =	vadd.s32 s13, v17;
	v1 =	vld.idx.msk [tilespmem:v1+s12+$0x0], $0xffff;
	[tilespmem:s31+$0x40] =	vst v3  }
0x106: {  	v11 =	vadd.s32 s7, v42;
	v4 =	vld.idx.msk [tilespmem:v4+s12+$0x0], $0xffff;
	[tilespmem:s30+$0x40] =	vst v6;
	v3 =	vadd.s32 s2, v30  }
0x107: {  	v8 =	vadd.s32 s2, v33;
	v9 =	vld.idx.msk [tilespmem:v9+s12+$0x0], $0xffff;
	[tilespmem:$0x1FDE0] =	vst v3  }
0x108: {  	[tilespmem:s26+$0x450] =	vst v0  }
0x109: {  	s22 =	sor.u32 $0xC30, s6;
	v10 =	vadd.s32 s0, v28;
	v5 =	vld.idx.msk [tilespmem:v5+s12+$0x0], $0xffff;
	[tilespmem:s3+$0x860] =	vst v7  }
0x10a: {  	v2 =	vld.idx.msk [tilespmem:v2+s12+$0x0], $0xffff;
	[tilespmem:s22+$0x7400] =	vst v1  }
0x10b: {  	v3 =	vadd.s32 s7, v38;
	v11 =	vld.idx.msk [tilespmem:v11+s12+$0x0], $0xffff;
	[tilespmem:s4+$0x870] =	vst v4  }
0x10c: {  	v0 =	vld.idx.msk [tilespmem:v8+s12+$0x0], $0xffff;
	[tilespmem:$0x1FDF0] =	vst v3  }
0x10d: {  	s23 =	simm.s32 $0x1;
	v3 =	vadd.s32 s7, v37;
	[tilespmem:s28+$0x460] =	vst v9  }
0x10e: {  	s1 =	sand.u32 $0x3, s23;
	v10 =	vld.idx.msk [tilespmem:v10+s12+$0x0], $0xffff;
	[tilespmem:$0x1FE00] =	vst v3  }
0x10f: {  	v12 =	vadd.s32 s24, v32;
	s8 =	sor.u32 $0xC60, s6;
	s1 =	sshll.u32 s1, $0x8;
	v3 =	vadd.s32 s7, v36;
	[tilespmem:$0x1FE20] =	vst v18  }
0x110: {  	s10 =	sadd.s32 $0x400, s1;
	v8 =	vadd.s32 s25, v41;
	[dreg:$0x1d] =	wrdreg s8;
	[tilespmem:$0x1FE10] =	vst v3  }
0x111: {  	s9 =	sor.u32 $0xC10, s10;
	v4 =	vadd.s32 s29, v18;
	[tilespmem:s31+$0x50] =	vst v5  }
0x112: {  	s14 =	sor.u32 $0xC20, s10;
	v6 =	vadd.s32 s2, v32;
	[dreg:$0x1e] =	wrdreg s9  }
0x113: {  	v9 =	vadd.s32 s13, v18;
	[dreg:$0x1c] =	wrdreg s14  }
0x114: {  	s4 =	simm.s32 $0x2;
	v5 =	vld.idx.msk [tilespmem:v12+s12+$0x0], $0xffff;
	[tilespmem:s3+$0x870] =	vst v0  }
0x115: {  	v1 =	vadd.s32 s7, v41;
	s16 =	sand.u32 $0x7, s4;
	[tilespmem:s30+$0x50] =	vst v2;
	v2 =	vld.idx.msk [tilespmem:v8+s12+$0x0], $0xffff  }
0x116: {  	s5 =	sor.u32 $0xC40, s6;
	s18 =	simm.s32 $0x2;
	[tilespmem:s26+$0x460] =	vst v11;
	s3 =	sshll.u32 s16, $0x7;
	v11 =	vld.idx.msk [tilespmem:v4+s12+$0x0], $0xffff  }
0x117: {  	s14 =	sand.u32 $0x3, s18;
	[tilespmem:s5+$0x7400] =	vst v10;
	v0 =	vld.idx.msk [tilespmem:v6+s12+$0x0], $0xffff;
	s18 =	sadd.s32 $0x480, s3  }
0x118: {  	v19 =	vld.idx.msk [tilespmem:v9+s12+$0x0], $0xffff;
	[tilespmem:$0x1FE30] =	vst v21;
	s5 =	sor.u32 $0xC00, s18  }
0x119: {  	[tilespmem:s5+$0x7400] =	vst v5  }
0x11a: {  	v16 =	vadd.s32 s0, v27;
	v22 =	vld.idx.msk [tilespmem:v1+s12+$0x0], $0xffff;
	v1 =	vadd.s32 s13, v57;
	[tilespmem:$0x1FE40] =	vst v57  }
0x11b: {  	s22 =	sshll.u32 s14, $0x8;
	[tilespmem:$0x1FE50] =	vst v1  }
0x11c: {  	s11 =	sor.u32 $0xC00, s10;
	s1 =	sadd.s32 $0x800, s22;
	[tilespmem:$0x1FE60] =	vst v23  }
0x11d: {  	s9 =	sor.u32 $0xC00, s1;
	[tilespmem:s11+$0x7400] =	vst v0  }
0x11e: {  	[dreg:$0x13] =	wrdreg s9  }
0x11f: {  	v10 =	vadd.s32 s13, v23;
	v6 =	vadd.s32 s24, v31;
	v0 =	vadd.s32 s13, v44;
	v23 =	vld.idx.msk [tilespmem:v16+s12+$0x0], $0xffff;
	[tilespmem:$0x1FE70] =	vst v44  }
0x120: {  	v63 =	vadd.s32 s7, v35;
	v62 =	vadd.s32 s7, v34;
	v61 =	vadd.s32 s7, v33;
	[tilespmem:$0x1FE80] =	vst v0  }
0x121: {  	v60 =	vadd.s32 s7, v32;
	v58 =	vadd.s32 s7, v31;
	v56 =	vadd.s32 s7, v30;
	[tilespmem:$0x1FE90] =	vst v43  }
0x122: {  	v55 =	vadd.s32 s7, v29;
	v54 =	vadd.s32 s7, v28;
	v53 =	vadd.s32 s7, v27;
	[tilespmem:$0x1FEA0] =	vst v24  }
0x123: {  	v52 =	vadd.s32 s7, v26;
	v51 =	vadd.s32 s7, v25;
	s23 =	sor.u32 $0xC30, s10;
	s17 =	sor.u32 $0xC50, s10;
	s21 =	sor.u32 $0xC40, s10;
	v18 =	vadd.s32 s25, v40;
	[tilespmem:s28+$0x470] =	vst v2  }
0x124: {  	v17 =	vadd.s32 s7, v40;
	v7 =	vadd.s32 s7, v39;
	s7 =	sor.u32 $0xC70, s10;
	s14 =	sor.u32 $0xC60, s10;
	s10 =	sor.u32 $0xC10, s1;
	v5 =	vadd.s32 s13, v24;
	v24 =	vld.idx.msk [tilespmem:v6+s12+$0x0], $0xffff;
	[tilespmem:$0x1FEB0] =	vst v42  }
0x125: {  	s11 =	sor.u32 $0xC30, s1;
	[tilespmem:$0x1FEC0] =	vst v41;
	[dreg:$0x11] =	wrdreg s10  }
0x126: {  	[tilespmem:$0x1FED0] =	vst v40;
	[dreg:$0xa] =	wrdreg s11  }
0x127: {  	v50 =	vadd.s32 s2, v29;
	[tilespmem:s31+$0x60] =	vst v11  }
0x128: {  	v49 =	vadd.s32 s2, v28;
	v48 =	vadd.s32 s2, v27;
	v0 =	vadd.s32 s13, v38;
	v16 =	vld.idx.msk [tilespmem:v18+s12+$0x0], $0xffff;
	[tilespmem:$0x1FEE0] =	vst v38  }
0x129: {  	v47 =	vadd.s32 s2, v26;
	v20 =	vadd.s32 s13, v21;
	v21 =	vadd.s32 s29, v21;
	[tilespmem:$0x1FEF0] =	vst v0  }
0x12a: {  	v46 =	vadd.s32 s2, v25;
	v15 =	vadd.s32 s2, v31;
	s2 =	sor.u32 $0xC50, s6;
	s8 =	sor.u32 $0xC70, s6;
	s6 =	simm.s32 $0x3;
	[tilespmem:$0x1FF00] =	vst v37;
	v0 =	vadd.s32 s13, v37  }
0x12b: {  	v59 =	vadd.s32 s0, v25;
	v14 =	vadd.s32 s0, v26;
	s0 =	sand.u32 $0x3, s6;
	s22 =	sor.u32 $0xC60, s1;
	s5 =	sor.u32 $0xC50, s1;
	[tilespmem:$0x1FF10] =	vst v0  }
0x12c: {  	s9 =	sor.u32 $0xC20, s1;
	s10 =	sor.u32 $0xC40, s1;
	s1 =	sor.u32 $0xC70, s1;
	[tilespmem:s30+$0x60] =	vst v19  }
0x12d: {  	s3 =	sshll.u32 s0, $0x8;
	[dreg:$0x5] =	wrdreg s1  }
0x12e: {  	s3 =	sadd.s32 $0xC00, s3;
	v18 =	vld.idx.msk [tilespmem:v21+s12+$0x0], $0xffff;
	[tilespmem:$0x1FF20] =	vst v36  }
0x12f: {  	s1 =	sshll.u32 s15, $0x1;
	[tilespmem:$0x1FF30] =	vst v35;
	[smem:$0x7F1] =	sst s15;
	s15 =	sor.u32 $0xC00, s3  }
0x130: {  	[tilespmem:$0x1FF40] =	vst v34;
	[dreg:$0x16] =	wrdreg s15  }
0x131: {  	[tilespmem:s26+$0x470] =	vst v22  }
0x132: {  	s16 =	sor.u32 $0xC20, s3;
	v20 =	vld.idx.msk [tilespmem:v20+s12+$0x0], $0xffff;
	[tilespmem:$0x1FF50] =	vst v33  }
0x133: {  	s15 =	sor.u32 $0xC30, s3;
	[tilespmem:$0x1FF60] =	vst v32;
	[dreg:$0x19] =	wrdreg s16  }
0x134: {  	[tilespmem:$0x1FF70] =	vst v31;
	[dreg:$0xe] =	wrdreg s15  }
0x135: {  	[tilespmem:s2+$0x7400] =	vst v23  }
0x136: {  	v21 =	vld.idx.msk [tilespmem:v17+s12+$0x0], $0xffff;
	[tilespmem:$0x1FF80] =	vst v29  }
0x137: {  	[tilespmem:$0x1FF90] =	vst v28  }
0x138: {  	v12 =	vadd.s32 s13, v45;
	v4 =	vadd.s32 s13, v42;
	v1 =	vadd.s32 s13, v40;
	[tilespmem:$0x1FFA0] =	vst v27  }
0x139: {  	v57 =	vadd.s32 s13, v36;
	v43 =	vadd.s32 s13, v43;
	v44 =	vadd.s32 s13, v39;
	s16 =	sor.u32 $0xC40, s3;
	[tilespmem:$0x1FFB0] =	vst v26  }
0x13a: {  	s0 =	sor.u32 $0xC10, s18;
	v2 =	vadd.s32 s13, v41;
	v6 =	vadd.s32 s13, v31;
	v42 =	vadd.s32 s13, v35;
	[dreg:$0xd] =	wrdreg s16;
	[tilespmem:$0x1FFC0] =	vst v25  }
0x13b: {  	v41 =	vadd.s32 s13, v34;
	v40 =	vadd.s32 s13, v29;
	v11 =	vadd.s32 s13, v26;
	s2 =	sor.u32 $0xC60, s3;
	[tilespmem:s0+$0x7400] =	vst v24  }
0x13c: {  	v37 =	vadd.s32 s13, v30;
	v36 =	vadd.s32 s13, v33;
	v35 =	vadd.s32 s13, v28;
	[dreg:$0x18] =	wrdreg s2  }
0x13d: {  	v33 =	vadd.s32 s13, v32;
	v32 =	vadd.s32 s13, v27;
	v29 =	vadd.s32 s13, v25;
	s13 =	sor.u32 $0xC70, s3;
	s2 =	sld [smem:$0x7F7]  }
0x13e: {  	[dreg:$0x7] =	wrdreg s13  }
0x13f: {  	v15 =	vld.idx.msk [tilespmem:v15+s12+$0x0], $0xffff;
	[smem:$0x7F2] =	sst s1  }
0x140: {  	s11 =	sor.u32 $0xC10, s3;
	v14 =	vld.idx.msk [tilespmem:v14+s12+$0x0], $0xffff;
	[tilespmem:$0x1FFD0] =	vst v30;
	s16 =	sadd.s32 s2, s1  }
0x141: {  	s15 =	sor.u32 $0xC50, s3;
	[tilespmem:$0x1FFE0] =	vst v39;
	[smem:$0x7F3] =	sst s16;
	s0 =	sshrl.u32 s16, $0x5  }
0x142: {  	v22 =	vadd.s32 s29, v45;
	v23 =	vadd.s32 s25, v39;
	s3 =	simm.s32 $0x6;
	v24 =	vadd.s32 s24, v30;
	s13 =	simm.s32 $0x480;
	[tilespmem:$0x1FFF0] =	vst v45;
	[smem:$0x7F4] =	sst s0  }
.LBB2_3:
0x143: {  	[tilespmem:$0x1FCA0] =	vst v48;
	v48 =	vld [tilespmem:$0x1FF80]  }
0x144: {  	[tilespmem:$0x1FBD0] =	vst v41;
	v41 =	vld [tilespmem:$0x1FEE0]  }
0x145: {  	[tilespmem:$0x1FD00] =	vst v1;
	v1 =	vld [tilespmem:$0x1FD80]  }
0x146: {  	[tilespmem:$0x1FBC0] =	vst v5;
	v0 =	vld [tilespmem:$0x1FE40]  }
0x147: {  	[tilespmem:$0x1FBF0] =	vst v4;
	v4 =	vld [tilespmem:$0x1FDB0]  }
0x148: {  	[tilespmem:$0x1FC10] =	vst v61;
	v8 =	vld [tilespmem:$0x1FDD0]  }
0x149: {  	[tilespmem:$0x1FCB0] =	vst v53;
	v13 =	vld [tilespmem:$0x1FE20]  }
0x14a: {  	[tilespmem:$0x1FD50] =	vst v47;
	v47 =	vld [tilespmem:$0x1FF90]  }
0x14b: {  	[tilespmem:$0x1FC80] =	vst v60;
	v61 =	vld [tilespmem:$0x1FEC0]  }
0x14c: {  	[tilespmem:$0x1FD60] =	vst v52;
	v60 =	vld [tilespmem:$0x1FED0]  }
0x14d: {  	[tilespmem:$0x1FD20] =	vst v58;
	v58 =	vld [tilespmem:$0x1FF20]  }
0x14e: {  	[tilespmem:$0x1FC60] =	vst v2;
	v53 =	vld [tilespmem:$0x1FF60]  }
0x14f: {  	[tilespmem:s30+$0x70] =	vst v20;
	v52 =	vld [tilespmem:$0x1FF70]  }
0x150: {  	v26 =	vld.idx.msk [tilespmem:v12+s12+$0x0], $0xffff;
	[tilespmem:s28+$0x800] =	vst v16  }
0x151: {  	v17 =	vld.idx.msk [tilespmem:v24+s12+$0x0], $0xffff;
	[tilespmem:s31+$0x70] =	vst v18  }
0x152: {  	[tilespmem:$0x1FCC0] =	vst v32;
	v18 =	vld.idx.msk [tilespmem:v23+s12+$0x0], $0xffff  }
0x153: {  	[tilespmem:$0x1FD70] =	vst v11;
	v2 =	vmov v44;
	v23 =	vmov v62;
	v62 =	vld [tilespmem:$0x1FEB0]  }
0x154: {  	s2 =	rddreg [dreg:$0x3];
	s19 =	sadd.s32 $0x100, s19;
	[tilespmem:$0x1FBA0] =	vst v2;
	v2 =	vld [tilespmem:$0x1FDA0]  }
0x155: {  	s0 =	rddreg [dreg:$0x1e];
	s16 =	sadd.s32 s19, s2;
	[tilespmem:s26+$0x800] =	vst v21;
	v12 =	vmov v56;
	v56 =	vld [tilespmem:$0x1FF40]  }
0x156: {  	v32 =	vld.idx.msk [tilespmem:v7+s12+$0x0], $0xffff;
	[tilespmem:s0+$0x7400] =	vst v15;
	v5 =	vadd.s32 s16, v8  }
0x157: {  	v7 =	vld [tilespmem:$0x1FDC0];
	v3 =	vadd.s32 s16, v13;
	[tilespmem:$0x1FBE0] =	vst v5  }
0x158: {  	[smem:$0x7E9] =	sst s21;
	s21 =	sadd.s32 $0x80, s16;
	v15 =	vmov v63;
	v63 =	vld [tilespmem:$0x1FEA0];
	[tilespmem:$0x1FC50] =	vst v3;
	v3 =	vadd.s32 s16, v62  }
0x159: {  	s2 =	rddreg [dreg:$0x11];
	v28 =	vadd.s32 s16, v1;
	v11 =	vadd.s32 s21, v1;
	v1 =	vld [tilespmem:$0x1FDE0];
	[tilespmem:$0x1FC00] =	vst v3;
	v3 =	vadd.s32 s16, v61  }
0x15a: {  	s1 =	smov.u32 s2;
	v19 =	vld.idx.msk [tilespmem:v22+s12+$0x0], $0xffff;
	v22 =	vadd.s32 s24, v48;
	[tilespmem:$0x1FC70] =	vst v3;
	v3 =	vadd.s32 s16, v60  }
0x15b: {  	[dreg:$0x1e] =	wrdreg s1;
	s1 =	sor.u32 $0xC20, s18;
	[tilespmem:$0x1FD10] =	vst v3;
	v3 =	vld [tilespmem:$0x1FFE0]  }
0x15c: {  	v24 =	vmov v43;
	v43 =	vld [tilespmem:$0x1FD90];
	[tilespmem:s1+$0x7400] =	vst v17  }
0x15d: {  	v21 =	vadd.s32 s25, v41;
	v30 =	vadd.s32 s29, v0;
	v5 =	vmovc v51;
	v51 =	vld [tilespmem:$0x1FE60];
	v17 =	vadd.s32 s16, v0;
	v0 =	vmovc v29;
	[tilespmem:s28+$0x810] =	vst v18  }
0x15e: {  	[tilespmem:$0x1FCD0] =	vst v0;
	v0 =	vld [tilespmem:$0x1FE90]  }
0x15f: {  	[smem:$0x7ED] =	sst s5;
	s5 =	smov.u32 s11;
	v9 =	vadd.s32 s16, v7;
	v22 =	vld.idx.msk [tilespmem:v22+s12+$0x0], $0xffff  }
0x160: {  	[dreg:$0x11] =	wrdreg s5;
	[tilespmem:$0x1FBB0] =	vst v9;
	v9 =	vadd.s32 s16, v3;
	v3 =	vld [tilespmem:$0x1FE50]  }
0x161: {  	s5 =	rddreg [dreg:$0x1d];
	[tilespmem:s31+$0x400] =	vst v19;
	v34 =	vld.idx.msk [tilespmem:v1+s12+$0x0], $0xffff  }
0x162: {  	[tilespmem:s5+$0x7400] =	vst v14;
	v19 =	vld.idx.msk [tilespmem:v21+s12+$0x0], $0xffff  }
0x163: {  	[tilespmem:$0x1FD30] =	vst v6;
	v6 =	vld.idx.msk [tilespmem:v59+s12+$0x0], $0xffff  }
0x164: {  	[tilespmem:$0x1FC30] =	vst v54;
	v54 =	vld.idx.msk [tilespmem:v30+s12+$0x0], $0xffff  }
0x165: {  	v38 =	vld.idx.msk [tilespmem:v11+s12+$0x0], $0xffff;
	[tilespmem:s30+$0x400] =	vst v26  }
0x166: {  	s1 =	rddreg [dreg:$0x1c];
	v59 =	vld [tilespmem:$0x1FE30];
	[tilespmem:s26+$0x810] =	vst v32  }
0x167: {  	v18 =	vmov v40;
	v40 =	vld.idx.msk [tilespmem:v28+s12+$0x0], $0xffff;
	[tilespmem:s1+$0x7400] =	vst v34  }
0x168: {  	v44 =	vld.idx.msk [tilespmem:v3+s12+$0x0], $0xffff;
	[tilespmem:s8+$0x7400] =	vst v6;
	v6 =	vmov v17  }
0x169: {  	s11 =	smov.u32 s14;
	[tilespmem:$0x1FE50] =	vst v6;
	v6 =	vld [tilespmem:$0x1FDF0]  }
0x16a: {  	[tilespmem:$0x1FC40] =	vst v35;
	v20 =	vmovc v37;
	[dreg:$0x1d] =	wrdreg s11;
	s11 =	smov.u32 s9;
	v37 =	vadd.s32 s24, v47;
	v1 =	vmov v46;
	v11 =	vmov v55;
	v55 =	vld [tilespmem:$0x1FF50]  }
0x16b: {  	[dreg:$0x1c] =	wrdreg s11;
	s11 =	sor.u32 $0xC30, s18;
	v35 =	vadd.s32 s16, v51;
	v21 =	vadd.s32 s16, v41;
	v41 =	vadd.s32 s29, v51;
	v51 =	vld [tilespmem:$0x1FFD0];
	[tilespmem:$0x1FCF0] =	vst v1  }
0x16c: {  	v26 =	vld [tilespmem:$0x1FF00];
	[tilespmem:s11+$0x7400] =	vst v22  }
0x16d: {  	[smem:$0x7EA] =	sst s10;
	v28 =	vadd.s32 s16, v47;
	v47 =	vld [tilespmem:$0x1FFA0];
	[tilespmem:s28+$0x820] =	vst v19;
	v1 =	vadd.s32 s16, v59  }
0x16e: {  	s14 =	smov.u32 s22;
	s22 =	rddreg [dreg:$0x18];
	[tilespmem:$0x1FCE0] =	vst v1;
	v1 =	vld [tilespmem:$0x1FFF0]  }
0x16f: {  	s6 =	sadd.s32 $0x1, s6;
	s20 =	sadd.s32 $0x400, s20;
	[smem:$0x7EC] =	sst s14;
	v37 =	vld.idx.msk [tilespmem:v37+s12+$0x0], $0xffff  }
0x170: {  	s10 =	sand.u32 $0x300, s19;
	s2 =	sand.u32 $0x3, s6;
	s14 =	rddreg [dreg:$0x19];
	[tilespmem:s31+$0x410] =	vst v54;
	v54 =	vmov v49;
	v49 =	vld [tilespmem:$0x1FFC0]  }
0x171: {  	s9 =	sshll.u32 s2, $0x8;
	s5 =	smov.u32 s22;
	s22 =	smov.u32 s14;
	v46 =	vld.idx.msk [tilespmem:v6+s12+$0x0], $0xffff;
	v6 =	vmov v21  }
0x172: {  	s0 =	smov.u32 s23;
	s14 =	sand.u32 $0x7000, s20;
	[smem:$0x7EE] =	sst s22;
	v17 =	vld [tilespmem:$0x1FEF0];
	[tilespmem:$0x1FEF0] =	vst v6;
	v6 =	vadd.s32 s16, v52  }
0x173: {  	[tilespmem:$0x1FDE0] =	vst v12;
	s22 =	sadd.s32 $0x80, s19;
	s1 =	sadd.s32 $0x7400, s14;
	v39 =	vadd.s32 s25, v26;
	v12 =	vadd.s32 s16, v1;
	v1 =	vld [tilespmem:$0x1FE70];
	s8 =	sadd.s32 s9, s20  }
0x174: {  	v27 =	vadd.s32 s16, v4;
	s10 =	sor.u32 s10, s1;
	v3 =	vmov v57;
	v57 =	vld [tilespmem:$0x1FF30];
	s9 =	sand.u32 $0x380, s22;
	s2 =	sor.u32 $0xC00, s8  }
0x175: {  	v16 =	vmovc v42;
	v42 =	vadd.s32 s16, v58;
	v31 =	vadd.s32 s16, v2;
	v25 =	vadd.s32 s16, v63;
	s11 =	sor.u32 $0xC10, s8;
	s14 =	sor.u32 $0xC20, s8;
	[smem:$0x7EB] =	sst s2;
	[tilespmem:$0x1FD40] =	vst v6;
	v6 =	vmovc v50;
	v50 =	vld [tilespmem:$0x1FFB0]  }
0x176: {  	[tilespmem:$0x1FC90] =	vst v33;
	v33 =	vadd.s32 s16, v43;
	v43 =	vadd.s32 s21, v43;
	v30 =	vadd.s32 s16, v56;
	s22 =	sor.u32 s9, s1;
	s1 =	sor.u32 $0xC60, s8;
	[dreg:$0x19] =	wrdreg s14  }
0x177: {  	[tilespmem:$0x1FC20] =	vst v36;
	v32 =	vadd.s32 s16, v48;
	v29 =	vadd.s32 s16, v0;
	v34 =	vadd.s32 s16, v26;
	s9 =	smov.u32 s15;
	s15 =	sor.u32 $0xC30, s8;
	[dreg:$0x18] =	wrdreg s1  }
0x178: {  	v26 =	vadd.s32 s16, v55;
	v22 =	vadd.s32 s16, v47;
	v39 =	vld.idx.msk [tilespmem:v39+s12+$0x0], $0xffff;
	s23 =	sor.u32 $0xC70, s8;
	s14 =	smov.u32 s17;
	[tilespmem:s22+$0x0] =	vst v38;
	s2 =	rddreg [dreg:$0x5];
	v36 =	vadd.s32 s16, v1;
	v14 =	vmovc v17  }
0x179: {  	s17 =	sor.u32 $0xC40, s8;
	v38 =	vld.idx.msk [tilespmem:v41+s12+$0x0], $0xffff;
	v41 =	vadd.s32 s24, v47;
	s1 =	smov.u32 s2;
	s2 =	rddreg [dreg:$0x7];
	v45 =	vadd.s32 s16, v57;
	v17 =	vadd.s32 s16, v49;
	[tilespmem:$0x1FDF0] =	vst v14  }
0x17a: {  	v14 =	vadd.s32 s16, v51;
	v21 =	vadd.s32 s16, v53;
	[tilespmem:s10+$0x0] =	vst v40;
	v19 =	vadd.s32 s16, v50;
	s16 =	sor.u32 $0xC50, s8;
	s8 =	smov.u32 s7;
	s7 =	smov.u32 s2  }
0x17b: {  	v33 =	vld.idx.msk [tilespmem:v33+s12+$0x0], $0xffff;
	[tilespmem:s30+$0x410] =	vst v44;
	[dreg:$0x5] =	wrdreg s7;
	s7 =	sor.u32 $0xC40, s18  }
0x17c: {  	v40 =	vld.idx.msk [tilespmem:v43+s12+$0x0], $0xffff;
	[tilespmem:s7+$0x7400] =	vst v37  }
0x17d: {  	v44 =	vadd.s32 s29, v1;
	v1 =	vld [tilespmem:$0x1FE00];
	[tilespmem:s28+$0x830] =	vst v39  }
0x17e: {  	v43 =	vadd.s32 s25, v58;
	v58 =	vld.idx.msk [tilespmem:v41+s12+$0x0], $0xffff  }
0x17f: {  	v41 =	vadd.s32 s29, v0;
	v0 =	vld [tilespmem:$0x1FE80];
	_ =	sdelay $0x1  }
0x180: {  	v48 =	vld.idx.msk [tilespmem:v10+s12+$0x0], $0xffff;
	_ =	sdelay $0x2  }
0x181: {  	[tilespmem:s26+$0x820] =	vst v46  }
0x182: {  	v10 =	vmov v35;
	v35 =	vld.idx.msk [tilespmem:v1+s12+$0x0], $0xffff;
	[tilespmem:s10+$0x10] =	vst v33  }
0x183: {  	v31 =	vld.idx.msk [tilespmem:v31+s12+$0x0], $0xffff;
	[tilespmem:s30+$0x420] =	vst v48  }
0x184: {  	v39 =	vadd.s32 s24, v50;
	v50 =	vld.idx.msk [tilespmem:v0+s12+$0x0], $0xffff;
	v0 =	vmov v36  }
0x185: {  	[tilespmem:$0x1FE80] =	vst v0;
	v0 =	vld [tilespmem:$0x1FE10];
	_ =	sdelay $0x6  }
0x186: {  	[tilespmem:s26+$0x830] =	vst v35  }
0x187: {  	v47 =	vadd.s32 s21, v2;
	[tilespmem:s31+$0x420] =	vst v38;
	v35 =	vld.idx.msk [tilespmem:v0+s12+$0x0], $0xffff;
	v0 =	vmov v3  }
0x188: {  	[tilespmem:$0x1FE10] =	vst v0;
	v0 =	vld [tilespmem:$0x1FBB0]  }
0x189: {  	v37 =	vld.idx.msk [tilespmem:v43+s12+$0x0], $0xffff;
	[tilespmem:s10+$0x20] =	vst v31  }
0x18a: {  	s2 =	smov.u32 s23;
	[tilespmem:s22+$0x10] =	vst v40;
	v27 =	vld.idx.msk [tilespmem:v27+s12+$0x0], $0xffff  }
0x18b: {  	[dreg:$0x7] =	wrdreg s2;
	s2 =	sor.u32 $0xC50, s18;
	v38 =	vld.idx.msk [tilespmem:v44+s12+$0x0], $0xffff  }
0x18c: {  	v33 =	vld.idx.msk [tilespmem:v47+s12+$0x0], $0xffff;
	[tilespmem:s2+$0x7400] =	vst v58  }
0x18d: {  	[tilespmem:s30+$0x430] =	vst v50  }
0x18e: {  	v58 =	vld.idx.msk [tilespmem:v24+s12+$0x0], $0xffff;
	[tilespmem:s26+$0x840] =	vst v35  }
0x18f: {  	v43 =	vmov v29;
	v29 =	vld.idx.msk [tilespmem:v15+s12+$0x0], $0xffff;
	[tilespmem:s10+$0x30] =	vst v27  }
0x190: {  	v24 =	vld.idx.msk [tilespmem:v0+s12+$0x0], $0xffff  }
0x191: {  	v0 =	vld [tilespmem:$0x1FBC0];
	_ =	sdelay $0x6  }
0x192: {  	v2 =	vld [tilespmem:$0x1FF10];
	[tilespmem:s30+$0x440] =	vst v58  }
0x193: {  	v58 =	vld.idx.msk [tilespmem:v0+s12+$0x0], $0xffff  }
0x194: {  	v0 =	vld [tilespmem:$0x1FBD0];
	_ =	sdelay $0x3  }
0x195: {  	v1 =	vmov v2;
	v40 =	vadd.s32 s25, v57;
	[tilespmem:s28+$0x840] =	vst v37;
	v37 =	vadd.s32 s24, v49;
	s24 =	smov.u32 s25;
	s25 =	smov.u32 s29  }
0x196: {  	v48 =	vadd.s32 s21, v4;
	v57 =	vmovc v42;
	v42 =	vmovc v45;
	v45 =	vadd.s32 s25, v62;
	v62 =	vmov v0;
	v0 =	vld [tilespmem:$0x1FBE0];
	_ =	sdelay $0x1  }
0x197: {  	[tilespmem:$0x1FE00] =	vst v1  }
0x198: {  	v1 =	vmov v34;
	v34 =	vld.idx.msk [tilespmem:v39+s12+$0x0], $0xffff;
	[tilespmem:s31+$0x430] =	vst v38  }
0x199: {  	v36 =	vld.idx.msk [tilespmem:v40+s12+$0x0], $0xffff;
	[tilespmem:s22+$0x20] =	vst v33  }
0x19a: {  	v31 =	vld.idx.msk [tilespmem:v48+s12+$0x0], $0xffff;
	[tilespmem:s26+$0x850] =	vst v29  }
0x19b: {  	v46 =	vmov v5;
	v5 =	vmov v25;
	v25 =	vld.idx.msk [tilespmem:v23+s12+$0x0], $0xffff  }
0x19c: {  	v29 =	vld.idx.msk [tilespmem:v6+s12+$0x0], $0xffff;
	[tilespmem:s10+$0x40] =	vst v24  }
0x19d: {  	v48 =	vadd.s32 s24, v56;
	v56 =	vmov v20;
	v20 =	vld.idx.msk [tilespmem:v0+s12+$0x0], $0xffff  }
0x19e: {  	v0 =	vld [tilespmem:$0x1FBF0];
	_ =	sdelay $0x6  }
0x19f: {  	[tilespmem:s30+$0x450] =	vst v58  }
0x1a0: {  	v58 =	vld.idx.msk [tilespmem:v0+s12+$0x0], $0xffff  }
0x1a1: {  	v0 =	vld [tilespmem:$0x1FC00];
	_ =	sdelay $0x3  }
0x1a2: {  	v33 =	vld.idx.msk [tilespmem:v41+s12+$0x0], $0xffff  }
0x1a3: {  	v4 =	vmov v0;
	v0 =	vld [tilespmem:$0x1FC10]  }
0x1a4: {  	s23 =	sor.u32 $0xC60, s18;
	s29 =	smov.u32 s21;
	v49 =	vadd.s32 s25, v63  }
0x1a5: {  	[tilespmem:s23+$0x7400] =	vst v34;
	v50 =	vadd.s32 s29, v7  }
0x1a6: {  	[tilespmem:s28+$0x850] =	vst v36  }
0x1a7: {  	v34 =	vld.idx.msk [tilespmem:v37+s12+$0x0], $0xffff;
	[tilespmem:s31+$0x440] =	vst v33  }
0x1a8: {  	v33 =	vld.idx.msk [tilespmem:v48+s12+$0x0], $0xffff;
	[tilespmem:s22+$0x30] =	vst v31  }
0x1a9: {  	v31 =	vld.idx.msk [tilespmem:v49+s12+$0x0], $0xffff  }
0x1aa: {  	v35 =	vadd.s32 s24, v55;
	v27 =	vld.idx.msk [tilespmem:v50+s12+$0x0], $0xffff;
	[tilespmem:s26+$0x860] =	vst v25  }
0x1ab: {  	s2 =	sor.u32 $0xC70, s18;
	v23 =	vld.idx.msk [tilespmem:v0+s12+$0x0], $0xffff  }
0x1ac: {  	[tilespmem:s2+$0x7400] =	vst v34;
	v0 =	vld [tilespmem:$0x1FC20]  }
0x1ad: {  	[tilespmem:s28+$0x860] =	vst v33  }
0x1ae: {  	[tilespmem:s31+$0x450] =	vst v31  }
0x1af: {  	v41 =	vmov v30;
	v30 =	vld.idx.msk [tilespmem:v35+s12+$0x0], $0xffff;
	[tilespmem:s22+$0x40] =	vst v27  }
0x1b0: {  	v27 =	vld.idx.msk [tilespmem:v45+s12+$0x0], $0xffff  }
0x1b1: {  	v45 =	vadd.s32 s25, v61;
	v61 =	vmov v0;
	v0 =	vld [tilespmem:$0x1FC30];
	_ =	sdelay $0x4  }
0x1b2: {  	v49 =	vmov v0;
	v0 =	vld [tilespmem:$0x1FC40];
	_ =	sdelay $0x2  }
0x1b3: {  	[tilespmem:s0+$0x7400] =	vst v29  }
0x1b4: {  	v25 =	vld.idx.msk [tilespmem:v54+s12+$0x0], $0xffff  }
0x1b5: {  	v54 =	vmov v0;
	v0 =	vld [tilespmem:$0x1FC50];
	_ =	sdelay $0x6  }
0x1b6: {  	[tilespmem:s10+$0x50] =	vst v20  }
0x1b7: {  	v35 =	vmov v28;
	v28 =	vld.idx.msk [tilespmem:v0+s12+$0x0], $0xffff  }
0x1b8: {  	v0 =	vld [tilespmem:$0x1FC60];
	_ =	sdelay $0x1  }
0x1b9: {  	v47 =	vadd.s32 s29, v8;
	_ =	sdelay $0x4  }
0x1ba: {  	v24 =	vld.idx.msk [tilespmem:v47+s12+$0x0], $0xffff;
	[tilespmem:s30+$0x460] =	vst v58  }
0x1bb: {  	[tilespmem:s28+$0x870] =	vst v30;
	v30 =	vld.idx.msk [tilespmem:v0+s12+$0x0], $0xffff  }
0x1bc: {  	v0 =	vld [tilespmem:$0x1FC70];
	_ =	sdelay $0x4  }
0x1bd: {  	v2 =	vmov v0;
	v0 =	vld [tilespmem:$0x1FC80];
	_ =	sdelay $0x1  }
0x1be: {  	v31 =	vadd.s32 s24, v53;
	_ =	sdelay $0x2  }
0x1bf: {  	s28 =	smov.u32 s31  }
0x1c0: {  	[tilespmem:s28+$0x460] =	vst v27  }
0x1c1: {  	v36 =	vmov v26;
	v26 =	vld.idx.msk [tilespmem:v31+s12+$0x0], $0xffff;
	[tilespmem:s26+$0x870] =	vst v23  }
0x1c2: {  	v31 =	vld.idx.msk [tilespmem:v0+s12+$0x0], $0xffff  }
0x1c3: {  	v0 =	vld [tilespmem:$0x1FC90];
	_ =	sdelay $0x4  }
0x1c4: {  	v63 =	vmov v16;
	v16 =	vadd.s32 s25, v60;
	v60 =	vmov v0;
	v0 =	vld [tilespmem:$0x1FCA0]  }
0x1c5: {  	s18 =	rddreg [dreg:$0xe]  }
0x1c6: {  	s7 =	rddreg [dreg:$0xa];
	s21 =	smov.u32 s18  }
0x1c7: {  	[dreg:$0xa] =	wrdreg s21  }
0x1c8: {  	s21 =	sld [smem:$0x7E9];
	_ =	sdelay $0x2  }
0x1c9: {  	[tilespmem:s21+$0x7400] =	vst v25  }
0x1ca: {  	v25 =	vld.idx.msk [tilespmem:v0+s12+$0x0], $0xffff  }
0x1cb: {  	v0 =	vld [tilespmem:$0x1FCB0];
	_ =	sdelay $0x4  }
0x1cc: {  	v48 =	vmov v0;
	v0 =	vld [tilespmem:$0x1FCC0];
	_ =	sdelay $0x2  }
0x1cd: {  	v47 =	vadd.s32 s29, v13  }
0x1ce: {  	s31 =	smov.u32 s22  }
0x1cf: {  	s4 =	sadd.s32 $0x2, s4;
	[tilespmem:s31+$0x50] =	vst v24;
	v53 =	vmov v0;
	v0 =	vld [tilespmem:$0x1FCE0]  }
0x1d0: {  	s18 =	sand.u32 $0x7, s4;
	s23 =	smov.u32 s7;
	s7 =	smov.u32 s15;
	v24 =	vld.idx.msk [tilespmem:v45+s12+$0x0], $0xffff  }
0x1d1: {  	s13 =	sadd.s32 $0x400, s13;
	[dreg:$0xe] =	wrdreg s7;
	s7 =	sshll.u32 s18, $0x7;
	v27 =	vadd.s32 s24, v52  }
0x1d2: {  	s18 =	sadd.s32 s7, s13;
	v20 =	vld.idx.msk [tilespmem:v47+s12+$0x0], $0xffff  }
0x1d3: {  	s7 =	sor.u32 $0xC00, s18  }
0x1d4: {  	[tilespmem:s7+$0x7400] =	vst v26  }
0x1d5: {  	[tilespmem:s28+$0x470] =	vst v24;
	s26 =	smov.u32 s30;
	s30 =	smov.u32 s10  }
0x1d6: {  	v26 =	vld.idx.msk [tilespmem:v27+s12+$0x0], $0xffff;
	[tilespmem:s30+$0x60] =	vst v28  }
0x1d7: {  	[tilespmem:s31+$0x60] =	vst v20;
	v20 =	vld.idx.msk [tilespmem:v0+s12+$0x0], $0xffff  }
0x1d8: {  	v0 =	vld [tilespmem:$0x1FFE0];
	_ =	sdelay $0x4  }
0x1d9: {  	v23 =	vadd.s32 s25, v0;
	v0 =	vld [tilespmem:$0x1FFF0];
	_ =	sdelay $0x4  }
0x1da: {  	v40 =	vmov v32;
	v32 =	vmov v22;
	v22 =	vadd.s32 s29, v0;
	v0 =	vld [tilespmem:$0x1FD00];
	_ =	sdelay $0x6  }
0x1db: {  	[tilespmem:s26+$0x470] =	vst v30  }
0x1dc: {  	v33 =	vmov v21;
	v21 =	vld.idx.msk [tilespmem:v0+s12+$0x0], $0xffff  }
0x1dd: {  	v0 =	vld [tilespmem:$0x1FD10];
	_ =	sdelay $0x4  }
0x1de: {  	[tilespmem:$0x1FF10] =	vst v1;
	v1 =	vmov v0;
	v0 =	vld [tilespmem:$0x1FD20];
	_ =	sdelay $0x5  }
0x1df: {  	s7 =	smov.u32 s1;
	s1 =	rddreg [dreg:$0x13]  }
0x1e0: {  	[tilespmem:s1+$0x7400] =	vst v31  }
0x1e1: {  	v15 =	vld.idx.msk [tilespmem:v0+s12+$0x0], $0xffff  }
0x1e2: {  	v0 =	vld [tilespmem:$0x1FD30];
	_ =	sdelay $0x4  }
0x1e3: {  	v58 =	vmov v0;
	v0 =	vld [tilespmem:$0x1FD40];
	_ =	sdelay $0x4  }
0x1e4: {  	v6 =	vmov v0;
	v0 =	vld [tilespmem:$0x1FD50];
	_ =	sdelay $0x6  }
0x1e5: {  	[tilespmem:s14+$0x7400] =	vst v25  }
0x1e6: {  	v37 =	vmov v14;
	v14 =	vld.idx.msk [tilespmem:v0+s12+$0x0], $0xffff  }
0x1e7: {  	s15 =	smov.u32 s17;
	s22 =	smov.u32 s5;
	s5 =	rddreg [dreg:$0xd];
	v0 =	vld [tilespmem:$0x1FD60]  }
0x1e8: {  	[dreg:$0xd] =	wrdreg s15  }
0x1e9: {  	s15 =	sld [smem:$0x7EB]  }
0x1ea: {  	s2 =	sld [smem:$0x7EA]  }
0x1eb: {  	s3 =	sadd.s32 $0x2, s3  }
0x1ec: {  	p1 =	slt.u32 s3, $0x3E;
	s17 =	smov.u32 s15;
	s15 =	sld [smem:$0x7ED];
	v29 =	vadd.s32 s29, v59;
	v47 =	vmov v0;
	v0 =	vld [tilespmem:$0x1FD70]  }
.Ltmp0:
0x1ed: {  	v7 =	vld [tilespmem:$0x1FBA0];
	s21 =	smov.u32 s2;
	s2 =	rddreg [dreg:$0x16];
	(pc) =	sbr.rel @p1 .LBB2_3-.Ltmp0, $4  }
0x1ee: {  	v59 =	vld [tilespmem:$0x1FCF0];
	s10 =	smov.u32 s5;
	[dreg:$0x16] =	wrdreg s17;
	s5 =	smov.u32 s2  }
0x1ef: {  	v24 =	vadd.s32 s24, v51;
	v51 =	vld [tilespmem:$0x1FCD0];
	[dreg:$0x13] =	wrdreg s5  }
0x1f0: {  	v44 =	vmov v9;
	v16 =	vld.idx.msk [tilespmem:v16+s12+$0x0], $0xffff;
	s5 =	smov.u32 s9;
	s9 =	sld [smem:$0x7EE];
	s1 =	sor.u32 $0xC10, s18  }
0x1f1: {  	v55 =	vmovc v18;
	v50 =	vmovc v11;
	v11 =	vmov v19;
	v18 =	vld.idx.msk [tilespmem:v29+s12+$0x0], $0xffff;
	v29 =	vmov v17;
	s17 =	smov.u32 s15;
	s15 =	smov.u32 s16;
	[tilespmem:s1+$0x7400] =	vst v26;
	s14 =	sld [smem:$0x7EC];
	v52 =	vmov v0  }
0x1f2: {  	_ =	sdelay $0x3  }
0x1f3: {  	[tilespmem:s28+$0x800] =	vst v16;
	v16 =	vld.idx.msk [tilespmem:v24+s12+$0x0], $0xffff  }
0x1f4: {  	[tilespmem:s31+$0x70] =	vst v18;
	v17 =	vld.idx.msk [tilespmem:v23+s12+$0x0], $0xffff  }
0x1f5: {  	v23 =	vld [tilespmem:$0x1FF80]  }
0x1f6: {  	v19 =	vld.idx.msk [tilespmem:v22+s12+$0x0], $0xffff  }
0x1f7: {  	v26 =	vld [tilespmem:$0x1FEE0];
	[tilespmem:s30+$0x70] =	vst v20  }
0x1f8: {  	s2 =	sor.u32 $0xC20, s18;
	v0 =	vld [tilespmem:$0x1FE40];
	[tilespmem:s26+$0x800] =	vst v21  }
0x1f9: {  	v13 =	vld.idx.msk [tilespmem:v12+s12+$0x0], $0xffff;
	[tilespmem:s2+$0x7400] =	vst v16  }
0x1fa: {  	[tilespmem:s28+$0x810] =	vst v17  }
0x1fb: {  	[tilespmem:s31+$0x400] =	vst v19  }
0x1fc: {  	v3 =	vld.idx.msk [tilespmem:v7+s12+$0x0], $0xffff;
	s0 =	rddreg [dreg:$0x1e]  }
0x1fd: {  	v21 =	vld [tilespmem:$0x1FF90];
	[tilespmem:s0+$0x7400] =	vst v15  }
0x1fe: {  	v25 =	vld [tilespmem:$0x1FF00];
	[tilespmem:s30+$0x400] =	vst v13  }
0x1ff: {  	v20 =	vadd.s32 s29, v0;
	v0 =	vld [tilespmem:$0x1FE60];
	_ =	sdelay $0x2  }
0x200: {  	v18 =	vadd.s32 s24, v23  }
0x201: {  	[tilespmem:s26+$0x810] =	vst v3  }
0x202: {  	v13 =	vadd.s32 s29, v0;
	v0 =	vld [tilespmem:$0x1FE50]  }
0x203: {  	v22 =	vadd.s32 s25, v26;
	_ =	sdelay $0x1  }
0x204: {  	v16 =	vld.idx.msk [tilespmem:v18+s12+$0x0], $0xffff;
	_ =	sdelay $0x2  }
0x205: {  	v17 =	vld.idx.msk [tilespmem:v22+s12+$0x0], $0xffff  }
0x206: {  	s3 =	sor.u32 $0xC30, s18;
	v15 =	vld.idx.msk [tilespmem:v20+s12+$0x0], $0xffff  }
0x207: {  	[tilespmem:s3+$0x7400] =	vst v16;
	v3 =	vld.idx.msk [tilespmem:v0+s12+$0x0], $0xffff  }
0x208: {  	v0 =	vld [tilespmem:$0x1FDF0];
	_ =	sdelay $0x2  }
0x209: {  	[tilespmem:s28+$0x820] =	vst v17  }
0x20a: {  	[tilespmem:s31+$0x410] =	vst v15  }
0x20b: {  	s0 =	rddreg [dreg:$0x1d]  }
0x20c: {  	v20 =	vld [tilespmem:$0x1FFA0];
	[tilespmem:s0+$0x7400] =	vst v14  }
0x20d: {  	v24 =	vld [tilespmem:$0x1FF20]  }
0x20e: {  	[tilespmem:s30+$0x410] =	vst v3;
	v12 =	vld.idx.msk [tilespmem:v0+s12+$0x0], $0xffff  }
0x20f: {  	v0 =	vld [tilespmem:$0x1FDE0];
	_ =	sdelay $0x1  }
0x210: {  	v18 =	vadd.s32 s24, v21;
	_ =	sdelay $0x4  }
0x211: {  	v16 =	vld.idx.msk [tilespmem:v18+s12+$0x0], $0xffff  }
0x212: {  	v3 =	vld.idx.msk [tilespmem:v0+s12+$0x0], $0xffff  }
0x213: {  	v0 =	vld [tilespmem:$0x1FE70];
	_ =	sdelay $0x2  }
0x214: {  	s6 =	sor.u32 $0xC40, s18;
	v19 =	vadd.s32 s25, v25;
	[tilespmem:s26+$0x820] =	vst v12  }
0x215: {  	[tilespmem:s6+$0x7400] =	vst v16  }
0x216: {  	v18 =	vadd.s32 s29, v0;
	v0 =	vld [tilespmem:$0x1FE00];
	_ =	sdelay $0x2  }
0x217: {  	v15 =	vld.idx.msk [tilespmem:v19+s12+$0x0], $0xffff  }
0x218: {  	v13 =	vld.idx.msk [tilespmem:v13+s12+$0x0], $0xffff;
	_ =	sdelay $0x2  }
0x219: {  	v10 =	vld.idx.msk [tilespmem:v10+s12+$0x0], $0xffff  }
0x21a: {  	[tilespmem:s28+$0x830] =	vst v15;
	v12 =	vld.idx.msk [tilespmem:v0+s12+$0x0], $0xffff  }
0x21b: {  	[tilespmem:s31+$0x420] =	vst v13  }
0x21c: {  	s0 =	rddreg [dreg:$0x1c]  }
0x21d: {  	v19 =	vld [tilespmem:$0x1FFB0];
	[tilespmem:s0+$0x7400] =	vst v3  }
0x21e: {  	v22 =	vld [tilespmem:$0x1FF30];
	[tilespmem:s30+$0x420] =	vst v10  }
0x21f: {  	v17 =	vadd.s32 s24, v20;
	v3 =	vld [tilespmem:$0x1FE90];
	[tilespmem:s26+$0x830] =	vst v12  }
0x220: {  	v14 =	vadd.s32 s25, v24;
	v0 =	vld [tilespmem:$0x1FE80];
	_ =	sdelay $0x3  }
0x221: {  	v15 =	vld.idx.msk [tilespmem:v17+s12+$0x0], $0xffff  }
0x222: {  	v13 =	vld.idx.msk [tilespmem:v14+s12+$0x0], $0xffff  }
0x223: {  	v16 =	vld.idx.msk [tilespmem:v18+s12+$0x0], $0xffff  }
0x224: {  	v10 =	vld.idx.msk [tilespmem:v59+s12+$0x0], $0xffff  }
0x225: {  	s16 =	sor.u32 $0xC50, s18;
	v9 =	vld.idx.msk [tilespmem:v0+s12+$0x0], $0xffff  }
0x226: {  	[tilespmem:s16+$0x7400] =	vst v15  }
0x227: {  	v18 =	vadd.s32 s29, v3;
	v0 =	vld [tilespmem:$0x1FE10];
	[tilespmem:s28+$0x840] =	vst v13  }
0x228: {  	[tilespmem:s31+$0x430] =	vst v16  }
0x229: {  	[tilespmem:s8+$0x7400] =	vst v10  }
0x22a: {  	[tilespmem:s30+$0x430] =	vst v9  }
0x22b: {  	v9 =	vld [tilespmem:$0x1FEA0]  }
0x22c: {  	v10 =	vld.idx.msk [tilespmem:v18+s12+$0x0], $0xffff  }
0x22d: {  	v8 =	vld.idx.msk [tilespmem:v43+s12+$0x0], $0xffff;
	_ =	sdelay $0x2  }
0x22e: {  	v9 =	vadd.s32 s29, v9  }
0x22f: {  	[tilespmem:s31+$0x440] =	vst v10  }
0x230: {  	[tilespmem:s30+$0x440] =	vst v8  }
0x231: {  	v8 =	vld [tilespmem:$0x1FEB0]  }
0x232: {  	v7 =	vld.idx.msk [tilespmem:v5+s12+$0x0], $0xffff  }
0x233: {  	v9 =	vld.idx.msk [tilespmem:v9+s12+$0x0], $0xffff;
	_ =	sdelay $0x3  }
0x234: {  	v8 =	vadd.s32 s29, v8;
	[tilespmem:s30+$0x450] =	vst v7  }
0x235: {  	[tilespmem:s31+$0x450] =	vst v9  }
0x236: {  	v7 =	vld [tilespmem:$0x1FEC0];
	_ =	sdelay $0x1  }
0x237: {  	v5 =	vld.idx.msk [tilespmem:v4+s12+$0x0], $0xffff  }
0x238: {  	v8 =	vld.idx.msk [tilespmem:v8+s12+$0x0], $0xffff;
	_ =	sdelay $0x1  }
0x239: {  	v7 =	vadd.s32 s29, v7;
	_ =	sdelay $0x1  }
0x23a: {  	[tilespmem:s30+$0x460] =	vst v5  }
0x23b: {  	v4 =	vld.idx.msk [tilespmem:v2+s12+$0x0], $0xffff;
	[tilespmem:s31+$0x460] =	vst v8  }
0x23c: {  	v5 =	vld [tilespmem:$0x1FED0]  }
0x23d: {  	v7 =	vld.idx.msk [tilespmem:v7+s12+$0x0], $0xffff;
	_ =	sdelay $0x3  }
0x23e: {  	[tilespmem:s30+$0x470] =	vst v4  }
0x23f: {  	v5 =	vadd.s32 s29, v5;
	[tilespmem:s31+$0x470] =	vst v7  }
0x240: {  	v4 =	vld [tilespmem:$0x1FFE0];
	_ =	sdelay $0x2  }
0x241: {  	v2 =	vld.idx.msk [tilespmem:v1+s12+$0x0], $0xffff  }
0x242: {  	v5 =	vld.idx.msk [tilespmem:v5+s12+$0x0], $0xffff  }
0x243: {  	v4 =	vadd.s32 s29, v4;
	_ =	sdelay $0x2  }
0x244: {  	[tilespmem:s30+$0x800] =	vst v2  }
0x245: {  	[tilespmem:s31+$0x800] =	vst v5;
	v5 =	vld.idx.msk [tilespmem:v44+s12+$0x0], $0xffff  }
0x246: {  	v4 =	vld.idx.msk [tilespmem:v4+s12+$0x0], $0xffff;
	_ =	sdelay $0x3  }
0x247: {  	[tilespmem:s30+$0x810] =	vst v5  }
0x248: {  	v12 =	vld.idx.msk [tilespmem:v0+s12+$0x0], $0xffff;
	[tilespmem:s31+$0x810] =	vst v4  }
0x249: {  	v0 =	vld [tilespmem:$0x1FEF0];
	_ =	sdelay $0x1  }
0x24a: {  	v2 =	vadd.s32 s29, v26;
	_ =	sdelay $0x4  }
0x24b: {  	v2 =	vld.idx.msk [tilespmem:v2+s12+$0x0], $0xffff  }
0x24c: {  	v1 =	vld.idx.msk [tilespmem:v0+s12+$0x0], $0xffff;
	_ =	sdelay $0x3  }
0x24d: {  	[tilespmem:s31+$0x820] =	vst v2  }
0x24e: {  	[tilespmem:s30+$0x820] =	vst v1  }
0x24f: {  	v0 =	vld [tilespmem:$0x1FF10]  }
0x250: {  	v4 =	vadd.s32 s29, v25;
	_ =	sdelay $0x4  }
0x251: {  	v2 =	vld.idx.msk [tilespmem:v4+s12+$0x0], $0xffff  }
0x252: {  	v17 =	vadd.s32 s25, v22  }
0x253: {  	v1 =	vadd.s32 s29, v24;
	v4 =	vld.idx.msk [tilespmem:v0+s12+$0x0], $0xffff;
	_ =	sdelay $0x2  }
0x254: {  	[tilespmem:s31+$0x830] =	vst v2  }
0x255: {  	v13 =	vld.idx.msk [tilespmem:v17+s12+$0x0], $0xffff;
	[tilespmem:s26+$0x840] =	vst v12  }
0x256: {  	v1 =	vld.idx.msk [tilespmem:v1+s12+$0x0], $0xffff;
	[tilespmem:s30+$0x830] =	vst v4  }
0x257: {  	v7 =	vld [tilespmem:$0x1FF40]  }
0x258: {  	v2 =	vadd.s32 s29, v22;
	v5 =	vld.idx.msk [tilespmem:v63+s12+$0x0], $0xffff  }
0x259: {  	v0 =	vld.idx.msk [tilespmem:v57+s12+$0x0], $0xffff;
	_ =	sdelay $0x1  }
0x25a: {  	[tilespmem:s31+$0x840] =	vst v1  }
0x25b: {  	[tilespmem:s28+$0x850] =	vst v13;
	v4 =	vadd.s32 s25, v7  }
0x25c: {  	[tilespmem:s26+$0x850] =	vst v5;
	v1 =	vld.idx.msk [tilespmem:v2+s12+$0x0], $0xffff  }
0x25d: {  	[tilespmem:s30+$0x840] =	vst v0;
	v0 =	vadd.s32 s29, v7;
	v7 =	vld.idx.msk [tilespmem:v62+s12+$0x0], $0xffff  }
0x25e: {  	v8 =	vld [tilespmem:$0x1FF50]  }
0x25f: {  	v2 =	vld.idx.msk [tilespmem:v42+s12+$0x0], $0xffff  }
0x260: {  	v4 =	vld.idx.msk [tilespmem:v4+s12+$0x0], $0xffff;
	_ =	sdelay $0x1  }
0x261: {  	[tilespmem:s31+$0x850] =	vst v1  }
0x262: {  	v0 =	vld.idx.msk [tilespmem:v0+s12+$0x0], $0xffff;
	[tilespmem:s26+$0x860] =	vst v7;
	v5 =	vadd.s32 s25, v8  }
0x263: {  	[tilespmem:s30+$0x850] =	vst v2;
	v1 =	vadd.s32 s29, v8  }
0x264: {  	v7 =	vld.idx.msk [tilespmem:v61+s12+$0x0], $0xffff;
	[tilespmem:s28+$0x860] =	vst v4  }
0x265: {  	v8 =	vld [tilespmem:$0x1FF60]  }
0x266: {  	v2 =	vld.idx.msk [tilespmem:v41+s12+$0x0], $0xffff  }
0x267: {  	v4 =	vld.idx.msk [tilespmem:v5+s12+$0x0], $0xffff;
	[tilespmem:s31+$0x860] =	vst v0  }
0x268: {  	v0 =	vld.idx.msk [tilespmem:v1+s12+$0x0], $0xffff;
	_ =	sdelay $0x1  }
0x269: {  	[tilespmem:s26+$0x870] =	vst v7;
	v5 =	vadd.s32 s25, v8  }
0x26a: {  	[tilespmem:s30+$0x860] =	vst v2;
	v1 =	vadd.s32 s29, v8  }
0x26b: {  	[tilespmem:s28+$0x870] =	vst v4  }
0x26c: {  	v2 =	vld.idx.msk [tilespmem:v36+s12+$0x0], $0xffff;
	[tilespmem:s31+$0x870] =	vst v0  }
0x26d: {  	v7 =	vld [tilespmem:$0x1FF70]  }
0x26e: {  	s19 =	sadd.s32 $0x2, s4;
	v4 =	vld.idx.msk [tilespmem:v5+s12+$0x0], $0xffff  }
0x26f: {  	s20 =	sand.u32 $0x7, s19;
	s4 =	sadd.s32 $0x2, s19;
	v1 =	vld.idx.msk [tilespmem:v1+s12+$0x0], $0xffff  }
0x270: {  	s2 =	sshll.u32 s20, $0x7;
	s3 =	sadd.s32 $0x400, s13;
	s26 =	sand.u32 $0x7, s4;
	v5 =	vld.idx.msk [tilespmem:v60+s12+$0x0], $0xffff  }
0x271: {  	s0 =	sadd.s32 s2, s3;
	s3 =	sadd.s32 $0x400, s3;
	s2 =	sshll.u32 s26, $0x7  }
0x272: {  	s1 =	sor.u32 $0xC00, s0;
	s2 =	sadd.s32 s2, s3;
	[tilespmem:s30+$0x870] =	vst v2  }
0x273: {  	v14 =	vadd.s32 s24, v19;
	s3 =	sor.u32 $0xC00, s2;
	[tilespmem:s1+$0x7400] =	vst v4  }
0x274: {  	v0 =	vadd.s32 s25, v7;
	s1 =	rddreg [dreg:$0x13];
	[tilespmem:s3+$0x7400] =	vst v1  }
0x275: {  	v2 =	vadd.s32 s29, v7;
	v7 =	vld.idx.msk [tilespmem:v33+s12+$0x0], $0xffff;
	[tilespmem:s1+$0x7400] =	vst v5  }
0x276: {  	v5 =	vld [tilespmem:$0x1FFD0];
	_ =	sdelay $0x1  }
0x277: {  	v3 =	vld.idx.msk [tilespmem:v14+s12+$0x0], $0xffff  }
0x278: {  	v0 =	vld.idx.msk [tilespmem:v0+s12+$0x0], $0xffff;
	s1 =	rddreg [dreg:$0x16]  }
0x279: {  	v4 =	vld.idx.msk [tilespmem:v58+s12+$0x0], $0xffff;
	[tilespmem:s1+$0x7400] =	vst v7  }
0x27a: {  	v2 =	vld.idx.msk [tilespmem:v2+s12+$0x0], $0xffff;
	v1 =	vadd.s32 s25, v5  }
0x27b: {  	v5 =	vadd.s32 s29, v5;
	_ =	sdelay $0x1  }
0x27c: {  	s6 =	sor.u32 $0xC10, s0;
	v7 =	vld.idx.msk [tilespmem:v6+s12+$0x0], $0xffff  }
0x27d: {  	s13 =	sor.u32 $0xC10, s2;
	[tilespmem:s6+$0x7400] =	vst v0  }
0x27e: {  	s8 =	rddreg [dreg:$0x11];
	[tilespmem:s13+$0x7400] =	vst v2;
	v0 =	vld.idx.msk [tilespmem:v1+s12+$0x0], $0xffff  }
0x27f: {  	[tilespmem:s8+$0x7400] =	vst v4;
	v1 =	vadd.s32 s25, v23;
	v4 =	vld.idx.msk [tilespmem:v5+s12+$0x0], $0xffff  }
0x280: {  	v2 =	vld.idx.msk [tilespmem:v56+s12+$0x0], $0xffff;
	v5 =	vadd.s32 s29, v23  }
0x281: {  	[tilespmem:s11+$0x7400] =	vst v7  }
0x282: {  	s16 =	sor.u32 $0xC20, s0;
	v6 =	vld.idx.msk [tilespmem:v37+s12+$0x0], $0xffff  }
0x283: {  	s19 =	sor.u32 $0xC20, s2;
	[tilespmem:s16+$0x7400] =	vst v0;
	v0 =	vld.idx.msk [tilespmem:v50+s12+$0x0], $0xffff  }
0x284: {  	[tilespmem:s19+$0x7400] =	vst v4;
	v1 =	vld.idx.msk [tilespmem:v1+s12+$0x0], $0xffff  }
0x285: {  	[tilespmem:s9+$0x7400] =	vst v2;
	v2 =	vadd.s32 s25, v21;
	v4 =	vld.idx.msk [tilespmem:v5+s12+$0x0], $0xffff  }
0x286: {  	v7 =	vld.idx.msk [tilespmem:v55+s12+$0x0], $0xffff;
	s1 =	rddreg [dreg:$0x19];
	v5 =	vadd.s32 s29, v21  }
0x287: {  	[tilespmem:s1+$0x7400] =	vst v6  }
0x288: {  	s20 =	sor.u32 $0xC30, s0;
	v6 =	vld.idx.msk [tilespmem:v40+s12+$0x0], $0xffff;
	[tilespmem:s23+$0x7400] =	vst v0  }
0x289: {  	s23 =	sor.u32 $0xC30, s2;
	v0 =	vld.idx.msk [tilespmem:v49+s12+$0x0], $0xffff;
	[tilespmem:s20+$0x7400] =	vst v1  }
0x28a: {  	v1 =	vld.idx.msk [tilespmem:v2+s12+$0x0], $0xffff;
	s1 =	rddreg [dreg:$0xa];
	[tilespmem:s23+$0x7400] =	vst v4  }
0x28b: {  	[tilespmem:s1+$0x7400] =	vst v7;
	v4 =	vld.idx.msk [tilespmem:v5+s12+$0x0], $0xffff  }
0x28c: {  	v7 =	vld.idx.msk [tilespmem:v54+s12+$0x0], $0xffff;
	s1 =	rddreg [dreg:$0xe]  }
0x28d: {  	v2 =	vadd.s32 s25, v20;
	[tilespmem:s1+$0x7400] =	vst v6  }
0x28e: {  	s26 =	sor.u32 $0xC40, s0;
	v5 =	vadd.s32 s29, v20;
	v6 =	vld.idx.msk [tilespmem:v35+s12+$0x0], $0xffff;
	[tilespmem:s21+$0x7400] =	vst v0  }
0x28f: {  	s3 =	sor.u32 $0xC40, s2;
	v0 =	vld.idx.msk [tilespmem:v48+s12+$0x0], $0xffff;
	[tilespmem:s26+$0x7400] =	vst v1  }
0x290: {  	[tilespmem:s3+$0x7400] =	vst v4  }
0x291: {  	[tilespmem:s10+$0x7400] =	vst v7  }
0x292: {  	v1 =	vld.idx.msk [tilespmem:v2+s12+$0x0], $0xffff;
	s1 =	rddreg [dreg:$0xd]  }
0x293: {  	v4 =	vld.idx.msk [tilespmem:v5+s12+$0x0], $0xffff;
	[tilespmem:s1+$0x7400] =	vst v6  }
0x294: {  	v2 =	vadd.s32 s25, v19;
	v7 =	vld.idx.msk [tilespmem:v53+s12+$0x0], $0xffff;
	[tilespmem:s17+$0x7400] =	vst v0  }
0x295: {  	v9 =	vld [tilespmem:$0x1FFC0]  }
0x296: {  	v5 =	vadd.s32 s29, v19  }
0x297: {  	s4 =	sor.u32 $0xC50, s0;
	v6 =	vld.idx.msk [tilespmem:v32+s12+$0x0], $0xffff  }
0x298: {  	v8 =	vld.idx.msk [tilespmem:v47+s12+$0x0], $0xffff;
	[tilespmem:s4+$0x7400] =	vst v1  }
0x299: {  	v1 =	vld.idx.msk [tilespmem:v2+s12+$0x0], $0xffff;
	[tilespmem:s5+$0x7400] =	vst v7;
	s5 =	sor.u32 $0xC50, s2  }
0x29a: {  	s6 =	sor.u32 $0xC60, s18;
	v7 =	vld.idx.msk [tilespmem:v52+s12+$0x0], $0xffff;
	[tilespmem:s5+$0x7400] =	vst v4;
	v0 =	vadd.s32 s24, v9  }
0x29b: {  	[tilespmem:s6+$0x7400] =	vst v3;
	v4 =	vld.idx.msk [tilespmem:v5+s12+$0x0], $0xffff;
	v2 =	vadd.s32 s25, v9  }
0x29c: {  	[tilespmem:s15+$0x7400] =	vst v6  }
0x29d: {  	s8 =	sor.u32 $0xC60, s0;
	v3 =	vadd.s32 s29, v9;
	v5 =	vld.idx.msk [tilespmem:v11+s12+$0x0], $0xffff;
	[tilespmem:s14+$0x7400] =	vst v8  }
0x29e: {  	v6 =	vld.idx.msk [tilespmem:v46+s12+$0x0], $0xffff;
	[tilespmem:s8+$0x7400] =	vst v1  }
0x29f: {  	s9 =	sor.u32 $0xC60, s2;
	[tilespmem:s22+$0x7400] =	vst v7;
	v0 =	vld.idx.msk [tilespmem:v0+s12+$0x0], $0xffff  }
0x2a0: {  	[tilespmem:s9+$0x7400] =	vst v4;
	v1 =	vld.idx.msk [tilespmem:v2+s12+$0x0], $0xffff  }
0x2a1: {  	s3 =	rddreg [dreg:$0x18]  }
0x2a2: {  	v3 =	vld.idx.msk [tilespmem:v3+s12+$0x0], $0xffff;
	[tilespmem:s3+$0x7400] =	vst v5  }
0x2a3: {  	s10 =	sor.u32 $0xC70, s18;
	v2 =	vld.idx.msk [tilespmem:v51+s12+$0x0], $0xffff;
	[tilespmem:s7+$0x7400] =	vst v6  }
0x2a4: {  	s0 =	sor.u32 $0xC70, s0;
	[tilespmem:s10+$0x7400] =	vst v0  }
0x2a5: {  	[tilespmem:s0+$0x7400] =	vst v1  }
0x2a6: {  	s11 =	sor.u32 $0xC70, s2;
	v0 =	vld.idx.msk [tilespmem:v29+s12+$0x0], $0xffff;
	s0 =	sld [smem:$0x7F3]  }
0x2a7: {  	s1 =	rddreg [dreg:$0x5];
	[tilespmem:s11+$0x7400] =	vst v3  }
0x2a8: {  	s13 =	rddreg [dreg:$0x1];
	[tilespmem:s1+$0x7400] =	vst v2  }
0x2a9: {  	s1 =	sld [smem:$0x7F4]  }
0x2aa: {  	s14 =	rddreg [dreg:$0x7];
	s0 =	sshll.u32 s0, $0x9  }
0x2ab: {  	s16 =	simm.s32 $0x20000;
	s17 =	simm.s32 $0x7400;
	s0 =	sand.u32 $0x3C00, s0;
	[tilespmem:s14+$0x7400] =	vst v0  }
0x2ac: {  	s1 =	sshll.u32 s1, $0x11;
	s0 =	sadd.s32 s13, s0;
	s18 =	sld [smem:$0x7F2]  }
0x2ad: {  	s15 =	simm.s32 $0x1000;
	s0 =	sadd.s32 s1, s0;
	s1 =	simm.s32 @!p0 $0x2  }
0x2ae: {  	[hbm4b:s0+s15] =	stream.strided.scatter [tilespmem:s17], [sflag:$0x1], $0x8000, s16, s15, $0x38;
	[tilespmem:$0x17400] =	vst v63  }
0x2af: {  	s0 =	sor.u32 $0x1, s18;
	_ =	swait.ge @!p0 [sflag:s1], $0x8000  }
0x2b0: {  	[sflag:s1] =	ssyncset.done @!p0 $0x0;
	s19 =	sshll.u32 s0, $0x9  }
0x2b1: {  	[sflag:s1] =	ssyncadd.s32 @!p0 $0xFFFF8000;
	s2 =	sand.u32 $0x3FFFFE00, s19  }
0x2b2: {  	v11 =	vld [tilespmem:s2+$0x0]  }
0x2b3: {  	v12 =	vld [tilespmem:s2+$0x10]  }
0x2b4: {  	v13 =	vld [tilespmem:s2+$0x20]  }
0x2b5: {  	v14 =	vld [tilespmem:s2+$0x30]  }
0x2b6: {  	v15 =	vld [tilespmem:s2+$0x40]  }
0x2b7: {  	v16 =	vld [tilespmem:s2+$0x50]  }
0x2b8: {  	v17 =	vld [tilespmem:s2+$0x60]  }
0x2b9: {  	v21 =	vld [tilespmem:s2+$0x70]  }
0x2ba: {  	v45 =	vld [tilespmem:s2+$0x80]  }
0x2bb: {  	v44 =	vld [tilespmem:s2+$0x90]  }
0x2bc: {  	v24 =	vld [tilespmem:s2+$0xA0]  }
0x2bd: {  	v43 =	vld [tilespmem:s2+$0xB0]  }
0x2be: {  	v42 =	vld [tilespmem:s2+$0xC0]  }
0x2bf: {  	v25 =	vld [tilespmem:s2+$0xD0]  }
0x2c0: {  	v41 =	vld [tilespmem:s2+$0xE0]  }
0x2c1: {  	v40 =	vld [tilespmem:s2+$0xF0]  }
0x2c2: {  	v18 =	vld [tilespmem:s2+$0x100]  }
0x2c3: {  	v39 =	vld [tilespmem:s2+$0x110]  }
0x2c4: {  	v38 =	vld [tilespmem:s2+$0x120]  }
0x2c5: {  	v22 =	vld [tilespmem:s2+$0x130]  }
0x2c6: {  	s20 =	rddreg [dreg:$0x4];
	v37 =	vld [tilespmem:s2+$0x140]  }
0x2c7: {  	s3 =	sadd.s32 $0x0, s20;
	v36 =	vld [tilespmem:s2+$0x150]  }
0x2c8: {  	v35 =	vld [tilespmem:s2+$0x160];
	s4 =	sadd.s32 $0x80, s3  }
0x2c9: {  	v34 =	vld [tilespmem:s2+$0x170];
	v0 =	vadd.s32 s4, v11  }
0x2ca: {  	v33 =	vld [tilespmem:s2+$0x180]  }
0x2cb: {  	v32 =	vld [tilespmem:s2+$0x190]  }
0x2cc: {  	v31 =	vld [tilespmem:s2+$0x1A0]  }
0x2cd: {  	v30 =	vld [tilespmem:s2+$0x1B0]  }
0x2ce: {  	v1 =	vadd.s32 s3, v11;
	v0 =	vld.idx.msk [tilespmem:v0+s12+$0x0], $0xffff  }
0x2cf: {  	s21 =	simm.s32 $0x0;
	v29 =	vld [tilespmem:s2+$0x1C0];
	v2 =	vadd.s32 s4, v12  }
0x2d0: {  	s6 =	simm.s32 $0x80;
	s22 =	sand.u32 $0x7000, s21;
	v28 =	vld [tilespmem:s2+$0x1D0]  }
0x2d1: {  	s6 =	sand.u32 $0x380, s6;
	s5 =	sadd.s32 $0xF400, s22;
	v27 =	vld [tilespmem:s2+$0x1E0]  }
0x2d2: {  	s23 =	sor.u32 s6, s5;
	v26 =	vld [tilespmem:s2+$0x1F0]  }
0x2d3: {  	v1 =	vld.idx.msk [tilespmem:v1+s12+$0x0], $0xffff;
	[tilespmem:s23+$0x0] =	vst v0  }
0x2d4: {  	v0 =	vadd.s32 s3, v12;
	v2 =	vld.idx.msk [tilespmem:v2+s12+$0x0], $0xffff  }
0x2d5: {  	v3 =	vadd.s32 s4, v13  }
0x2d6: {  	s8 =	sand.u32 $0x300, s21  }
0x2d7: {  	s2 =	sor.u32 s8, s5  }
0x2d8: {  	[tilespmem:s2+$0x0] =	vst v1  }
0x2d9: {  	v0 =	vld.idx.msk [tilespmem:v0+s12+$0x0], $0xffff;
	[tilespmem:s23+$0x10] =	vst v2  }
0x2da: {  	v1 =	vadd.s32 s3, v13;
	v2 =	vld.idx.msk [tilespmem:v3+s12+$0x0], $0xffff  }
0x2db: {  	v3 =	vadd.s32 s4, v14;
	_ =	sdelay $0x2  }
0x2dc: {  	[tilespmem:s2+$0x10] =	vst v0  }
0x2dd: {  	v0 =	vld.idx.msk [tilespmem:v1+s12+$0x0], $0xffff;
	[tilespmem:s23+$0x20] =	vst v2  }
0x2de: {  	v1 =	vadd.s32 s3, v14;
	v2 =	vld.idx.msk [tilespmem:v3+s12+$0x0], $0xffff  }
0x2df: {  	v3 =	vadd.s32 s4, v15;
	_ =	sdelay $0x2  }
0x2e0: {  	[tilespmem:s2+$0x20] =	vst v0  }
0x2e1: {  	v0 =	vld.idx.msk [tilespmem:v1+s12+$0x0], $0xffff;
	[tilespmem:s23+$0x30] =	vst v2  }
0x2e2: {  	v1 =	vadd.s32 s3, v15;
	v2 =	vld.idx.msk [tilespmem:v3+s12+$0x0], $0xffff  }
0x2e3: {  	v3 =	vadd.s32 s4, v16;
	_ =	sdelay $0x2  }
0x2e4: {  	[tilespmem:s2+$0x30] =	vst v0  }
0x2e5: {  	v0 =	vld.idx.msk [tilespmem:v1+s12+$0x0], $0xffff;
	[tilespmem:s23+$0x40] =	vst v2  }
0x2e6: {  	v1 =	vadd.s32 s3, v16;
	v2 =	vld.idx.msk [tilespmem:v3+s12+$0x0], $0xffff  }
0x2e7: {  	v3 =	vadd.s32 s4, v17;
	_ =	sdelay $0x2  }
0x2e8: {  	[tilespmem:s2+$0x40] =	vst v0  }
0x2e9: {  	v0 =	vld.idx.msk [tilespmem:v1+s12+$0x0], $0xffff;
	[tilespmem:s23+$0x50] =	vst v2  }
0x2ea: {  	v1 =	vadd.s32 s3, v17;
	v2 =	vld.idx.msk [tilespmem:v3+s12+$0x0], $0xffff  }
0x2eb: {  	v3 =	vadd.s32 s4, v21;
	_ =	sdelay $0x2  }
0x2ec: {  	[tilespmem:s2+$0x50] =	vst v0  }
0x2ed: {  	v0 =	vld.idx.msk [tilespmem:v1+s12+$0x0], $0xffff;
	[tilespmem:s23+$0x60] =	vst v2  }
0x2ee: {  	v1 =	vadd.s32 s3, v21;
	v2 =	vld.idx.msk [tilespmem:v3+s12+$0x0], $0xffff  }
0x2ef: {  	v3 =	vadd.s32 s4, v45;
	_ =	sdelay $0x2  }
0x2f0: {  	[tilespmem:s2+$0x60] =	vst v0  }
0x2f1: {  	s10 =	rddreg [dreg:$0x4];
	v0 =	vld.idx.msk [tilespmem:v1+s12+$0x0], $0xffff;
	[tilespmem:s23+$0x70] =	vst v2  }
0x2f2: {  	s5 =	sadd.s32 $0x100, s10;
	v1 =	vadd.s32 s3, v45;
	v2 =	vld.idx.msk [tilespmem:v3+s12+$0x0], $0xffff  }
0x2f3: {  	s24 =	sadd.s32 $0x80, s5;
	v3 =	vadd.s32 s4, v44  }
0x2f4: {  	v4 =	vadd.s32 s24, v11;
	_ =	sdelay $0x1  }
0x2f5: {  	[tilespmem:s2+$0x70] =	vst v0  }
0x2f6: {  	v0 =	vld.idx.msk [tilespmem:v1+s12+$0x0], $0xffff;
	v1 =	vadd.s32 s5, v11;
	[tilespmem:s23+$0x400] =	vst v2  }
0x2f7: {  	v2 =	vadd.s32 s3, v44;
	v3 =	vld.idx.msk [tilespmem:v3+s12+$0x0], $0xffff  }
0x2f8: {  	v5 =	vadd.s32 s4, v24;
	v4 =	vld.idx.msk [tilespmem:v4+s12+$0x0], $0xffff  }
0x2f9: {  	s11 =	simm.s32 $0x400;
	v6 =	vadd.s32 s24, v12  }
0x2fa: {  	s6 =	sand.u32 $0x7000, s11;
	s13 =	simm.s32 $0x180  }
0x2fb: {  	s6 =	sadd.s32 $0xF400, s6;
	s7 =	sand.u32 $0x380, s13;
	[tilespmem:s2+$0x400] =	vst v0;
	v0 =	vld.idx.msk [tilespmem:v1+s12+$0x0], $0xffff  }
0x2fc: {  	s7 =	sor.u32 s7, s6;
	v1 =	vadd.s32 s5, v12;
	v2 =	vld.idx.msk [tilespmem:v2+s12+$0x0], $0xffff;
	[tilespmem:s23+$0x410] =	vst v3  }
0x2fd: {  	s14 =	simm.s32 $0x100;
	[tilespmem:s7+$0x0] =	vst v4;
	v3 =	vadd.s32 s3, v24;
	v4 =	vld.idx.msk [tilespmem:v5+s12+$0x0], $0xffff  }
0x2fe: {  	s8 =	sand.u32 $0x300, s14;
	v5 =	vld.idx.msk [tilespmem:v6+s12+$0x0], $0xffff;
	v6 =	vadd.s32 s4, v43  }
0x2ff: {  	s6 =	sor.u32 s8, s6;
	v7 =	vadd.s32 s24, v13  }
0x300: {  	[tilespmem:s6+$0x0] =	vst v0  }
0x301: {  	v0 =	vld.idx.msk [tilespmem:v1+s12+$0x0], $0xffff;
	[tilespmem:s2+$0x410] =	vst v2  }
0x302: {  	v1 =	vadd.s32 s5, v13;
	v2 =	vld.idx.msk [tilespmem:v3+s12+$0x0], $0xffff;
	[tilespmem:s23+$0x420] =	vst v4  }
0x303: {  	v3 =	vadd.s32 s3, v43;
	[tilespmem:s7+$0x10] =	vst v5;
	v4 =	vld.idx.msk [tilespmem:v6+s12+$0x0], $0xffff  }
0x304: {  	v5 =	vld.idx.msk [tilespmem:v7+s12+$0x0], $0xffff;
	v6 =	vadd.s32 s4, v42  }
0x305: {  	v7 =	vadd.s32 s24, v14  }
0x306: {  	[tilespmem:s6+$0x10] =	vst v0  }
0x307: {  	v0 =	vld.idx.msk [tilespmem:v1+s12+$0x0], $0xffff;
	[tilespmem:s2+$0x420] =	vst v2  }
0x308: {  	v1 =	vadd.s32 s5, v14;
	v2 =	vld.idx.msk [tilespmem:v3+s12+$0x0], $0xffff;
	[tilespmem:s23+$0x430] =	vst v4  }
0x309: {  	v3 =	vadd.s32 s3, v42;
	[tilespmem:s7+$0x20] =	vst v5;
	v4 =	vld.idx.msk [tilespmem:v6+s12+$0x0], $0xffff  }
0x30a: {  	v5 =	vld.idx.msk [tilespmem:v7+s12+$0x0], $0xffff;
	v6 =	vadd.s32 s4, v25  }
0x30b: {  	v7 =	vadd.s32 s24, v15  }
0x30c: {  	[tilespmem:s6+$0x20] =	vst v0  }
0x30d: {  	v0 =	vld.idx.msk [tilespmem:v1+s12+$0x0], $0xffff;
	[tilespmem:s2+$0x430] =	vst v2  }
0x30e: {  	v1 =	vadd.s32 s5, v15;
	v2 =	vld.idx.msk [tilespmem:v3+s12+$0x0], $0xffff;
	[tilespmem:s23+$0x440] =	vst v4  }
0x30f: {  	v3 =	vadd.s32 s3, v25;
	[tilespmem:s7+$0x30] =	vst v5;
	v4 =	vld.idx.msk [tilespmem:v6+s12+$0x0], $0xffff  }
0x310: {  	v5 =	vld.idx.msk [tilespmem:v7+s12+$0x0], $0xffff;
	v6 =	vadd.s32 s4, v41  }
0x311: {  	v7 =	vadd.s32 s24, v16  }
0x312: {  	[tilespmem:s6+$0x30] =	vst v0  }
0x313: {  	v0 =	vld.idx.msk [tilespmem:v1+s12+$0x0], $0xffff;
	[tilespmem:s2+$0x440] =	vst v2  }
0x314: {  	v1 =	vadd.s32 s5, v16;
	v2 =	vld.idx.msk [tilespmem:v3+s12+$0x0], $0xffff;
	[tilespmem:s23+$0x450] =	vst v4  }
0x315: {  	v3 =	vadd.s32 s3, v41;
	[tilespmem:s7+$0x40] =	vst v5;
	v4 =	vld.idx.msk [tilespmem:v6+s12+$0x0], $0xffff  }
0x316: {  	v5 =	vld.idx.msk [tilespmem:v7+s12+$0x0], $0xffff;
	v6 =	vadd.s32 s4, v40  }
0x317: {  	v7 =	vadd.s32 s24, v17  }
0x318: {  	[tilespmem:s6+$0x40] =	vst v0  }
0x319: {  	v0 =	vld.idx.msk [tilespmem:v1+s12+$0x0], $0xffff;
	[tilespmem:s2+$0x450] =	vst v2  }
0x31a: {  	v1 =	vadd.s32 s5, v17;
	v2 =	vld.idx.msk [tilespmem:v3+s12+$0x0], $0xffff;
	[tilespmem:s23+$0x460] =	vst v4  }
0x31b: {  	v3 =	vadd.s32 s3, v40;
	[tilespmem:s7+$0x50] =	vst v5;
	v4 =	vld.idx.msk [tilespmem:v6+s12+$0x0], $0xffff  }
0x31c: {  	v5 =	vld.idx.msk [tilespmem:v7+s12+$0x0], $0xffff;
	v6 =	vadd.s32 s4, v18  }
0x31d: {  	v7 =	vadd.s32 s24, v21  }
0x31e: {  	[tilespmem:s6+$0x50] =	vst v0  }
0x31f: {  	v0 =	vld.idx.msk [tilespmem:v1+s12+$0x0], $0xffff;
	[tilespmem:s2+$0x460] =	vst v2  }
0x320: {  	v1 =	vadd.s32 s5, v21;
	v2 =	vld.idx.msk [tilespmem:v3+s12+$0x0], $0xffff;
	[tilespmem:s23+$0x470] =	vst v4  }
0x321: {  	v3 =	vadd.s32 s3, v18;
	[tilespmem:s7+$0x60] =	vst v5;
	v4 =	vld.idx.msk [tilespmem:v6+s12+$0x0], $0xffff  }
0x322: {  	v5 =	vld.idx.msk [tilespmem:v7+s12+$0x0], $0xffff;
	v6 =	vadd.s32 s4, v39  }
0x323: {  	v7 =	vadd.s32 s24, v45  }
0x324: {  	[tilespmem:s6+$0x60] =	vst v0  }
0x325: {  	v0 =	vld.idx.msk [tilespmem:v1+s12+$0x0], $0xffff;
	[tilespmem:s2+$0x470] =	vst v2  }
0x326: {  	v1 =	vadd.s32 s5, v45;
	v2 =	vld.idx.msk [tilespmem:v3+s12+$0x0], $0xffff;
	[tilespmem:s23+$0x800] =	vst v4  }
0x327: {  	s15 =	rddreg [dreg:$0x4];
	v3 =	vadd.s32 s3, v39;
	[tilespmem:s7+$0x70] =	vst v5;
	v4 =	vld.idx.msk [tilespmem:v6+s12+$0x0], $0xffff  }
0x328: {  	s8 =	sadd.s32 $0x200, s15;
	v5 =	vld.idx.msk [tilespmem:v7+s12+$0x0], $0xffff;
	v6 =	vadd.s32 s4, v38  }
0x329: {  	s25 =	sadd.s32 $0x80, s8;
	v7 =	vadd.s32 s24, v44  }
0x32a: {  	[tilespmem:s6+$0x70] =	vst v0;
	v0 =	vadd.s32 s25, v11  }
0x32b: {  	v1 =	vld.idx.msk [tilespmem:v1+s12+$0x0], $0xffff;
	[tilespmem:s2+$0x800] =	vst v2;
	v2 =	vadd.s32 s8, v11  }
0x32c: {  	v8 =	vadd.s32 s5, v44;
	v3 =	vld.idx.msk [tilespmem:v3+s12+$0x0], $0xffff;
	[tilespmem:s23+$0x810] =	vst v4  }
0x32d: {  	v4 =	vadd.s32 s3, v38;
	[tilespmem:s7+$0x400] =	vst v5;
	v5 =	vld.idx.msk [tilespmem:v6+s12+$0x0], $0xffff  }
0x32e: {  	v6 =	vld.idx.msk [tilespmem:v7+s12+$0x0], $0xffff;
	v7 =	vadd.s32 s4, v22  }
0x32f: {  	v9 =	vadd.s32 s24, v24;
	v0 =	vld.idx.msk [tilespmem:v0+s12+$0x0], $0xffff  }
0x330: {  	s16 =	simm.s32 $0x800;
	[tilespmem:s6+$0x400] =	vst v1;
	v1 =	vld.idx.msk [tilespmem:v2+s12+$0x0], $0xffff;
	v2 =	vadd.s32 s25, v12  }
0x331: {  	s17 =	simm.s32 $0x280;
	s10 =	sand.u32 $0x7000, s16;
	v10 =	vadd.s32 s8, v12;
	[tilespmem:s2+$0x810] =	vst v3;
	v3 =	vld.idx.msk [tilespmem:v8+s12+$0x0], $0xffff  }
0x332: {  	s18 =	simm.s32 $0x200;
	s11 =	sand.u32 $0x380, s17;
	s10 =	sadd.s32 $0xF400, s10;
	v8 =	vadd.s32 s5, v24;
	v4 =	vld.idx.msk [tilespmem:v4+s12+$0x0], $0xffff;
	[tilespmem:s23+$0x820] =	vst v5  }
0x333: {  	s13 =	sand.u32 $0x300, s18;
	s28 =	sor.u32 s11, s10;
	v5 =	vadd.s32 s3, v22;
	[tilespmem:s7+$0x410] =	vst v6;
	v6 =	vld.idx.msk [tilespmem:v7+s12+$0x0], $0xffff  }
0x334: {  	s26 =	sor.u32 s13, s10;
	[tilespmem:s28+$0x0] =	vst v0;
	v0 =	vld.idx.msk [tilespmem:v9+s12+$0x0], $0xffff;
	v7 =	vadd.s32 s4, v37  }
0x335: {  	[tilespmem:s26+$0x0] =	vst v1;
	v1 =	vld.idx.msk [tilespmem:v2+s12+$0x0], $0xffff;
	v2 =	vadd.s32 s24, v43  }
0x336: {  	v9 =	vld.idx.msk [tilespmem:v10+s12+$0x0], $0xffff;
	[tilespmem:s6+$0x410] =	vst v3;
	v3 =	vadd.s32 s25, v13  }
0x337: {  	v10 =	vadd.s32 s8, v13;
	v8 =	vld.idx.msk [tilespmem:v8+s12+$0x0], $0xffff;
	[tilespmem:s2+$0x820] =	vst v4  }
0x338: {  	v4 =	vadd.s32 s5, v43;
	v5 =	vld.idx.msk [tilespmem:v5+s12+$0x0], $0xffff;
	[tilespmem:s23+$0x830] =	vst v6  }
0x339: {  	v6 =	vadd.s32 s3, v37;
	[tilespmem:s7+$0x420] =	vst v0;
	v0 =	vld.idx.msk [tilespmem:v7+s12+$0x0], $0xffff  }
0x33a: {  	[tilespmem:s28+$0x10] =	vst v1;
	v1 =	vld.idx.msk [tilespmem:v2+s12+$0x0], $0xffff;
	v2 =	vadd.s32 s4, v36  }
0x33b: {  	v7 =	vadd.s32 s24, v42;
	[tilespmem:s26+$0x10] =	vst v9;
	v3 =	vld.idx.msk [tilespmem:v3+s12+$0x0], $0xffff  }
0x33c: {  	v9 =	vld.idx.msk [tilespmem:v10+s12+$0x0], $0xffff;
	[tilespmem:s6+$0x420] =	vst v8;
	v8 =	vadd.s32 s25, v14  }
0x33d: {  	v10 =	vadd.s32 s8, v14;
	v4 =	vld.idx.msk [tilespmem:v4+s12+$0x0], $0xffff;
	[tilespmem:s2+$0x830] =	vst v5  }
0x33e: {  	v5 =	vadd.s32 s5, v42;
	v6 =	vld.idx.msk [tilespmem:v6+s12+$0x0], $0xffff;
	[tilespmem:s23+$0x840] =	vst v0  }
0x33f: {  	v0 =	vadd.s32 s3, v36;
	[tilespmem:s7+$0x430] =	vst v1;
	v1 =	vld.idx.msk [tilespmem:v2+s12+$0x0], $0xffff  }
0x340: {  	[tilespmem:s28+$0x20] =	vst v3;
	v2 =	vld.idx.msk [tilespmem:v7+s12+$0x0], $0xffff;
	v3 =	vadd.s32 s4, v35  }
0x341: {  	[tilespmem:s26+$0x20] =	vst v9;
	v7 =	vld.idx.msk [tilespmem:v8+s12+$0x0], $0xffff;
	v8 =	vadd.s32 s24, v25  }
0x342: {  	v9 =	vld.idx.msk [tilespmem:v10+s12+$0x0], $0xffff;
	[tilespmem:s6+$0x430] =	vst v4;
	v4 =	vadd.s32 s25, v15  }
0x343: {  	v10 =	vadd.s32 s8, v15;
	v5 =	vld.idx.msk [tilespmem:v5+s12+$0x0], $0xffff;
	[tilespmem:s2+$0x840] =	vst v6  }
0x344: {  	v6 =	vadd.s32 s5, v25;
	v0 =	vld.idx.msk [tilespmem:v0+s12+$0x0], $0xffff;
	[tilespmem:s23+$0x850] =	vst v1  }
0x345: {  	v1 =	vadd.s32 s3, v35;
	[tilespmem:s7+$0x440] =	vst v2;
	v2 =	vld.idx.msk [tilespmem:v3+s12+$0x0], $0xffff  }
0x346: {  	[tilespmem:s28+$0x30] =	vst v7;
	v3 =	vld.idx.msk [tilespmem:v8+s12+$0x0], $0xffff;
	v7 =	vadd.s32 s4, v34  }
0x347: {  	v8 =	vadd.s32 s24, v41;
	[tilespmem:s26+$0x30] =	vst v9;
	v4 =	vld.idx.msk [tilespmem:v4+s12+$0x0], $0xffff  }
0x348: {  	v9 =	vld.idx.msk [tilespmem:v10+s12+$0x0], $0xffff;
	[tilespmem:s6+$0x440] =	vst v5;
	v5 =	vadd.s32 s25, v16  }
0x349: {  	v10 =	vadd.s32 s8, v16;
	v6 =	vld.idx.msk [tilespmem:v6+s12+$0x0], $0xffff;
	[tilespmem:s2+$0x850] =	vst v0  }
0x34a: {  	v0 =	vadd.s32 s5, v41;
	v1 =	vld.idx.msk [tilespmem:v1+s12+$0x0], $0xffff;
	[tilespmem:s23+$0x860] =	vst v2  }
0x34b: {  	v2 =	vadd.s32 s3, v34;
	[tilespmem:s7+$0x450] =	vst v3;
	v3 =	vld.idx.msk [tilespmem:v7+s12+$0x0], $0xffff  }
0x34c: {  	[tilespmem:s28+$0x40] =	vst v4;
	v4 =	vld.idx.msk [tilespmem:v8+s12+$0x0], $0xffff;
	v7 =	vadd.s32 s4, v33  }
0x34d: {  	v8 =	vadd.s32 s24, v40;
	[tilespmem:s26+$0x40] =	vst v9;
	v5 =	vld.idx.msk [tilespmem:v5+s12+$0x0], $0xffff  }
0x34e: {  	v9 =	vld.idx.msk [tilespmem:v10+s12+$0x0], $0xffff;
	[tilespmem:s6+$0x450] =	vst v6;
	v6 =	vadd.s32 s25, v17  }
0x34f: {  	v10 =	vadd.s32 s8, v17;
	v0 =	vld.idx.msk [tilespmem:v0+s12+$0x0], $0xffff;
	[tilespmem:s2+$0x860] =	vst v1  }
0x350: {  	v1 =	vadd.s32 s5, v40;
	v2 =	vld.idx.msk [tilespmem:v2+s12+$0x0], $0xffff;
	[tilespmem:s23+$0x870] =	vst v3  }
0x351: {  	v3 =	vadd.s32 s3, v33;
	[tilespmem:s7+$0x460] =	vst v4;
	v4 =	vld.idx.msk [tilespmem:v7+s12+$0x0], $0xffff  }
0x352: {  	s19 =	sand.u32 $0x7, s21;
	[tilespmem:s28+$0x50] =	vst v5;
	v5 =	vld.idx.msk [tilespmem:v8+s12+$0x0], $0xffff;
	v7 =	vadd.s32 s4, v32  }
0x353: {  	s9 =	sshll.u32 s19, $0x7;
	v8 =	vadd.s32 s24, v18;
	[tilespmem:s26+$0x50] =	vst v9;
	v6 =	vld.idx.msk [tilespmem:v6+s12+$0x0], $0xffff  }
0x354: {  	s11 =	sadd.s32 $0x80, s9;
	v9 =	vld.idx.msk [tilespmem:v10+s12+$0x0], $0xffff;
	[tilespmem:s6+$0x460] =	vst v0;
	v0 =	vadd.s32 s25, v21  }
0x355: {  	s20 =	sor.u32 $0xC00, s11;
	v10 =	vadd.s32 s8, v21;
	v1 =	vld.idx.msk [tilespmem:v1+s12+$0x0], $0xffff;
	[tilespmem:s2+$0x870] =	vst v2  }
0x356: {  	v2 =	vadd.s32 s5, v18;
	v3 =	vld.idx.msk [tilespmem:v3+s12+$0x0], $0xffff;
	[tilespmem:s20+$0xF400] =	vst v4  }
0x357: {  	s1 =	sand.u32 $0x3, s21;
	v4 =	vadd.s32 s3, v32;
	[tilespmem:s7+$0x470] =	vst v5;
	v5 =	vld.idx.msk [tilespmem:v7+s12+$0x0], $0xffff  }
0x358: {  	s1 =	sshll.u32 s1, $0x8;
	[tilespmem:s28+$0x60] =	vst v6;
	v6 =	vld.idx.msk [tilespmem:v8+s12+$0x0], $0xffff  }
0x359: {  	s10 =	sadd.s32 $0x0, s1;
	v7 =	vadd.s32 s4, v31;
	[tilespmem:s26+$0x60] =	vst v9;
	v0 =	vld.idx.msk [tilespmem:v0+s12+$0x0], $0xffff  }
0x35a: {  	s1 =	sor.u32 $0xC00, s10;
	v8 =	vadd.s32 s24, v39;
	v9 =	vld.idx.msk [tilespmem:v10+s12+$0x0], $0xffff;
	[tilespmem:s6+$0x470] =	vst v1  }
0x35b: {  	s21 =	sor.u32 $0xC10, s11;
	v1 =	vadd.s32 s25, v45;
	v2 =	vld.idx.msk [tilespmem:v2+s12+$0x0], $0xffff;
	[tilespmem:s1+$0xF400] =	vst v3  }
0x35c: {  	v10 =	vadd.s32 s8, v45;
	v4 =	vld.idx.msk [tilespmem:v4+s12+$0x0], $0xffff;
	[tilespmem:s21+$0xF400] =	vst v5  }
0x35d: {  	v3 =	vadd.s32 s5, v39;
	[tilespmem:s7+$0x800] =	vst v6  }
0x35e: {  	v5 =	vadd.s32 s3, v31;
	v6 =	vld.idx.msk [tilespmem:v7+s12+$0x0], $0xffff;
	[tilespmem:s28+$0x70] =	vst v0  }
0x35f: {  	v0 =	vld.idx.msk [tilespmem:v8+s12+$0x0], $0xffff;
	v7 =	vadd.s32 s4, v30;
	[tilespmem:s26+$0x70] =	vst v9  }
0x360: {  	s22 =	rddreg [dreg:$0x4];
	s23 =	sor.u32 $0xC10, s10;
	v1 =	vld.idx.msk [tilespmem:v1+s12+$0x0], $0xffff;
	[tilespmem:s6+$0x800] =	vst v2  }
0x361: {  	s9 =	sadd.s32 $0x300, s22;
	v8 =	vadd.s32 s24, v38;
	v9 =	vld.idx.msk [tilespmem:v10+s12+$0x0], $0xffff;
	[tilespmem:s23+$0xF400] =	vst v4  }
0x362: {  	s29 =	sadd.s32 $0x80, s9;
	s2 =	sor.u32 $0xC20, s11;
	v2 =	vadd.s32 s25, v44;
	v3 =	vld.idx.msk [tilespmem:v3+s12+$0x0], $0xffff;
	[tilespmem:$0x1F910] =	vst v11  }
0x363: {  	v4 =	vadd.s32 s29, v11;
	v5 =	vld.idx.msk [tilespmem:v5+s12+$0x0], $0xffff;
	[tilespmem:s2+$0xF400] =	vst v6  }
0x364: {  	v10 =	vadd.s32 s9, v11;
	[tilespmem:s7+$0x810] =	vst v0;
	v0 =	vld.idx.msk [tilespmem:v7+s12+$0x0], $0xffff  }
0x365: {  	v6 =	vadd.s32 s8, v44;
	[tilespmem:s28+$0x400] =	vst v1  }
0x366: {  	v7 =	vadd.s32 s5, v38;
	v1 =	vld.idx.msk [tilespmem:v8+s12+$0x0], $0xffff;
	[tilespmem:s26+$0x400] =	vst v9  }
0x367: {  	s13 =	sor.u32 $0xC20, s10;
	v8 =	vadd.s32 s4, v29;
	v2 =	vld.idx.msk [tilespmem:v2+s12+$0x0], $0xffff;
	[tilespmem:s6+$0x810] =	vst v3  }
0x368: {  	s14 =	sor.u32 $0xC30, s11;
	v4 =	vld.idx.msk [tilespmem:v4+s12+$0x0], $0xffff;
	[tilespmem:s13+$0xF400] =	vst v5  }
0x369: {  	s20 =	simm.s32 $0xC00;
	v9 =	vld.idx.msk [tilespmem:v10+s12+$0x0], $0xffff;
	v3 =	vadd.s32 s24, v22;
	[tilespmem:s14+$0xF400] =	vst v0  }
0x36a: {  	s16 =	simm.s32 $0x380;
	s15 =	sand.u32 $0x7000, s20;
	v10 =	vadd.s32 s25, v24;
	v6 =	vld.idx.msk [tilespmem:v6+s12+$0x0], $0xffff;
	[tilespmem:$0x1F920] =	vst v12  }
0x36b: {  	s17 =	sand.u32 $0x380, s16;
	s2 =	simm.s32 $0x300;
	v5 =	vadd.s32 s29, v12;
	s13 =	sadd.s32 $0xF400, s15;
	v7 =	vld.idx.msk [tilespmem:v7+s12+$0x0], $0xffff;
	[tilespmem:s7+$0x820] =	vst v1  }
0x36c: {  	s18 =	sand.u32 $0x300, s2;
	v0 =	vadd.s32 s9, v12;
	s1 =	sor.u32 s17, s13;
	v8 =	vld.idx.msk [tilespmem:v8+s12+$0x0], $0xffff;
	[tilespmem:s28+$0x410] =	vst v2  }
0x36d: {  	s31 =	sor.u32 s18, s13;
	v1 =	vadd.s32 s8, v24;
	[tilespmem:s1+$0x0] =	vst v4  }
0x36e: {  	v2 =	vadd.s32 s5, v22;
	[tilespmem:s31+$0x0] =	vst v9;
	v3 =	vld.idx.msk [tilespmem:v3+s12+$0x0], $0xffff  }
0x36f: {  	v4 =	vld.idx.msk [tilespmem:v10+s12+$0x0], $0xffff;
	v10 =	vadd.s32 s4, v28;
	[tilespmem:s26+$0x410] =	vst v6  }
0x370: {  	s19 =	sor.u32 $0xC40, s11;
	v5 =	vld.idx.msk [tilespmem:v5+s12+$0x0], $0xffff;
	[tilespmem:s6+$0x820] =	vst v7  }
0x371: {  	v9 =	vadd.s32 s24, v37;
	v0 =	vld.idx.msk [tilespmem:v0+s12+$0x0], $0xffff;
	[tilespmem:s19+$0xF400] =	vst v8  }
0x372: {  	v6 =	vadd.s32 s25, v43;
	v1 =	vld.idx.msk [tilespmem:v1+s12+$0x0], $0xffff;
	[tilespmem:$0x1F930] =	vst v13  }
0x373: {  	v7 =	vadd.s32 s29, v13;
	v2 =	vld.idx.msk [tilespmem:v2+s12+$0x0], $0xffff;
	[tilespmem:s7+$0x830] =	vst v3  }
0x374: {  	v8 =	vadd.s32 s9, v13;
	v10 =	vld.idx.msk [tilespmem:v10+s12+$0x0], $0xffff;
	[tilespmem:s28+$0x420] =	vst v4  }
0x375: {  	v3 =	vadd.s32 s8, v43;
	[tilespmem:s1+$0x10] =	vst v5  }
0x376: {  	v4 =	vadd.s32 s5, v37;
	v9 =	vld.idx.msk [tilespmem:v9+s12+$0x0], $0xffff;
	[tilespmem:s31+$0x10] =	vst v0  }
0x377: {  	v5 =	vld.idx.msk [tilespmem:v6+s12+$0x0], $0xffff;
	v6 =	vadd.s32 s4, v27;
	[tilespmem:s26+$0x420] =	vst v1  }
0x378: {  	s21 =	sor.u32 $0xC50, s11;
	v0 =	vld.idx.msk [tilespmem:v7+s12+$0x0], $0xffff;
	[tilespmem:s6+$0x830] =	vst v2  }
0x379: {  	v7 =	vadd.s32 s24, v36;
	v1 =	vld.idx.msk [tilespmem:v8+s12+$0x0], $0xffff;
	[tilespmem:s21+$0xF400] =	vst v10  }
0x37a: {  	v8 =	vadd.s32 s25, v42;
	v3 =	vld.idx.msk [tilespmem:v3+s12+$0x0], $0xffff;
	[tilespmem:$0x1F940] =	vst v14  }
0x37b: {  	v2 =	vadd.s32 s29, v14;
	v4 =	vld.idx.msk [tilespmem:v4+s12+$0x0], $0xffff;
	[tilespmem:s7+$0x840] =	vst v9  }
0x37c: {  	v10 =	vadd.s32 s9, v14;
	v6 =	vld.idx.msk [tilespmem:v6+s12+$0x0], $0xffff;
	[tilespmem:s28+$0x430] =	vst v5  }
0x37d: {  	v9 =	vadd.s32 s8, v42;
	[tilespmem:s1+$0x20] =	vst v0  }
0x37e: {  	v5 =	vadd.s32 s5, v36;
	v7 =	vld.idx.msk [tilespmem:v7+s12+$0x0], $0xffff;
	[tilespmem:s31+$0x20] =	vst v1  }
0x37f: {  	v0 =	vld.idx.msk [tilespmem:v8+s12+$0x0], $0xffff;
	v8 =	vadd.s32 s4, v26;
	[tilespmem:s26+$0x430] =	vst v3  }
0x380: {  	s22 =	sor.u32 $0xC60, s11;
	v1 =	vld.idx.msk [tilespmem:v2+s12+$0x0], $0xffff;
	v2 =	vadd.s32 s24, v35;
	[tilespmem:s6+$0x840] =	vst v4  }
0x381: {  	v3 =	vld.idx.msk [tilespmem:v10+s12+$0x0], $0xffff;
	[tilespmem:s22+$0xF400] =	vst v6  }
0x382: {  	v10 =	vadd.s32 s25, v25;
	v9 =	vld.idx.msk [tilespmem:v9+s12+$0x0], $0xffff;
	[tilespmem:$0x1F950] =	vst v15  }
0x383: {  	v4 =	vadd.s32 s29, v15;
	v5 =	vld.idx.msk [tilespmem:v5+s12+$0x0], $0xffff;
	[tilespmem:s7+$0x850] =	vst v7  }
0x384: {  	v6 =	vadd.s32 s9, v15;
	v8 =	vld.idx.msk [tilespmem:v8+s12+$0x0], $0xffff;
	[tilespmem:s28+$0x440] =	vst v0  }
0x385: {  	v0 =	vadd.s32 s8, v25;
	v2 =	vld.idx.msk [tilespmem:v2+s12+$0x0], $0xffff;
	[tilespmem:s1+$0x30] =	vst v1  }
0x386: {  	v7 =	vadd.s32 s5, v35;
	[tilespmem:s31+$0x30] =	vst v3  }
0x387: {  	v1 =	vadd.s32 s3, v30;
	v10 =	vld.idx.msk [tilespmem:v10+s12+$0x0], $0xffff;
	[tilespmem:s26+$0x440] =	vst v9  }
0x388: {  	s23 =	sor.u32 $0xC70, s11;
	v3 =	vld.idx.msk [tilespmem:v4+s12+$0x0], $0xffff;
	v4 =	vadd.s32 s24, v34;
	[tilespmem:s6+$0x850] =	vst v5  }
0x389: {  	v6 =	vld.idx.msk [tilespmem:v6+s12+$0x0], $0xffff;
	[tilespmem:s23+$0xF400] =	vst v8  }
0x38a: {  	v9 =	vadd.s32 s25, v41;
	v0 =	vld.idx.msk [tilespmem:v0+s12+$0x0], $0xffff;
	[tilespmem:s7+$0x860] =	vst v2  }
0x38b: {  	v5 =	vadd.s32 s29, v16;
	v7 =	vld.idx.msk [tilespmem:v7+s12+$0x0], $0xffff;
	[tilespmem:$0x1F960] =	vst v16  }
0x38c: {  	v2 =	vadd.s32 s9, v16;
	v1 =	vld.idx.msk [tilespmem:v1+s12+$0x0], $0xffff;
	[tilespmem:s28+$0x450] =	vst v10  }
0x38d: {  	v11 =	vadd.s32 s8, v41;
	v4 =	vld.idx.msk [tilespmem:v4+s12+$0x0], $0xffff;
	[tilespmem:s1+$0x40] =	vst v3  }
0x38e: {  	v8 =	vadd.s32 s5, v34;
	[tilespmem:s31+$0x40] =	vst v6  }
0x38f: {  	v9 =	vld.idx.msk [tilespmem:v9+s12+$0x0], $0xffff;
	[tilespmem:s26+$0x450] =	vst v0  }
0x390: {  	s4 =	sor.u32 $0xC30, s10;
	v5 =	vld.idx.msk [tilespmem:v5+s12+$0x0], $0xffff;
	[tilespmem:s6+$0x860] =	vst v7  }
0x391: {  	v10 =	vadd.s32 s3, v29;
	v2 =	vld.idx.msk [tilespmem:v2+s12+$0x0], $0xffff;
	[tilespmem:s4+$0xF400] =	vst v1  }
0x392: {  	v11 =	vld.idx.msk [tilespmem:v11+s12+$0x0], $0xffff;
	[tilespmem:s7+$0x870] =	vst v4;
	v4 =	vadd.s32 s8, v39  }
0x393: {  	v0 =	vld.idx.msk [tilespmem:v8+s12+$0x0], $0xffff;
	[tilespmem:$0x1F970] =	vst v4;
	v4 =	vadd.s32 s8, v38  }
0x394: {  	[tilespmem:$0x1F980] =	vst v4  }
0x395: {  	s14 =	sld [smem:$0x7F7];
	[tilespmem:s28+$0x460] =	vst v9;
	v9 =	vadd.s32 s8, v22  }
0x396: {  	v52 =	vadd.s32 s3, v26;
	v54 =	vadd.s32 s5, v31;
	v55 =	vadd.s32 s5, v30;
	v10 =	vld.idx.msk [tilespmem:v10+s12+$0x0], $0xffff;
	[tilespmem:$0x1F990] =	vst v9  }
0x397: {  	v49 =	vadd.s32 s5, v29;
	s11 =	simm.s32 $0x1;
	v7 =	vadd.s32 s24, v33;
	v9 =	vadd.s32 s8, v37;
	[tilespmem:$0x1F9B0] =	vst v17  }
0x398: {  	v48 =	vadd.s32 s5, v28;
	v47 =	vadd.s32 s5, v27;
	s13 =	sand.u32 $0x3, s11;
	v6 =	vadd.s32 s5, v33;
	[tilespmem:$0x1F9A0] =	vst v9  }
0x399: {  	s16 =	sor.u32 $0xC70, s10;
	v14 =	vadd.s32 s3, v27;
	v3 =	vadd.s32 s3, v28;
	s3 =	sshll.u32 s13, $0x8;
	v8 =	vadd.s32 s25, v40;
	[tilespmem:s1+$0x50] =	vst v5  }
0x39a: {  	v46 =	vadd.s32 s5, v26;
	v15 =	vadd.s32 s5, v32;
	s5 =	sadd.s32 $0x400, s3;
	v4 =	vadd.s32 s29, v17;
	[dreg:$0xf] =	wrdreg s16  }
0x39b: {  	s17 =	sor.u32 $0xC10, s5;
	v9 =	vadd.s32 s9, v17;
	[tilespmem:s6+$0x870] =	vst v0  }
0x39c: {  	s11 =	sadd.s32 s14, s0;
	s14 =	simm.s32 $0x2;
	v5 =	vld.idx.msk [tilespmem:v7+s12+$0x0], $0xffff;
	[dreg:$0xc] =	wrdreg s17  }
0x39d: {  	v1 =	vadd.s32 s8, v40;
	s18 =	sand.u32 $0x7, s14;
	[tilespmem:s31+$0x50] =	vst v2;
	v0 =	vld.idx.msk [tilespmem:v6+s12+$0x0], $0xffff  }
0x39e: {  	s15 =	sor.u32 $0xC40, s10;
	s3 =	sshll.u32 s18, $0x7;
	v2 =	vld.idx.msk [tilespmem:v8+s12+$0x0], $0xffff;
	[tilespmem:s26+$0x460] =	vst v11  }
0x39f: {  	s18 =	sadd.s32 $0x480, s3;
	[tilespmem:s15+$0xF400] =	vst v10;
	v12 =	vld.idx.msk [tilespmem:v4+s12+$0x0], $0xffff  }
0x3a0: {  	s13 =	sor.u32 $0xC00, s18;
	v19 =	vld.idx.msk [tilespmem:v9+s12+$0x0], $0xffff;
	[tilespmem:$0x1F9C0] =	vst v21  }
0x3a1: {  	[tilespmem:s13+$0xF400] =	vst v5  }
0x3a2: {  	v23 =	vld.idx.msk [tilespmem:v1+s12+$0x0], $0xffff;
	[tilespmem:$0x1F9D0] =	vst v44  }
0x3a3: {  	v1 =	vadd.s32 s9, v24;
	[tilespmem:$0x1F9E0] =	vst v24  }
0x3a4: {  	s7 =	sor.u32 $0xC00, s5;
	[tilespmem:$0x1F9F0] =	vst v1  }
0x3a5: {  	s19 =	simm.s32 $0x2;
	v6 =	vadd.s32 s24, v32;
	[tilespmem:s7+$0xF400] =	vst v0  }
0x3a6: {  	s23 =	sand.u32 $0x3, s19;
	v24 =	vld.idx.msk [tilespmem:v3+s12+$0x0], $0xffff;
	[tilespmem:$0x1FA00] =	vst v43  }
0x3a7: {  	v63 =	vadd.s32 s8, v36;
	v62 =	vadd.s32 s8, v35;
	s0 =	sshll.u32 s23, $0x8;
	[tilespmem:$0x1FA10] =	vst v42  }
0x3a8: {  	v61 =	vadd.s32 s8, v34;
	v60 =	vadd.s32 s8, v33;
	v59 =	vadd.s32 s8, v32;
	s19 =	sadd.s32 $0x800, s0;
	[tilespmem:$0x1FA20] =	vst v25  }
0x3a9: {  	v58 =	vadd.s32 s8, v31;
	v57 =	vadd.s32 s8, v30;
	v17 =	vadd.s32 s25, v18;
	s0 =	sor.u32 $0xC00, s19;
	[tilespmem:s28+$0x470] =	vst v2  }
0x3aa: {  	v56 =	vadd.s32 s8, v29;
	v53 =	vadd.s32 s8, v28;
	v5 =	vadd.s32 s9, v25;
	s7 =	sor.u32 $0xC10, s19;
	v25 =	vld.idx.msk [tilespmem:v6+s12+$0x0], $0xffff;
	[tilespmem:$0x1FA30] =	vst v41;
	[dreg:$0x17] =	wrdreg s0  }
0x3ab: {  	v51 =	vadd.s32 s8, v27;
	v50 =	vadd.s32 s8, v26;
	v16 =	vadd.s32 s8, v18;
	s8 =	sor.u32 $0xC20, s19;
	[tilespmem:$0x1FA40] =	vst v40;
	[dreg:$0x15] =	wrdreg s7  }
0x3ac: {  	[tilespmem:$0x1FA50] =	vst v18;
	[dreg:$0x12] =	wrdreg s8  }
0x3ad: {  	v0 =	vadd.s32 s9, v39;
	[tilespmem:s1+$0x60] =	vst v12  }
0x3ae: {  	s30 =	sor.u32 $0xC60, s10;
	v1 =	vadd.s32 s9, v18;
	v18 =	vld.idx.msk [tilespmem:v17+s12+$0x0], $0xffff;
	[tilespmem:$0x1FA60] =	vst v0  }
0x3af: {  	s21 =	sor.u32 $0xC20, s5;
	s22 =	sor.u32 $0xC30, s5;
	s3 =	simm.s32 $0x3;
	[tilespmem:$0x1FA70] =	vst v38  }
0x3b0: {  	v20 =	vadd.s32 s9, v21;
	s4 =	sor.u32 $0xC50, s10;
	s15 =	sand.u32 $0x3, s3;
	v21 =	vadd.s32 s29, v21;
	s13 =	sor.u32 $0xC30, s19;
	v0 =	vadd.s32 s9, v38;
	[tilespmem:$0x1FA90] =	vst v22  }
0x3b1: {  	s6 =	sshll.u32 s15, $0x8;
	s15 =	sor.u32 $0xC40, s19;
	[dreg:$0xb] =	wrdreg s13;
	[tilespmem:$0x1FA80] =	vst v0;
	v0 =	vadd.s32 s9, v22  }
0x3b2: {  	s10 =	sor.u32 $0xC50, s5;
	s23 =	sor.u32 $0xC70, s5;
	[dreg:$0x9] =	wrdreg s15;
	[tilespmem:$0x1FAA0] =	vst v0  }
0x3b3: {  	s16 =	sor.u32 $0xC60, s5;
	s17 =	sor.u32 $0xC40, s5;
	s5 =	sor.u32 $0xC70, s19;
	[tilespmem:s31+$0x60] =	vst v19  }
0x3b4: {  	[dreg:$0x6] =	wrdreg s5  }
0x3b5: {  	v0 =	vadd.s32 s9, v37;
	v22 =	vld.idx.msk [tilespmem:v21+s12+$0x0], $0xffff;
	[tilespmem:$0x1FAB0] =	vst v37  }
0x3b6: {  	[tilespmem:$0x1FAC0] =	vst v0  }
0x3b7: {  	[tilespmem:$0x1FAD0] =	vst v36  }
0x3b8: {  	[tilespmem:$0x1FAE0] =	vst v35  }
0x3b9: {  	[tilespmem:s26+$0x470] =	vst v23  }
0x3ba: {  	s6 =	sadd.s32 $0xC00, s6;
	v23 =	vld.idx.msk [tilespmem:v20+s12+$0x0], $0xffff;
	[tilespmem:$0x1FAF0] =	vst v34  }
0x3bb: {  	s7 =	sor.u32 $0xC50, s19;
	s13 =	sor.u32 $0xC60, s19;
	s19 =	sor.u32 $0xC00, s6;
	[tilespmem:$0x1FB00] =	vst v33  }
0x3bc: {  	[tilespmem:$0x1FB10] =	vst v32;
	[dreg:$0x1b] =	wrdreg s19  }
0x3bd: {  	[tilespmem:s4+$0xF400] =	vst v24  }
0x3be: {  	v20 =	vld.idx.msk [tilespmem:v16+s12+$0x0], $0xffff;
	[tilespmem:$0x1FB20] =	vst v30  }
0x3bf: {  	v7 =	vadd.s32 s9, v45;
	v10 =	vadd.s32 s9, v43;
	[tilespmem:$0x1FB30] =	vst v29  }
0x3c0: {  	v4 =	vadd.s32 s9, v41;
	v44 =	vadd.s32 s9, v44;
	v3 =	vadd.s32 s9, v40;
	s5 =	sor.u32 $0xC30, s6;
	[tilespmem:$0x1FB40] =	vst v28  }
0x3c1: {  	v43 =	vadd.s32 s9, v42;
	v42 =	vadd.s32 s9, v36;
	v2 =	vadd.s32 s9, v32;
	s19 =	sor.u32 $0xC40, s6;
	[dreg:$0x14] =	wrdreg s5;
	[tilespmem:$0x1FB50] =	vst v27  }
0x3c2: {  	v41 =	vadd.s32 s9, v35;
	v40 =	vadd.s32 s9, v30;
	s0 =	sor.u32 $0xC10, s18;
	v12 =	vadd.s32 s9, v27;
	[dreg:$0x10] =	wrdreg s19;
	[tilespmem:$0x1FB60] =	vst v26  }
0x3c3: {  	v36 =	vadd.s32 s9, v34;
	v35 =	vadd.s32 s9, v29;
	v33 =	vadd.s32 s9, v33;
	s4 =	sor.u32 $0xC60, s6;
	[tilespmem:s0+$0xF400] =	vst v25  }
0x3c4: {  	v34 =	vadd.s32 s9, v31;
	v32 =	vadd.s32 s9, v28;
	v29 =	vadd.s32 s9, v26;
	s9 =	sor.u32 $0xC70, s6;
	[dreg:$0x1a] =	wrdreg s4  }
0x3c5: {  	[dreg:$0x8] =	wrdreg s9  }
0x3c6: {  	v15 =	vld.idx.msk [tilespmem:v15+s12+$0x0], $0xffff  }
0x3c7: {  	s8 =	sor.u32 $0xC20, s6;
	s15 =	sor.u32 $0xC10, s6;
	v14 =	vld.idx.msk [tilespmem:v14+s12+$0x0], $0xffff;
	[tilespmem:$0x1FB70] =	vst v31  }
0x3c8: {  	s5 =	sor.u32 $0xC50, s6;
	s19 =	sshrl.u32 s11, $0x5;
	[tilespmem:$0x1FB80] =	vst v39;
	[smem:$0x7E7] =	sst s11  }
0x3c9: {  	v21 =	vadd.s32 s25, v39;
	v16 =	vadd.s32 s24, v31;
	v24 =	vadd.s32 s29, v45;
	s6 =	simm.s32 $0x6;
	s9 =	simm.s32 $0x480;
	[tilespmem:$0x1FB90] =	vst v45;
	[smem:$0x7E8] =	sst s19  }
.LBB2_5:
0x3ca: {  	[tilespmem:$0x1F840] =	vst v48;
	v48 =	vld [tilespmem:$0x1FB20]  }
0x3cb: {  	v39 =	vld [tilespmem:$0x1FA70]  }
0x3cc: {  	[tilespmem:$0x1F7C0] =	vst v56;
	v0 =	vld [tilespmem:$0x1F910]  }
0x3cd: {  	[tilespmem:$0x1F740] =	vst v42;
	v42 =	vld [tilespmem:$0x1F920]  }
0x3ce: {  	[tilespmem:$0x1F880] =	vst v1;
	v1 =	vld [tilespmem:$0x1F9D0]  }
0x3cf: {  	[tilespmem:$0x1F800] =	vst v3;
	v3 =	vld [tilespmem:$0x1F970]  }
0x3d0: {  	[tilespmem:$0x1F850] =	vst v53;
	v6 =	vld [tilespmem:$0x1FA60]  }
0x3d1: {  	[tilespmem:$0x1F780] =	vst v4;
	v4 =	vld [tilespmem:$0x1F940]  }
0x3d2: {  	[tilespmem:$0x1F820] =	vst v60;
	v8 =	vld [tilespmem:$0x1F960]  }
0x3d3: {  	[tilespmem:$0x1F8E0] =	vst v51;
	v13 =	vld [tilespmem:$0x1F9B0]  }
0x3d4: {  	[tilespmem:$0x1F8A0] =	vst v59;
	v51 =	vld [tilespmem:$0x1F9E0]  }
0x3d5: {  	[tilespmem:$0x1F8D0] =	vst v47;
	v47 =	vld [tilespmem:$0x1FB30]  }
0x3d6: {  	[tilespmem:$0x1F860] =	vst v32;
	v60 =	vld [tilespmem:$0x1FA50]  }
0x3d7: {  	v59 =	vld [tilespmem:$0x1FB80];
	[tilespmem:s28+$0x800] =	vst v18  }
0x3d8: {  	v17 =	vld.idx.msk [tilespmem:v16+s12+$0x0], $0xffff;
	[tilespmem:s1+$0x70] =	vst v22  }
0x3d9: {  	[tilespmem:$0x1F8B0] =	vst v2;
	v18 =	vld.idx.msk [tilespmem:v21+s12+$0x0], $0xffff  }
0x3da: {  	[smem:$0x7E5] =	sst s7;
	[tilespmem:$0x1F8F0] =	vst v12;
	v19 =	vld.idx.msk [tilespmem:v24+s12+$0x0], $0xffff;
	v21 =	vadd.s32 s24, v48  }
0x3db: {  	[tilespmem:s31+$0x70] =	vst v23;
	s11 =	rddreg [dreg:$0x15];
	v56 =	vld [tilespmem:$0x1FAE0];
	v23 =	vadd.s32 s25, v39  }
0x3dc: {  	s7 =	smov.u32 s11;
	s11 =	smov.u32 s15;
	s15 =	sor.u32 $0xC20, s18;
	v22 =	vld.idx.msk [tilespmem:v7+s12+$0x0], $0xffff;
	[tilespmem:s26+$0x800] =	vst v20  }
0x3dd: {  	s4 =	rddreg [dreg:$0x4];
	s2 =	sadd.s32 $0x100, s2;
	v53 =	vld [tilespmem:$0x1FB00];
	[tilespmem:s15+$0xF400] =	vst v17  }
0x3de: {  	s19 =	sadd.s32 s2, s4;
	[tilespmem:s28+$0x810] =	vst v18;
	v18 =	vmov v62;
	v62 =	vld [tilespmem:$0x1FA30]  }
0x3df: {  	[dreg:$0x1f] =	wrdreg s10;
	s10 =	sadd.s32 $0x80, s19;
	v7 =	vadd.s32 s19, v13;
	v21 =	vld.idx.msk [tilespmem:v21+s12+$0x0], $0xffff;
	[tilespmem:s1+$0x400] =	vst v19  }
0x3e0: {  	v26 =	vadd.s32 s19, v0;
	v12 =	vadd.s32 s10, v0;
	v0 =	vmov v46;
	[tilespmem:$0x1F7F0] =	vst v7;
	v19 =	vld.idx.msk [tilespmem:v23+s12+$0x0], $0xffff  }
0x3e1: {  	s0 =	rddreg [dreg:$0xc];
	[tilespmem:$0x1F7E0] =	vst v0;
	v23 =	vmov v61;
	v61 =	vld [tilespmem:$0x1FA40]  }
0x3e2: {  	v30 =	vld.idx.msk [tilespmem:v3+s12+$0x0], $0xffff;
	[tilespmem:s0+$0xF400] =	vst v15;
	v3 =	vmov v6  }
0x3e3: {  	v9 =	vmov v10;
	v10 =	vmov v50;
	v50 =	vld [tilespmem:$0x1FB50];
	[tilespmem:$0x1F970] =	vst v3  }
0x3e4: {  	v32 =	vld.idx.msk [tilespmem:v54+s12+$0x0], $0xffff;
	[tilespmem:s30+$0xF400] =	vst v14  }
0x3e5: {  	v2 =	vld.idx.msk [tilespmem:v52+s12+$0x0], $0xffff;
	[tilespmem:s31+$0x400] =	vst v22;
	v7 =	vadd.s32 s19, v62  }
0x3e6: {  	v0 =	vld [tilespmem:$0x1F9C0];
	[tilespmem:$0x1F790] =	vst v7;
	v7 =	vadd.s32 s19, v61  }
0x3e7: {  	v6 =	vld [tilespmem:$0x1F950];
	[tilespmem:$0x1F810] =	vst v7;
	v7 =	vadd.s32 s19, v60  }
0x3e8: {  	v15 =	vmov v58;
	v58 =	vld [tilespmem:$0x1FAB0];
	[tilespmem:$0x1F890] =	vst v7;
	v7 =	vadd.s32 s19, v59  }
0x3e9: {  	v3 =	vld [tilespmem:$0x1F930];
	[tilespmem:s26+$0x810] =	vst v30  }
0x3ea: {  	v38 =	vld.idx.msk [tilespmem:v26+s12+$0x0], $0xffff;
	[tilespmem:s21+$0xF400] =	vst v32  }
0x3eb: {  	v17 =	vadd.s32 s19, v1;
	s21 =	rddreg [dreg:$0xf];
	[tilespmem:$0x1FA60] =	vst v7;
	v7 =	vmov v43;
	v43 =	vld.idx.msk [tilespmem:v44+s12+$0x0], $0xffff  }
0x3ec: {  	[smem:$0x7E6] =	sst s5;
	[tilespmem:s21+$0xF400] =	vst v2;
	v2 =	vmov v17;
	v17 =	vld [tilespmem:$0x1F980]  }
0x3ed: {  	s3 =	sadd.s32 $0x1, s3;
	s20 =	sadd.s32 $0x400, s20;
	[dreg:$0xc] =	wrdreg s7;
	v28 =	vadd.s32 s29, v1;
	v1 =	vld [tilespmem:$0x1FA00]  }
0x3ee: {  	[tilespmem:$0x1F830] =	vst v33;
	s4 =	sand.u32 $0x300, s2;
	[dreg:$0x15] =	wrdreg s11;
	s5 =	smov.u32 s13;
	v14 =	vadd.s32 s19, v8;
	v52 =	vld [tilespmem:$0x1FB10]  }
0x3ef: {  	s13 =	rddreg [dreg:$0x1a];
	s11 =	sand.u32 $0x7000, s20;
	s0 =	smov.u32 s16;
	[tilespmem:$0x1F7B0] =	vst v15;
	v0 =	vadd.s32 s19, v0;
	v15 =	vmov v57;
	v57 =	vld [tilespmem:$0x1FAD0]  }
0x3f0: {  	v33 =	vadd.s32 s19, v42;
	s16 =	sand.u32 $0x3, s3;
	s15 =	smov.u32 s13;
	s13 =	rddreg [dreg:$0x12];
	[tilespmem:$0x1F870] =	vst v0;
	v0 =	vld [tilespmem:$0x1FB90]  }
0x3f1: {  	[smem:$0x7E3] =	sst s5;
	s5 =	sshll.u32 s16, $0x8;
	[tilespmem:$0x1F770] =	vst v14;
	s7 =	smov.u32 s13;
	v14 =	vmov v63;
	v63 =	vld [tilespmem:$0x1FA20]  }
0x3f2: {  	s13 =	smov.u32 s22;
	s22 =	sadd.s32 s5, s20;
	s5 =	sadd.s32 $0xF400, s11;
	v54 =	vld.idx.msk [tilespmem:v28+s12+$0x0], $0xffff  }
0x3f3: {  	s4 =	sor.u32 s4, s5;
	v30 =	vld [tilespmem:$0x1FA90]  }
0x3f4: {  	v45 =	vld.idx.msk [tilespmem:v17+s12+$0x0], $0xffff;
	[tilespmem:s4+$0x0] =	vst v38  }
0x3f5: {  	[tilespmem:$0x1F7D0] =	vst v35;
	v33 =	vld.idx.msk [tilespmem:v33+s12+$0x0], $0xffff  }
0x3f6: {  	v35 =	vadd.s32 s19, v1;
	[tilespmem:s31+$0x410] =	vst v43;
	v43 =	vadd.s32 s29, v1;
	v1 =	vld [tilespmem:$0x1F9F0]  }
0x3f7: {  	[tilespmem:$0x1F7A0] =	vst v36;
	v36 =	vld.idx.msk [tilespmem:v12+s12+$0x0], $0xffff  }
0x3f8: {  	v22 =	vadd.s32 s24, v47;
	v12 =	vmov v55;
	v55 =	vld [tilespmem:$0x1FAF0]  }
0x3f9: {  	[tilespmem:$0x1F750] =	vst v5;
	v5 =	vmovc v34;
	v34 =	vadd.s32 s19, v51;
	[smem:$0x7E2] =	sst s15;
	s15 =	smov.u32 s8;
	v28 =	vadd.s32 s19, v39;
	v39 =	vadd.s32 s29, v51;
	v51 =	vld [tilespmem:$0x1FB70]  }
0x3fa: {  	s16 =	sor.u32 $0xC30, s18;
	[dreg:$0x12] =	wrdreg s15;
	s15 =	sadd.s32 $0x80, s2;
	v20 =	vadd.s32 s19, v0;
	v0 =	vld [tilespmem:$0x1FA10]  }
0x3fb: {  	[tilespmem:s16+$0xF400] =	vst v21;
	v21 =	vld [tilespmem:$0x1FA80];
	v37 =	vadd.s32 s25, v30;
	s21 =	sand.u32 $0x380, s15  }
0x3fc: {  	s11 =	smov.u32 s17;
	[tilespmem:s28+$0x820] =	vst v19;
	s17 =	sor.u32 s21, s5;
	s5 =	sor.u32 $0xC60, s22;
	v17 =	vmov v28;
	v28 =	vadd.s32 s19, v47;
	v47 =	vld [tilespmem:$0x1FB40]  }
0x3fd: {  	[tilespmem:$0x1F760] =	vst v40;
	v46 =	vld.idx.msk [tilespmem:v22+s12+$0x0], $0xffff;
	[dreg:$0x1a] =	wrdreg s5;
	s5 =	smov.u32 s23  }
0x3fe: {  	v42 =	vadd.s32 s10, v42;
	v32 =	vadd.s32 s19, v48;
	[tilespmem:s1+$0x410] =	vst v54;
	[dreg:$0xf] =	wrdreg s5;
	v48 =	vld.idx.msk [tilespmem:v1+s12+$0x0], $0xffff;
	v1 =	vmov v34  }
0x3ff: {  	s5 =	rddreg [dreg:$0x6];
	[tilespmem:$0x1F9F0] =	vst v1;
	v1 =	vld [tilespmem:$0x1F990]  }
0x400: {  	v19 =	vadd.s32 s19, v50;
	v37 =	vld.idx.msk [tilespmem:v37+s12+$0x0], $0xffff;
	[tilespmem:s17+$0x0] =	vst v36;
	s30 =	smov.u32 s5;
	s5 =	rddreg [dreg:$0x8]  }
0x401: {  	[tilespmem:$0x1F900] =	vst v19;
	v21 =	vmov v21;
	v36 =	vld.idx.msk [tilespmem:v39+s12+$0x0], $0xffff;
	s23 =	smov.u32 s5;
	v39 =	vadd.s32 s24, v47  }
0x402: {  	v27 =	vadd.s32 s19, v4;
	v54 =	vmov v49;
	v49 =	vld [tilespmem:$0x1FB60];
	[tilespmem:$0x1F980] =	vst v21;
	[dreg:$0x6] =	wrdreg s23;
	s23 =	sor.u32 $0xC40, s18  }
0x403: {  	v16 =	vmovc v41;
	v24 =	vadd.s32 s19, v6;
	v41 =	vadd.s32 s19, v58;
	v31 =	vadd.s32 s19, v3;
	v38 =	vld.idx.msk [tilespmem:v42+s12+$0x0], $0xffff;
	[tilespmem:s23+$0xF400] =	vst v46  }
0x404: {  	v25 =	vadd.s32 s19, v63;
	v40 =	vadd.s32 s19, v30;
	v42 =	vadd.s32 s25, v58;
	[tilespmem:$0x1FA80] =	vst v17  }
0x405: {  	v30 =	vadd.s32 s19, v56;
	[tilespmem:s28+$0x830] =	vst v37;
	v22 =	vadd.s32 s19, v47;
	v47 =	vadd.s32 s10, v3;
	v3 =	vld [tilespmem:$0x1FAA0]  }
0x406: {  	v11 =	vmovc v29;
	s8 =	sor.u32 $0xC20, s22;
	s16 =	sor.u32 $0xC00, s22;
	v26 =	vadd.s32 s19, v55;
	v29 =	vadd.s32 s19, v0;
	v17 =	vadd.s32 s19, v52;
	[tilespmem:s26+$0x820] =	vst v45;
	v37 =	vld.idx.msk [tilespmem:v39+s12+$0x0], $0xffff  }
0x407: {  	[smem:$0x7E4] =	sst s16;
	s16 =	sor.u32 $0xC40, s22;
	v44 =	vadd.s32 s19, v57;
	v21 =	vadd.s32 s19, v53;
	s15 =	sor.u32 $0xC10, s22;
	v19 =	vadd.s32 s19, v49;
	[tilespmem:$0x1F8C0] =	vst v17;
	v34 =	vld.idx.msk [tilespmem:v1+s12+$0x0], $0xffff  }
0x408: {  	s21 =	sor.u32 $0xC30, s22;
	v17 =	vadd.s32 s19, v51;
	s19 =	sor.u32 $0xC50, s22;
	s22 =	sor.u32 $0xC70, s22;
	[tilespmem:s1+$0x420] =	vst v36;
	v1 =	vmovc v40;
	v40 =	vadd.s32 s25, v57;
	v57 =	vadd.s32 s29, v0;
	v0 =	vld [tilespmem:$0x1F9A0]  }
0x409: {  	s5 =	smov.u32 s22;
	v36 =	vld.idx.msk [tilespmem:v42+s12+$0x0], $0xffff;
	[tilespmem:s17+$0x10] =	vst v38  }
0x40a: {  	[dreg:$0x8] =	wrdreg s5;
	s5 =	sor.u32 $0xC50, s18;
	v39 =	vadd.s32 s24, v50;
	v38 =	vld.idx.msk [tilespmem:v43+s12+$0x0], $0xffff;
	[tilespmem:s4+$0x10] =	vst v33  }
0x40b: {  	v33 =	vld.idx.msk [tilespmem:v47+s12+$0x0], $0xffff;
	[tilespmem:s5+$0xF400] =	vst v37  }
0x40c: {  	[tilespmem:$0x1FAA0] =	vst v1;
	v31 =	vld.idx.msk [tilespmem:v31+s12+$0x0], $0xffff  }
0x40d: {  	[tilespmem:s31+$0x420] =	vst v48;
	v1 =	vld [tilespmem:$0x1FAC0]  }
0x40e: {  	[tilespmem:s28+$0x840] =	vst v36;
	v45 =	vld.idx.msk [tilespmem:v9+s12+$0x0], $0xffff  }
0x40f: {  	v47 =	vld.idx.msk [tilespmem:v39+s12+$0x0], $0xffff;
	[tilespmem:s26+$0x830] =	vst v34  }
0x410: {  	v48 =	vadd.s32 s10, v4;
	v34 =	vld.idx.msk [tilespmem:v0+s12+$0x0], $0xffff;
	v0 =	vmov v41  }
0x411: {  	[tilespmem:$0x1FAC0] =	vst v0;
	v0 =	vld [tilespmem:$0x1F740]  }
0x412: {  	[tilespmem:s1+$0x430] =	vst v38  }
0x413: {  	v36 =	vld.idx.msk [tilespmem:v40+s12+$0x0], $0xffff;
	[tilespmem:s17+$0x20] =	vst v33  }
0x414: {  	s23 =	smov.u32 s30;
	v33 =	vld.idx.msk [tilespmem:v57+s12+$0x0], $0xffff;
	v57 =	vadd.s32 s24, v49;
	s24 =	smov.u32 s25  }
0x415: {  	s30 =	smov.u32 s0;
	s0 =	sor.u32 $0xC60, s18;
	s25 =	smov.u32 s29;
	v38 =	vadd.s32 s24, v56;
	[tilespmem:s4+$0x20] =	vst v31;
	v31 =	vld.idx.msk [tilespmem:v48+s12+$0x0], $0xffff  }
0x416: {  	s29 =	smov.u32 s10;
	v48 =	vadd.s32 s25, v63;
	[tilespmem:s0+$0xF400] =	vst v47;
	v63 =	vmov v0;
	v0 =	vld [tilespmem:$0x1F750]  }
0x417: {  	v49 =	vadd.s32 s29, v6;
	v27 =	vld.idx.msk [tilespmem:v27+s12+$0x0], $0xffff;
	[tilespmem:s31+$0x430] =	vst v45  }
0x418: {  	v56 =	vld.idx.msk [tilespmem:v7+s12+$0x0], $0xffff;
	[tilespmem:s28+$0x850] =	vst v36  }
0x419: {  	v57 =	vld.idx.msk [tilespmem:v57+s12+$0x0], $0xffff;
	[tilespmem:s1+$0x440] =	vst v33  }
0x41a: {  	v33 =	vld.idx.msk [tilespmem:v38+s12+$0x0], $0xffff;
	[tilespmem:s26+$0x840] =	vst v34  }
0x41b: {  	v43 =	vmov v29;
	[tilespmem:s17+$0x30] =	vst v31;
	v29 =	vld.idx.msk [tilespmem:v14+s12+$0x0], $0xffff  }
0x41c: {  	[tilespmem:s4+$0x30] =	vst v27;
	v27 =	vld.idx.msk [tilespmem:v49+s12+$0x0], $0xffff  }
0x41d: {  	v24 =	vld.idx.msk [tilespmem:v24+s12+$0x0], $0xffff;
	[tilespmem:s31+$0x440] =	vst v56  }
0x41e: {  	v49 =	vld.idx.msk [tilespmem:v0+s12+$0x0], $0xffff  }
0x41f: {  	v0 =	vld [tilespmem:$0x1F760];
	_ =	sdelay $0x3  }
0x420: {  	s5 =	sor.u32 $0xC70, s18;
	v31 =	vld.idx.msk [tilespmem:v48+s12+$0x0], $0xffff  }
0x421: {  	[tilespmem:s5+$0xF400] =	vst v57;
	v57 =	vmov v0;
	v0 =	vld [tilespmem:$0x1F770];
	_ =	sdelay $0x4  }
0x422: {  	[tilespmem:s26+$0x850] =	vst v29  }
0x423: {  	v58 =	vmov v5;
	v5 =	vmov v25;
	v25 =	vld.idx.msk [tilespmem:v18+s12+$0x0], $0xffff  }
0x424: {  	v29 =	vld.idx.msk [tilespmem:v12+s12+$0x0], $0xffff;
	[tilespmem:s4+$0x40] =	vst v24  }
0x425: {  	v7 =	vmov v20;
	v20 =	vld.idx.msk [tilespmem:v0+s12+$0x0], $0xffff  }
0x426: {  	v0 =	vld [tilespmem:$0x1F780]  }
0x427: {  	v45 =	vadd.s32 s24, v55  }
0x428: {  	v47 =	vadd.s32 s25, v62;
	_ =	sdelay $0x1  }
0x429: {  	[tilespmem:s28+$0x860] =	vst v33  }
0x42a: {  	[tilespmem:s1+$0x450] =	vst v31  }
0x42b: {  	v41 =	vmov v30;
	v30 =	vld.idx.msk [tilespmem:v45+s12+$0x0], $0xffff;
	[tilespmem:s17+$0x40] =	vst v27  }
0x42c: {  	v27 =	vld.idx.msk [tilespmem:v47+s12+$0x0], $0xffff;
	[tilespmem:s31+$0x450] =	vst v49  }
0x42d: {  	v47 =	vld.idx.msk [tilespmem:v0+s12+$0x0], $0xffff  }
0x42e: {  	v0 =	vld [tilespmem:$0x1F790];
	_ =	sdelay $0x4  }
0x42f: {  	v4 =	vmov v0;
	v0 =	vld [tilespmem:$0x1F7A0];
	_ =	sdelay $0x4  }
0x430: {  	v40 =	vmov v32;
	v32 =	vadd.s32 s25, v61;
	v61 =	vmov v0;
	v0 =	vld [tilespmem:$0x1F7C0];
	_ =	sdelay $0x4  }
0x431: {  	v49 =	vmov v0;
	v0 =	vld [tilespmem:$0x1F7D0];
	_ =	sdelay $0x4  }
0x432: {  	v56 =	vmov v0;
	v0 =	vld [tilespmem:$0x1F7F0];
	_ =	sdelay $0x4  }
0x433: {  	[tilespmem:s26+$0x860] =	vst v25  }
0x434: {  	v23 =	vld.idx.msk [tilespmem:v23+s12+$0x0], $0xffff;
	[tilespmem:s13+$0xF400] =	vst v29  }
0x435: {  	v25 =	vld.idx.msk [tilespmem:v54+s12+$0x0], $0xffff;
	[tilespmem:s4+$0x50] =	vst v20  }
0x436: {  	v62 =	vmov v16;
	v16 =	vld.idx.msk [tilespmem:v0+s12+$0x0], $0xffff  }
0x437: {  	v0 =	vld [tilespmem:$0x1F9C0];
	_ =	sdelay $0x4  }
0x438: {  	v29 =	vadd.s32 s29, v0;
	v0 =	vld [tilespmem:$0x1F800];
	_ =	sdelay $0x1  }
0x439: {  	v48 =	vadd.s32 s29, v8;
	_ =	sdelay $0x4  }
0x43a: {  	v24 =	vld.idx.msk [tilespmem:v48+s12+$0x0], $0xffff;
	[tilespmem:s31+$0x460] =	vst v47  }
0x43b: {  	[tilespmem:s28+$0x870] =	vst v30;
	v30 =	vld.idx.msk [tilespmem:v0+s12+$0x0], $0xffff  }
0x43c: {  	v0 =	vld [tilespmem:$0x1F810];
	_ =	sdelay $0x1  }
0x43d: {  	v3 =	vmov v3;
	_ =	sdelay $0x2  }
0x43e: {  	[tilespmem:$0x1F990] =	vst v3;
	v3 =	vmov v0;
	v0 =	vld [tilespmem:$0x1F820];
	_ =	sdelay $0x1  }
0x43f: {  	v31 =	vadd.s32 s24, v53;
	_ =	sdelay $0x2  }
0x440: {  	s28 =	smov.u32 s1  }
0x441: {  	[tilespmem:s28+$0x460] =	vst v27  }
0x442: {  	v36 =	vmov v26;
	v26 =	vld.idx.msk [tilespmem:v31+s12+$0x0], $0xffff;
	[tilespmem:s26+$0x870] =	vst v23  }
0x443: {  	v31 =	vld.idx.msk [tilespmem:v0+s12+$0x0], $0xffff  }
0x444: {  	v0 =	vld [tilespmem:$0x1F830];
	_ =	sdelay $0x4  }
0x445: {  	v46 =	vmovc v10;
	v10 =	vmovc v35;
	v35 =	vmov v28;
	v28 =	vadd.s32 s25, v60;
	v60 =	vmov v0;
	v0 =	vld [tilespmem:$0x1F840];
	_ =	sdelay $0x6  }
0x446: {  	[tilespmem:s11+$0xF400] =	vst v25  }
0x447: {  	v25 =	vld.idx.msk [tilespmem:v0+s12+$0x0], $0xffff  }
0x448: {  	v0 =	vld [tilespmem:$0x1F850];
	_ =	sdelay $0x4  }
0x449: {  	v48 =	vmov v0;
	v0 =	vld [tilespmem:$0x1F860];
	_ =	sdelay $0x4  }
0x44a: {  	v53 =	vmov v0;
	v0 =	vld [tilespmem:$0x1F870];
	_ =	sdelay $0x4  }
0x44b: {  	s1 =	smov.u32 s17  }
0x44c: {  	[tilespmem:s1+$0x50] =	vst v24;
	s26 =	smov.u32 s31;
	s31 =	smov.u32 s4  }
0x44d: {  	s18 =	rddreg [dreg:$0xb];
	v24 =	vld.idx.msk [tilespmem:v32+s12+$0x0], $0xffff;
	[tilespmem:s31+$0x60] =	vst v16  }
0x44e: {  	s14 =	sadd.s32 $0x2, s14;
	s9 =	sadd.s32 $0x400, s9;
	s0 =	rddreg [dreg:$0x14];
	v45 =	vadd.s32 s29, v13;
	v23 =	vld.idx.msk [tilespmem:v0+s12+$0x0], $0xffff  }
0x44f: {  	s22 =	smov.u32 s18;
	s10 =	smov.u32 s0;
	s0 =	sand.u32 $0x7, s14;
	v0 =	vld [tilespmem:$0x1FB90]  }
0x450: {  	s18 =	smov.u32 s21;
	[dreg:$0xb] =	wrdreg s10;
	s10 =	sshll.u32 s0, $0x7  }
0x451: {  	[dreg:$0x14] =	wrdreg s18;
	s18 =	sadd.s32 s10, s9  }
0x452: {  	s4 =	sor.u32 $0xC00, s18  }
0x453: {  	v20 =	vld.idx.msk [tilespmem:v45+s12+$0x0], $0xffff;
	[tilespmem:s4+$0xF400] =	vst v26  }
0x454: {  	[tilespmem:s28+$0x470] =	vst v24;
	v24 =	vadd.s32 s29, v0;
	v0 =	vld [tilespmem:$0x1F880];
	_ =	sdelay $0x1  }
0x455: {  	v27 =	vadd.s32 s24, v52;
	_ =	sdelay $0x4  }
0x456: {  	v26 =	vld.idx.msk [tilespmem:v27+s12+$0x0], $0xffff;
	[tilespmem:s26+$0x470] =	vst v30  }
0x457: {  	[tilespmem:s1+$0x60] =	vst v20;
	v20 =	vld.idx.msk [tilespmem:v0+s12+$0x0], $0xffff  }
0x458: {  	v0 =	vld [tilespmem:$0x1F890];
	_ =	sdelay $0x1  }
0x459: {  	v1 =	vmov v1;
	_ =	sdelay $0x2  }
0x45a: {  	[tilespmem:$0x1F9A0] =	vst v1;
	v1 =	vmov v0;
	v0 =	vld [tilespmem:$0x1F8A0];
	_ =	sdelay $0x5  }
0x45b: {  	s4 =	rddreg [dreg:$0x17]  }
0x45c: {  	[tilespmem:s4+$0xF400] =	vst v31  }
0x45d: {  	v55 =	vmov v15;
	v15 =	vld.idx.msk [tilespmem:v0+s12+$0x0], $0xffff  }
0x45e: {  	v0 =	vld [tilespmem:$0x1F8B0];
	_ =	sdelay $0x4  }
0x45f: {  	v33 =	vmov v21;
	v21 =	vadd.s32 s25, v59;
	v59 =	vmov v0;
	v0 =	vld [tilespmem:$0x1F8C0];
	_ =	sdelay $0x4  }
0x460: {  	v42 =	vmov v44;
	v44 =	vmov v2;
	v2 =	vmov v0;
	v0 =	vld [tilespmem:$0x1F8D0];
	_ =	sdelay $0x2  }
0x461: {  	s21 =	smov.u32 s7;
	s7 =	rddreg [dreg:$0x10]  }
0x462: {  	s5 =	rddreg [dreg:$0x9]  }
0x463: {  	s17 =	smov.u32 s5;
	s5 =	rddreg [dreg:$0x1b]  }
0x464: {  	s10 =	smov.u32 s7;
	s7 =	smov.u32 s5;
	s5 =	rddreg [dreg:$0x1f]  }
0x465: {  	[tilespmem:s5+$0xF400] =	vst v25  }
0x466: {  	v14 =	vld.idx.msk [tilespmem:v0+s12+$0x0], $0xffff  }
0x467: {  	v0 =	vld [tilespmem:$0x1F8E0];
	_ =	sdelay $0x4  }
0x468: {  	v47 =	vmov v0;
	v0 =	vld [tilespmem:$0x1F8F0]  }
0x469: {  	[dreg:$0x9] =	wrdreg s10  }
0x46a: {  	s10 =	sld [smem:$0x7E4]  }
0x46b: {  	[dreg:$0x17] =	wrdreg s7  }
0x46c: {  	s6 =	sadd.s32 $0x2, s6;
	s7 =	sld [smem:$0x7E5];
	s11 =	smov.u32 s16  }
0x46d: {  	p0 =	slt.u32 s6, $0x3E;
	[dreg:$0x10] =	wrdreg s11;
	s11 =	smov.u32 s10;
	v16 =	vadd.s32 s24, v51;
	v51 =	vmov v0;
	v0 =	vld [tilespmem:$0x1F900]  }
.Ltmp1:
0x46e: {  	[dreg:$0x1b] =	wrdreg s11;
	(pc) =	sbr.rel @p0 .LBB2_5-.Ltmp1, $4  }
0x46f: {  	v52 =	vld [tilespmem:$0x1F7E0];
	s11 =	sld [smem:$0x7E6]  }
0x470: {  	s13 =	sld [smem:$0x7E2];
	v54 =	vld [tilespmem:$0x1F7B0]  }
0x471: {  	v18 =	vld.idx.msk [tilespmem:v28+s12+$0x0], $0xffff;
	s16 =	sld [smem:$0x7E3];
	s4 =	sor.u32 $0xC10, s18  }
0x472: {  	v50 =	vmovc v11;
	v34 =	vmovc v17;
	v32 =	vmov v22;
	v22 =	vld.idx.msk [tilespmem:v29+s12+$0x0], $0xffff;
	v29 =	vmov v19;
	s10 =	smov.u32 s7;
	s7 =	smov.u32 s11;
	[tilespmem:s4+$0xF400] =	vst v26;
	s5 =	smov.u32 s19;
	v12 =	vmov v0  }
0x473: {  	_ =	sdelay $0x2  }
0x474: {  	[tilespmem:s31+$0x70] =	vst v23  }
0x475: {  	[tilespmem:s1+$0x70] =	vst v22  }
0x476: {  	v0 =	vld [tilespmem:$0x1F9D0];
	_ =	sdelay $0x2  }
0x477: {  	v13 =	vld.idx.msk [tilespmem:v7+s12+$0x0], $0xffff  }
0x478: {  	v17 =	vld.idx.msk [tilespmem:v24+s12+$0x0], $0xffff  }
0x479: {  	v19 =	vadd.s32 s29, v0;
	_ =	sdelay $0x2  }
0x47a: {  	[tilespmem:s31+$0x400] =	vst v13  }
0x47b: {  	v11 =	vld.idx.msk [tilespmem:v44+s12+$0x0], $0xffff;
	[tilespmem:s1+$0x400] =	vst v17  }
0x47c: {  	v28 =	vld.idx.msk [tilespmem:v19+s12+$0x0], $0xffff;
	_ =	sdelay $0x2  }
0x47d: {  	v30 =	vld [tilespmem:$0x1F9E0]  }
0x47e: {  	[tilespmem:s31+$0x410] =	vst v11  }
0x47f: {  	[tilespmem:s1+$0x410] =	vst v28  }
0x480: {  	v44 =	vld [tilespmem:$0x1F9F0];
	_ =	sdelay $0x1  }
0x481: {  	v31 =	vadd.s32 s29, v30;
	_ =	sdelay $0x2  }
0x482: {  	v38 =	vld [tilespmem:$0x1FA00];
	_ =	sdelay $0x1  }
0x483: {  	v37 =	vld.idx.msk [tilespmem:v31+s12+$0x0], $0xffff  }
0x484: {  	v9 =	vld.idx.msk [tilespmem:v44+s12+$0x0], $0xffff;
	_ =	sdelay $0x1  }
0x485: {  	v39 =	vadd.s32 s29, v38;
	_ =	sdelay $0x1  }
0x486: {  	[tilespmem:s1+$0x420] =	vst v37  }
0x487: {  	[tilespmem:s31+$0x420] =	vst v9  }
0x488: {  	v11 =	vld [tilespmem:$0x1FA10]  }
0x489: {  	v45 =	vld.idx.msk [tilespmem:v39+s12+$0x0], $0xffff  }
0x48a: {  	v10 =	vld.idx.msk [tilespmem:v10+s12+$0x0], $0xffff;
	_ =	sdelay $0x2  }
0x48b: {  	v11 =	vadd.s32 s29, v11  }
0x48c: {  	[tilespmem:s1+$0x430] =	vst v45  }
0x48d: {  	[tilespmem:s31+$0x430] =	vst v10  }
0x48e: {  	v10 =	vld [tilespmem:$0x1FA20]  }
0x48f: {  	v8 =	vld.idx.msk [tilespmem:v43+s12+$0x0], $0xffff  }
0x490: {  	v9 =	vld.idx.msk [tilespmem:v11+s12+$0x0], $0xffff;
	_ =	sdelay $0x3  }
0x491: {  	v10 =	vadd.s32 s29, v10;
	[tilespmem:s31+$0x440] =	vst v8  }
0x492: {  	[tilespmem:s1+$0x440] =	vst v9  }
0x493: {  	v9 =	vld [tilespmem:$0x1FA30];
	_ =	sdelay $0x1  }
0x494: {  	v13 =	vld.idx.msk [tilespmem:v5+s12+$0x0], $0xffff  }
0x495: {  	v0 =	vld.idx.msk [tilespmem:v10+s12+$0x0], $0xffff;
	_ =	sdelay $0x1  }
0x496: {  	v9 =	vadd.s32 s29, v9;
	_ =	sdelay $0x1  }
0x497: {  	[tilespmem:s31+$0x450] =	vst v13  }
0x498: {  	v6 =	vld.idx.msk [tilespmem:v4+s12+$0x0], $0xffff;
	[tilespmem:s1+$0x450] =	vst v0  }
0x499: {  	v8 =	vld [tilespmem:$0x1FA40]  }
0x49a: {  	v17 =	vld.idx.msk [tilespmem:v9+s12+$0x0], $0xffff;
	_ =	sdelay $0x3  }
0x49b: {  	[tilespmem:s31+$0x460] =	vst v6  }
0x49c: {  	v8 =	vadd.s32 s29, v8;
	[tilespmem:s1+$0x460] =	vst v17  }
0x49d: {  	v7 =	vld [tilespmem:$0x1FA50];
	_ =	sdelay $0x3  }
0x49e: {  	v19 =	vld.idx.msk [tilespmem:v8+s12+$0x0], $0xffff  }
0x49f: {  	v7 =	vadd.s32 s29, v7  }
0x4a0: {  	v22 =	vld.idx.msk [tilespmem:v3+s12+$0x0], $0xffff;
	_ =	sdelay $0x2  }
0x4a1: {  	[tilespmem:s1+$0x470] =	vst v19  }
0x4a2: {  	v23 =	vld.idx.msk [tilespmem:v7+s12+$0x0], $0xffff  }
0x4a3: {  	[tilespmem:s31+$0x470] =	vst v22  }
0x4a4: {  	v24 =	vld.idx.msk [tilespmem:v1+s12+$0x0], $0xffff  }
0x4a5: {  	v6 =	vld [tilespmem:$0x1FB80];
	[tilespmem:s28+$0x800] =	vst v18  }
0x4a6: {  	[tilespmem:s26+$0x800] =	vst v20  }
0x4a7: {  	[tilespmem:s1+$0x800] =	vst v23  }
0x4a8: {  	v28 =	vld [tilespmem:$0x1F970];
	_ =	sdelay $0x1  }
0x4a9: {  	v6 =	vadd.s32 s29, v6;
	v26 =	vld [tilespmem:$0x1FA70];
	[tilespmem:s31+$0x800] =	vst v24  }
0x4aa: {  	v38 =	vld [tilespmem:$0x1FA60];
	_ =	sdelay $0x2  }
0x4ab: {  	v25 =	vld.idx.msk [tilespmem:v21+s12+$0x0], $0xffff  }
0x4ac: {  	v31 =	vld.idx.msk [tilespmem:v6+s12+$0x0], $0xffff  }
0x4ad: {  	v30 =	vld.idx.msk [tilespmem:v28+s12+$0x0], $0xffff;
	_ =	sdelay $0x2  }
0x4ae: {  	[tilespmem:s28+$0x810] =	vst v25;
	v39 =	vld.idx.msk [tilespmem:v38+s12+$0x0], $0xffff  }
0x4af: {  	[tilespmem:s1+$0x810] =	vst v31  }
0x4b0: {  	[tilespmem:s26+$0x810] =	vst v30  }
0x4b1: {  	v44 =	vld [tilespmem:$0x1F980]  }
0x4b2: {  	v27 =	vadd.s32 s25, v26  }
0x4b3: {  	v37 =	vadd.s32 s29, v26;
	v8 =	vld [tilespmem:$0x1FA90];
	[tilespmem:s31+$0x810] =	vst v39  }
0x4b4: {  	v13 =	vld [tilespmem:$0x1FA80];
	_ =	sdelay $0x2  }
0x4b5: {  	v5 =	vld.idx.msk [tilespmem:v27+s12+$0x0], $0xffff  }
0x4b6: {  	v6 =	vld.idx.msk [tilespmem:v37+s12+$0x0], $0xffff  }
0x4b7: {  	v45 =	vld.idx.msk [tilespmem:v44+s12+$0x0], $0xffff;
	_ =	sdelay $0x2  }
0x4b8: {  	[tilespmem:s28+$0x820] =	vst v5;
	v17 =	vld.idx.msk [tilespmem:v13+s12+$0x0], $0xffff  }
0x4b9: {  	[tilespmem:s1+$0x820] =	vst v6  }
0x4ba: {  	[tilespmem:s26+$0x820] =	vst v45  }
0x4bb: {  	v19 =	vld [tilespmem:$0x1F990]  }
0x4bc: {  	v43 =	vadd.s32 s25, v8  }
0x4bd: {  	v8 =	vadd.s32 s29, v8;
	v7 =	vld [tilespmem:$0x1FAB0];
	[tilespmem:s31+$0x820] =	vst v17  }
0x4be: {  	v22 =	vld [tilespmem:$0x1FAA0];
	_ =	sdelay $0x2  }
0x4bf: {  	v4 =	vld.idx.msk [tilespmem:v43+s12+$0x0], $0xffff  }
0x4c0: {  	v21 =	vld.idx.msk [tilespmem:v8+s12+$0x0], $0xffff  }
0x4c1: {  	v20 =	vld.idx.msk [tilespmem:v19+s12+$0x0], $0xffff;
	_ =	sdelay $0x2  }
0x4c2: {  	[tilespmem:s28+$0x830] =	vst v4;
	v23 =	vld.idx.msk [tilespmem:v22+s12+$0x0], $0xffff  }
0x4c3: {  	[tilespmem:s1+$0x830] =	vst v21  }
0x4c4: {  	[tilespmem:s26+$0x830] =	vst v20  }
0x4c5: {  	v25 =	vld [tilespmem:$0x1F9A0]  }
0x4c6: {  	v18 =	vadd.s32 s25, v7  }
0x4c7: {  	v7 =	vadd.s32 s29, v7;
	v6 =	vld [tilespmem:$0x1FAD0];
	[tilespmem:s31+$0x830] =	vst v23  }
0x4c8: {  	v28 =	vld [tilespmem:$0x1FAC0];
	_ =	sdelay $0x2  }
0x4c9: {  	v4 =	vld.idx.msk [tilespmem:v18+s12+$0x0], $0xffff  }
0x4ca: {  	v27 =	vld.idx.msk [tilespmem:v7+s12+$0x0], $0xffff;
	v24 =	vadd.s32 s25, v6  }
0x4cb: {  	v6 =	vadd.s32 s29, v6;
	v26 =	vld.idx.msk [tilespmem:v25+s12+$0x0], $0xffff;
	_ =	sdelay $0x2  }
0x4cc: {  	[tilespmem:s28+$0x840] =	vst v4;
	v0 =	vld.idx.msk [tilespmem:v28+s12+$0x0], $0xffff  }
0x4cd: {  	[tilespmem:s1+$0x840] =	vst v27;
	v3 =	vld.idx.msk [tilespmem:v24+s12+$0x0], $0xffff  }
0x4ce: {  	v37 =	vld.idx.msk [tilespmem:v6+s12+$0x0], $0xffff;
	[tilespmem:s26+$0x840] =	vst v26  }
0x4cf: {  	v5 =	vld [tilespmem:$0x1FAE0]  }
0x4d0: {  	v31 =	vld.idx.msk [tilespmem:v63+s12+$0x0], $0xffff;
	_ =	sdelay $0x1  }
0x4d1: {  	[tilespmem:s31+$0x840] =	vst v0  }
0x4d2: {  	[tilespmem:s28+$0x850] =	vst v3  }
0x4d3: {  	[tilespmem:s1+$0x850] =	vst v37  }
0x4d4: {  	v30 =	vadd.s32 s25, v5;
	[tilespmem:s26+$0x850] =	vst v31  }
0x4d5: {  	v5 =	vadd.s32 s29, v5;
	v39 =	vld [tilespmem:$0x1FAF0];
	_ =	sdelay $0x1  }
0x4d6: {  	v38 =	vld.idx.msk [tilespmem:v42+s12+$0x0], $0xffff  }
0x4d7: {  	v43 =	vld.idx.msk [tilespmem:v62+s12+$0x0], $0xffff  }
0x4d8: {  	v1 =	vld.idx.msk [tilespmem:v30+s12+$0x0], $0xffff  }
0x4d9: {  	v44 =	vld.idx.msk [tilespmem:v5+s12+$0x0], $0xffff;
	v42 =	vadd.s32 s25, v39;
	_ =	sdelay $0x1  }
0x4da: {  	[tilespmem:s31+$0x850] =	vst v38;
	v45 =	vadd.s32 s29, v39  }
0x4db: {  	v6 =	vld.idx.msk [tilespmem:v41+s12+$0x0], $0xffff;
	[tilespmem:s26+$0x860] =	vst v43  }
0x4dc: {  	v3 =	vld.idx.msk [tilespmem:v61+s12+$0x0], $0xffff;
	[tilespmem:s28+$0x860] =	vst v1  }
0x4dd: {  	[tilespmem:s1+$0x860] =	vst v44;
	v0 =	vld.idx.msk [tilespmem:v42+s12+$0x0], $0xffff  }
0x4de: {  	v62 =	vld [tilespmem:$0x1FB00]  }
0x4df: {  	v4 =	vld.idx.msk [tilespmem:v45+s12+$0x0], $0xffff;
	_ =	sdelay $0x1  }
0x4e0: {  	[tilespmem:s31+$0x860] =	vst v6  }
0x4e1: {  	[tilespmem:s26+$0x870] =	vst v3  }
0x4e2: {  	v63 =	vadd.s32 s25, v62;
	[tilespmem:s28+$0x870] =	vst v0  }
0x4e3: {  	v6 =	vld.idx.msk [tilespmem:v36+s12+$0x0], $0xffff;
	v9 =	vadd.s32 s29, v62;
	[tilespmem:s1+$0x870] =	vst v4  }
0x4e4: {  	v10 =	vld [tilespmem:$0x1FB10];
	_ =	sdelay $0x1  }
0x4e5: {  	s2 =	sadd.s32 $0x2, s14  }
0x4e6: {  	s11 =	sand.u32 $0x7, s2;
	s2 =	sadd.s32 $0x2, s2;
	v0 =	vld.idx.msk [tilespmem:v63+s12+$0x0], $0xffff  }
0x4e7: {  	s2 =	sand.u32 $0x7, s2;
	v4 =	vld.idx.msk [tilespmem:v9+s12+$0x0], $0xffff  }
0x4e8: {  	s3 =	sadd.s32 $0x400, s9;
	s2 =	sshll.u32 s2, $0x7;
	v3 =	vld.idx.msk [tilespmem:v60+s12+$0x0], $0xffff;
	s1 =	sshll.u32 s11, $0x7;
	[tilespmem:s31+$0x870] =	vst v6;
	v11 =	vadd.s32 s25, v10  }
0x4e9: {  	s1 =	sadd.s32 s1, s3;
	s3 =	sadd.s32 $0x400, s3;
	s0 =	rddreg [dreg:$0xc]  }
0x4ea: {  	s4 =	sor.u32 $0xC00, s1;
	s2 =	sadd.s32 s2, s3;
	[tilespmem:s0+$0xF400] =	vst v15  }
0x4eb: {  	v17 =	vld.idx.msk [tilespmem:v16+s12+$0x0], $0xffff;
	s3 =	sor.u32 $0xC00, s2;
	[tilespmem:s4+$0xF400] =	vst v0  }
0x4ec: {  	v6 =	vld.idx.msk [tilespmem:v33+s12+$0x0], $0xffff;
	s0 =	rddreg [dreg:$0x17];
	[tilespmem:s3+$0xF400] =	vst v4  }
0x4ed: {  	v13 =	vadd.s32 s29, v10;
	v1 =	vld.idx.msk [tilespmem:v11+s12+$0x0], $0xffff;
	[tilespmem:s0+$0xF400] =	vst v3  }
0x4ee: {  	v18 =	vld [tilespmem:$0x1FB70]  }
0x4ef: {  	s14 =	sor.u32 $0xC20, s18;
	s0 =	rddreg [dreg:$0x1b];
	[tilespmem:s30+$0xF400] =	vst v14  }
0x4f0: {  	[tilespmem:s14+$0xF400] =	vst v17  }
0x4f1: {  	s19 =	sor.u32 $0xC10, s1;
	v23 =	vld.idx.msk [tilespmem:v54+s12+$0x0], $0xffff;
	[tilespmem:s0+$0xF400] =	vst v6  }
0x4f2: {  	v5 =	vld.idx.msk [tilespmem:v13+s12+$0x0], $0xffff;
	[tilespmem:s19+$0xF400] =	vst v1  }
0x4f3: {  	v9 =	vld [tilespmem:$0x1FB20];
	v19 =	vadd.s32 s25, v18  }
0x4f4: {  	v20 =	vld.idx.msk [tilespmem:v59+s12+$0x0], $0xffff  }
0x4f5: {  	v22 =	vld.idx.msk [tilespmem:v2+s12+$0x0], $0xffff;
	v21 =	vadd.s32 s29, v18  }
0x4f6: {  	s20 =	sor.u32 $0xC10, s2  }
0x4f7: {  	v25 =	vld.idx.msk [tilespmem:v52+s12+$0x0], $0xffff;
	s0 =	rddreg [dreg:$0x15];
	[tilespmem:s20+$0xF400] =	vst v5  }
0x4f8: {  	[tilespmem:s21+$0xF400] =	vst v23;
	v24 =	vadd.s32 s24, v9;
	v3 =	vld.idx.msk [tilespmem:v19+s12+$0x0], $0xffff  }
0x4f9: {  	[tilespmem:s0+$0xF400] =	vst v20;
	v33 =	vld.idx.msk [tilespmem:v55+s12+$0x0], $0xffff  }
0x4fa: {  	[tilespmem:s15+$0xF400] =	vst v22;
	v26 =	vadd.s32 s25, v9;
	v6 =	vld.idx.msk [tilespmem:v21+s12+$0x0], $0xffff  }
0x4fb: {  	v30 =	vld.idx.msk [tilespmem:v34+s12+$0x0], $0xffff;
	s0 =	rddreg [dreg:$0xf]  }
0x4fc: {  	s26 =	sor.u32 $0xC20, s1;
	v27 =	vld.idx.msk [tilespmem:v58+s12+$0x0], $0xffff;
	[tilespmem:s0+$0xF400] =	vst v25  }
0x4fd: {  	v1 =	vld.idx.msk [tilespmem:v24+s12+$0x0], $0xffff;
	[tilespmem:s26+$0xF400] =	vst v3  }
0x4fe: {  	s28 =	sor.u32 $0xC20, s2;
	v8 =	vld [tilespmem:$0x1FB30]  }
0x4ff: {  	s0 =	rddreg [dreg:$0x12];
	v4 =	vld.idx.msk [tilespmem:v26+s12+$0x0], $0xffff;
	[tilespmem:s28+$0xF400] =	vst v6  }
0x500: {  	[tilespmem:s8+$0xF400] =	vst v30  }
0x501: {  	v28 =	vadd.s32 s29, v9;
	[tilespmem:s22+$0xF400] =	vst v33  }
0x502: {  	s30 =	sor.u32 $0xC30, s18;
	[tilespmem:s0+$0xF400] =	vst v27  }
0x503: {  	s31 =	sor.u32 $0xC30, s1;
	[tilespmem:s30+$0xF400] =	vst v1  }
0x504: {  	v36 =	vld.idx.msk [tilespmem:v57+s12+$0x0], $0xffff;
	v31 =	vadd.s32 s24, v8;
	[tilespmem:s31+$0xF400] =	vst v4  }
0x505: {  	v34 =	vadd.s32 s25, v8;
	v38 =	vld [tilespmem:$0x1FB40]  }
0x506: {  	v0 =	vld.idx.msk [tilespmem:v28+s12+$0x0], $0xffff  }
0x507: {  	v7 =	vld.idx.msk [tilespmem:v49+s12+$0x0], $0xffff;
	v37 =	vadd.s32 s29, v8  }
0x508: {  	v2 =	vld.idx.msk [tilespmem:v40+s12+$0x0], $0xffff  }
0x509: {  	s0 =	rddreg [dreg:$0xb];
	v3 =	vld.idx.msk [tilespmem:v31+s12+$0x0], $0xffff  }
0x50a: {  	s3 =	sor.u32 $0xC30, s2;
	[tilespmem:s0+$0xF400] =	vst v36;
	v5 =	vld.idx.msk [tilespmem:v34+s12+$0x0], $0xffff;
	v39 =	vadd.s32 s24, v38  }
0x50b: {  	[tilespmem:s3+$0xF400] =	vst v0;
	v6 =	vld.idx.msk [tilespmem:v56+s12+$0x0], $0xffff  }
0x50c: {  	s0 =	rddreg [dreg:$0x14];
	[tilespmem:s17+$0xF400] =	vst v7;
	v1 =	vld.idx.msk [tilespmem:v37+s12+$0x0], $0xffff  }
0x50d: {  	s4 =	sor.u32 $0xC40, s18;
	[tilespmem:s0+$0xF400] =	vst v2;
	v7 =	vld.idx.msk [tilespmem:v48+s12+$0x0], $0xffff  }
0x50e: {  	s6 =	sor.u32 $0xC40, s1;
	v42 =	vld.idx.msk [tilespmem:v35+s12+$0x0], $0xffff;
	[tilespmem:s4+$0xF400] =	vst v3  }
0x50f: {  	v40 =	vadd.s32 s25, v38;
	[tilespmem:s6+$0xF400] =	vst v5;
	v4 =	vld.idx.msk [tilespmem:v39+s12+$0x0], $0xffff  }
0x510: {  	s8 =	sor.u32 $0xC40, s2;
	v43 =	vld [tilespmem:$0x1FB50]  }
0x511: {  	s0 =	rddreg [dreg:$0x9];
	[tilespmem:s8+$0xF400] =	vst v1  }
0x512: {  	v41 =	vadd.s32 s29, v38;
	[tilespmem:s0+$0xF400] =	vst v6  }
0x513: {  	s0 =	rddreg [dreg:$0x10];
	[tilespmem:s10+$0xF400] =	vst v7  }
0x514: {  	s9 =	sor.u32 $0xC50, s18;
	v0 =	vld.idx.msk [tilespmem:v40+s12+$0x0], $0xffff;
	[tilespmem:s0+$0xF400] =	vst v42  }
0x515: {  	v6 =	vld.idx.msk [tilespmem:v53+s12+$0x0], $0xffff;
	v44 =	vadd.s32 s24, v43;
	[tilespmem:s9+$0xF400] =	vst v4  }
0x516: {  	v45 =	vadd.s32 s25, v43;
	v52 =	vld [tilespmem:$0x1FB60]  }
0x517: {  	v2 =	vld.idx.msk [tilespmem:v41+s12+$0x0], $0xffff  }
0x518: {  	v54 =	vld.idx.msk [tilespmem:v47+s12+$0x0], $0xffff;
	v48 =	vadd.s32 s29, v43  }
0x519: {  	s11 =	sor.u32 $0xC50, s1;
	v49 =	vld.idx.msk [tilespmem:v32+s12+$0x0], $0xffff  }
0x51a: {  	[tilespmem:s11+$0xF400] =	vst v0;
	v5 =	vld.idx.msk [tilespmem:v44+s12+$0x0], $0xffff  }
0x51b: {  	s14 =	sor.u32 $0xC50, s2;
	[tilespmem:s7+$0xF400] =	vst v6;
	v1 =	vld.idx.msk [tilespmem:v45+s12+$0x0], $0xffff;
	v53 =	vadd.s32 s24, v52  }
0x51c: {  	[tilespmem:s14+$0xF400] =	vst v2;
	v56 =	vld.idx.msk [tilespmem:v51+s12+$0x0], $0xffff;
	v55 =	vadd.s32 s25, v52  }
0x51d: {  	[tilespmem:s16+$0xF400] =	vst v54;
	v3 =	vld.idx.msk [tilespmem:v48+s12+$0x0], $0xffff  }
0x51e: {  	s15 =	sor.u32 $0xC60, s18;
	[tilespmem:s5+$0xF400] =	vst v49;
	v60 =	vld.idx.msk [tilespmem:v46+s12+$0x0], $0xffff;
	v57 =	vadd.s32 s29, v52  }
0x51f: {  	s17 =	sor.u32 $0xC60, s1;
	v58 =	vld.idx.msk [tilespmem:v12+s12+$0x0], $0xffff;
	[tilespmem:s15+$0xF400] =	vst v5  }
0x520: {  	[tilespmem:s17+$0xF400] =	vst v1;
	v59 =	vld.idx.msk [tilespmem:v53+s12+$0x0], $0xffff  }
0x521: {  	s19 =	sor.u32 $0xC60, s2;
	[tilespmem:s13+$0xF400] =	vst v56;
	v61 =	vld.idx.msk [tilespmem:v55+s12+$0x0], $0xffff  }
0x522: {  	[tilespmem:s19+$0xF400] =	vst v3  }
0x523: {  	s0 =	rddreg [dreg:$0x1a];
	v4 =	vld.idx.msk [tilespmem:v57+s12+$0x0], $0xffff;
	[tilespmem:s23+$0xF400] =	vst v60  }
0x524: {  	s20 =	sor.u32 $0xC70, s18;
	v62 =	vld.idx.msk [tilespmem:v50+s12+$0x0], $0xffff;
	[tilespmem:s0+$0xF400] =	vst v58  }
0x525: {  	s21 =	sor.u32 $0xC70, s1;
	[tilespmem:s20+$0xF400] =	vst v59  }
0x526: {  	v63 =	vld.idx.msk [tilespmem:v29+s12+$0x0], $0xffff;
	[tilespmem:s21+$0xF400] =	vst v61  }
0x527: {  	s23 =	sor.u32 $0xC70, s2;
	s0 =	sld [smem:$0x7E7]  }
0x528: {  	s22 =	rddreg [dreg:$0x6];
	[tilespmem:s23+$0xF400] =	vst v4  }
0x529: {  	[tilespmem:s22+$0xF400] =	vst v62  }
0x52a: {  	s25 =	rddreg [dreg:$0x8]  }
0x52b: {  	s1 =	sld [smem:$0x7E8];
	[tilespmem:s25+$0xF400] =	vst v63  }
0x52c: {  	s15 =	sld [smem:$0x7F1];
	_ =	sdelay $0x2  }
0x52d: {  	s26 =	simm.s32 $0x1000;
	s15 =	sadd.s32 $0x1, s15  }
0x52e: {  	s24 =	rddreg [dreg:$0x1];
	s0 =	sshll.u32 s0, $0x9;
	p0 =	sne.s32 s15, $0xD  }
.Ltmp2:
0x52f: {  	s0 =	sand.u32 $0x3E00, s0;
	s30 =	sld [smem:$0x7F0];
	(pc) =	sbr.rel @p0 .LBB2_2-.Ltmp2, $4  }
0x530: {  	s31 =	sld [smem:$0x7EF];
	s1 =	sshll.u32 s1, $0x11;
	s0 =	sadd.s32 s24, s0  }
0x531: {  	s28 =	simm.s32 $0x20000;
	s29 =	simm.s32 $0xF400;
	s0 =	sadd.s32 s1, s0  }
0x532: {  	[hbm4b:s0+s26] =	stream.strided.scatter [tilespmem:s29], [sflag:$0x2], $0x8000, s28, s26, $0x38;
	[tilespmem:$0x17400] =	vst v63  }
0x533: {  	s1 =	sadd.s32 $0x2, s30;
	s0 =	sadd.s32 $0x2, s31  }
0x534: {  	s3 =	simm.s32 $0x1  }
0x535: {  	_ =	swait.ge [sflag:s3], $0x8000  }
0x536: {  	[sflag:s3] =	ssyncset.done $0x0  }
0x537: {  	s4 =	simm.s32 $0x2;
	[sflag:s3] =	ssyncadd.s32 $0xFFFF8000  }
0x538: {  	_ =	swait.ge [sflag:s4], $0x8000  }
0x539: {  	s1 =	sld [smem:$0x7F5]  }
0x53a: {  	s0 =	sld [smem:$0x7FA];
	_ =	sdelay $0x1  }
0x53b: {  	s1 =	sadd.s32 $0x1, s1  }
0x53c: {  	p0 =	sne.s32 s1, s0  }
.Ltmp3:
0x53d: {  	_ = 	snop;
	(pc) =	sbr.rel @p0 .LBB2_1-.Ltmp3, $3  }
0x53e: {  	_ =	sdelay $0x1  }
0x53f: {  	[sflag:s4] =	ssyncset.done $0x0  }
0x540: {  	[sflag:s4] =	ssyncadd.s32 $0xFFFF8000  }
0x541: {  	_ =	sfence.sel $0x180000  }
0x542: {  	[bflag:$0x0] =	sbarrier.arrive $0xFFFF  }
0x543: {  	_ =	strace $0x90000047  }
0x544: {  	s0 =	stileid.u32;
	[bflag:$0x2] =	sbarrier.arrive $0xFFFF  }
0x545: {  	p0 =	sne.s32 s0, $0x0;
	s0 =	rddreg [dreg:$0x2]  }
0x546: {  	s0 =	sadd.s32 @!p0 $0x100000, s0  }
0x547: {  	[sflag:s0] =	ssyncadd.tile.s32 @!p0 $0x1;
	_ =	shalt  }
.Lfunc_end2:
_tile_overlayer_lowered:
.L_overlay_start_2:
0x548: {  	(tag) =	ssettag $0x2  }
0x549: {  	s0 =	rddreg [dreg:$0x0];
	s2 =	stileid.u32  }
0x54a: {  	s1 =	rddreg [dreg:$0x1];
	p0 =	sne.s32 s2, $0x0  }
0x54b: {  	s3 =	rddreg [dreg:$0x2];
	[bflag:$0x3] =	sbarrier.arrive $0xFFFF;
	s2 =	simm.s32 @!p0 $0x1C03  }
0x54c: {  	[timem:s3], [sflag:s2] =	dma.local @!p0 [hbm:s0], s1  }
0x54d: {  	s0 =	simm.s32 @!p0 $0x3  }
0x54e: {  	_ =	swait.ge @!p0 [sflag:s0], s1  }
0x54f: {  	s1 =	ssub.s32 @!p0 $0x0, s1;
	[sflag:s0] =	ssyncset.done @!p0 $0x0  }
0x550: {  	[sflag:s0] =	ssyncadd.s32 @!p0 s1  }
0x551: {  	[bflag:$0x3] =	sbarrier.arrive $0xFFFF  }
0x552: {  	_ =	shalt  }

</sc_bundles>
